<compile_context>
chip_gen: v7x
topology: tpu7x:2x2x1
jax: 0.10.2.dev20260603
libtpu: 0.0.44.dev20260713+nightly
codegen_flags: <defaults>
</compile_context>

<pallas_src>
import functools

import jax
import jax.numpy as jnp
from jax import lax
from jax.experimental import pallas as pl
from jax.experimental.pallas import tpu as pltpu
from jax.experimental.pallas import tpu_sc as plsc

NN = 10000
EE = 160000
DIN = 256
HID = 256
DOUT = 128
QW = 64

NC, NS = 2, 16
CH = 640
EP = 163840
CH16 = EP // (NS * CH)
NP = 10240
RB = NP // NS
ZCH = 128
BR = 400
GRID = NN // BR

f32 = jnp.float32
i32 = jnp.int32

_MESH = plsc.VectorSubcoreMesh(core_axis_name="c", subcore_axis_name="s",
                               num_cores=NC, num_subcores=NS)


def _hist_body(hidx, ones_h, z16, out, idx_v, ones_v, z_v, acc_a, acc_b):
    cid = lax.axis_index("c")
    tid = lax.axis_index("s")
    pltpu.sync_copy(ones_h, ones_v)
    pltpu.sync_copy(z16, z_v)
    pltpu.sync_copy(z_v, acc_a.at[pl.ds(tid * RB, RB)])
    pltpu.sync_copy(z_v, acc_b.at[pl.ds(tid * RB, RB)])
    plsc.subcore_barrier()
    pltpu.sync_copy(hidx.at[(2 * cid) * NS + tid], idx_v)

    @pl.loop(0, CH16)
    def _(j):
        pltpu.sync_copy(ones_v, acc_a.at[idx_v.at[j]], add=True)

    pltpu.sync_copy(hidx.at[(2 * cid + 1) * NS + tid], idx_v)

    @pl.loop(0, CH16)
    def _(j):
        pltpu.sync_copy(ones_v, acc_b.at[idx_v.at[j]], add=True)

    plsc.subcore_barrier()
    pltpu.sync_copy(acc_a.at[pl.ds(tid * RB, RB)],
                    out.at[pl.ds((2 * cid) * NP + tid * RB, RB)])
    pltpu.sync_copy(acc_b.at[pl.ds(tid * RB, RB)],
                    out.at[pl.ds((2 * cid + 1) * NP + tid * RB, RB)])


_hist = pl.kernel(
    _hist_body,
    out_type=jax.ShapeDtypeStruct((4 * NP, 16), f32),
    mesh=_MESH,
    compiler_params=pltpu.CompilerParams(use_tc_tiling_on_sc=False),
    scratch_types=[
        pltpu.VMEM((CH16, CH), i32),
        pltpu.VMEM((CH, 16), f32),
        pltpu.VMEM((RB, 16), f32),
        pltpu.VMEM_SHARED((NP, 16), f32),
        pltpu.VMEM_SHARED((NP, 16), f32),
    ],
)


def _gs_body(npass, m_flat, isrc, idst, zz, out,
             isrc_v, idst_v, rows_v, z_v, acc):
    cid = lax.axis_index("c")
    tid = lax.axis_index("s")
    pltpu.sync_copy(idst.at[tid], idst_v)
    pltpu.sync_copy(zz, z_v)
    for k in range(npass):
        pltpu.sync_copy(isrc.at[(k * NC + cid) * NS + tid], isrc_v)
        for r in range(RB // ZCH):
            pltpu.sync_copy(z_v, acc.at[pl.ds(tid * RB + r * ZCH, ZCH)])
        plsc.subcore_barrier()

        @pl.loop(0, CH16)
        def _(j):
            pltpu.sync_copy(m_flat.at[isrc_v.at[j]], rows_v)
            pltpu.sync_copy(rows_v, acc.at[idst_v.at[j]], add=True)

        plsc.subcore_barrier()
        pltpu.sync_copy(acc.at[pl.ds(tid * RB, RB)],
                        out.at[pl.ds((k * NC + cid) * NP + tid * RB, RB)])
        if k + 1 < npass:
            plsc.subcore_barrier()


def _mk_gs(npass):
    return pl.kernel(
        functools.partial(_gs_body, npass),
        out_type=jax.ShapeDtypeStruct((npass * NC * NP, QW), f32),
        mesh=_MESH,
        compiler_params=pltpu.CompilerParams(use_tc_tiling_on_sc=False),
        scratch_types=[
            pltpu.VMEM((CH16, CH), i32),
            pltpu.VMEM((CH16, CH), i32),
            pltpu.VMEM((CH, QW), f32),
            pltpu.VMEM((ZCH, QW), f32),
            pltpu.VMEM_SHARED((NP, QW), f32),
        ],
    )


_gs2 = _mk_gs(2)
_gs1 = _mk_gs(1)


def _rs(ref):
    return lax.rsqrt(jnp.maximum(ref[0, :, 0:1], 1.0))


def _quarters(m, n):
    return jnp.stack([m[:, QW * q:QW * (q + 1)] for q in range(n)])


def _tc1_body(x_ref, d_ref, o_ref):
    m = x_ref[...] * _rs(d_ref)
    o_ref[...] = _quarters(m, 4)


def _tc2_body(a_ref, di_ref, do_ref, w_ref, b_ref, o_ref):
    si = _rs(di_ref)
    h = b_ref[...]
    for q in range(4):
        h = h + jnp.dot(a_ref[q] * si, w_ref[QW * q:QW * (q + 1)],
                        preferred_element_type=f32)
    m = jnp.maximum(h, 0.0) * _rs(do_ref)
    o_ref[...] = _quarters(m, 4)


def _tc3_body(a_ref, di_ref, do_ref, w2_ref, b2_ref, w3_ref, o_ref):
    si = _rs(di_ref)
    h = b2_ref[...]
    for q in range(4):
        h = h + jnp.dot(a_ref[q] * si, w2_ref[QW * q:QW * (q + 1)],
                        preferred_element_type=f32)
    h = jnp.maximum(h, 0.0) * _rs(do_ref)
    t = jnp.dot(h, w3_ref[...], preferred_element_type=f32)
    o_ref[...] = _quarters(t, 2)


def _tc4_body(p_ref, di_ref, b_ref, o_ref):
    si = _rs(di_ref)
    o_ref[...] = jnp.concatenate([p_ref[0], p_ref[1]], axis=1) * si + b_ref[...]


def _deg_spec(h):
    return pl.BlockSpec((1, BR, 16), lambda i, h=h: (h, i, 0))


_tc1 = pl.pallas_call(
    _tc1_body,
    grid=(GRID,),
    in_specs=[pl.BlockSpec((BR, DIN), lambda i: (i, 0)), _deg_spec(0)],
    out_specs=pl.BlockSpec((4, BR, QW), lambda i: (0, i, 0)),
    out_shape=jax.ShapeDtypeStruct((4, NN, QW), f32),
)

_tc2 = pl.pallas_call(
    _tc2_body,
    grid=(GRID,),
    in_specs=[
        pl.BlockSpec((4, BR, QW), lambda i: (0, i, 0)),
        _deg_spec(1),
        _deg_spec(2),
        pl.BlockSpec((HID, HID), lambda i: (0, 0)),
        pl.BlockSpec((1, HID), lambda i: (0, 0)),
    ],
    out_specs=pl.BlockSpec((4, BR, QW), lambda i: (0, i, 0)),
    out_shape=jax.ShapeDtypeStruct((4, NN, QW), f32),
)

_tc3 = pl.pallas_call(
    _tc3_body,
    grid=(GRID,),
    in_specs=[
        pl.BlockSpec((4, BR, QW), lambda i: (0, i, 0)),
        _deg_spec(3),
        _deg_spec(0),
        pl.BlockSpec((HID, HID), lambda i: (0, 0)),
        pl.BlockSpec((1, HID), lambda i: (0, 0)),
        pl.BlockSpec((HID, DOUT), lambda i: (0, 0)),
    ],
    out_specs=pl.BlockSpec((2, BR, QW), lambda i: (0, i, 0)),
    out_shape=jax.ShapeDtypeStruct((2, NN, QW), f32),
)

_tc4 = pl.pallas_call(
    _tc4_body,
    grid=(GRID,),
    in_specs=[
        pl.BlockSpec((2, BR, QW), lambda i: (0, i, 0)),
        _deg_spec(1),
        pl.BlockSpec((1, DOUT), lambda i: (0, 0)),
    ],
    out_specs=pl.BlockSpec((BR, DOUT), lambda i: (i, 0)),
    out_shape=jax.ShapeDtypeStruct((NN, DOUT), f32),
)


def kernel(x_driver, x_rider, edge_serves, edge_served_by,
           W1_serves, b1_serves, W1_served_by, b1_served_by,
           W2_serves, b2_serves, W2_served_by, b2_served_by,
           W3_serves, b3_serves, W3_served_by, b3_served_by):
    s_src, s_dst = edge_serves[0], edge_serves[1]
    sb_src, sb_dst = edge_served_by[0], edge_served_by[1]
    pad0 = jnp.zeros((EP - EE,), i32)
    padn = jnp.full((EP - EE,), NN, i32)

    def cat(a, p):
        return jnp.concatenate([a, p])

    hidx = jnp.stack([cat(s_src, padn), cat(s_dst, padn),
                      cat(sb_src, padn), cat(sb_dst, padn)])
    hidx = hidx.reshape(4 * NS, CH16, CH)

    g1s = cat(s_src, pad0)
    g1src = jnp.stack([g1s + q * NN for q in range(4)]).reshape(
        4 * NS, CH16, CH)
    g1dst = cat(s_dst, padn).reshape(NS, CH16, CH)
    g2s = cat(sb_src, pad0)
    g2src = jnp.stack([g2s + q * NN for q in range(4)]).reshape(
        4 * NS, CH16, CH)
    g2dst = cat(sb_dst, padn).reshape(NS, CH16, CH)
    g3src = jnp.stack([g1s, g1s + NN]).reshape(2 * NS, CH16, CH)
    g3dst = g1dst

    ones16 = jnp.ones((CH, 16), f32)
    z16 = jnp.zeros((RB, 16), f32)
    zq = jnp.zeros((ZCH, QW), f32)

    degs = _hist(hidx, ones16, z16).reshape(4, NP, 16)

    m1 = _tc1(x_rider, degs)
    agg1 = _gs2(m1.reshape(4 * NN, QW), g1src, g1dst, zq)
    m2 = _tc2(agg1.reshape(4, NP, QW), degs, degs, W1_serves,
              b1_serves.reshape(1, HID))
    agg2 = _gs2(m2.reshape(4 * NN, QW), g2src, g2dst, zq)
    t3 = _tc3(agg2.reshape(4, NP, QW), degs, degs, W2_served_by,
              b2_served_by.reshape(1, HID), W3_serves)
    p3 = _gs1(t3.reshape(2 * NN, QW), g3src, g3dst, zq)
    return _tc4(p3.reshape(2, NP, QW), degs,
                b3_serves.reshape(1, DOUT))

# --- scband reference (transcript-rebuilt; emitter-appended) ---
"""Pipeline reference for scband-rgcn-81655918232306 (READ-ONLY COPY).

The authoritative reference and input builder live on the scoring server;
editing this copy changes nothing except your own understanding.
"""

import jax, jax.numpy as jnp
import numpy as np

N = 10000
E = 160000
DIN = 256
HID = 256
DOUT = 128


def setup_inputs(seed: int = 0) -> dict:
    key = jax.random.key(seed)
    ks = jax.random.split(key, 20)
    inp = {}
    inp["x_driver"] = jax.random.normal(ks[0], (N, DIN), dtype=jnp.float32)
    inp["x_rider"] = jax.random.normal(ks[1], (N, DIN), dtype=jnp.float32)
    # relation 'serves': rider -> driver ; relation 'served_by': driver -> rider
    inp["edge_serves"] = jax.random.randint(ks[2], (2, E), 0, N, dtype=jnp.int32)
    inp["edge_served_by"] = jax.random.randint(ks[3], (2, E), 0, N, dtype=jnp.int32)
    # GraphConv weights: per layer, per relation (W: [in, out], b: [out])
    inp["W1_serves"] = 0.05 * jax.random.normal(ks[4], (DIN, HID), dtype=jnp.float32)
    inp["b1_serves"] = jnp.zeros((HID,), dtype=jnp.float32)
    inp["W1_served_by"] = 0.05 * jax.random.normal(ks[5], (DIN, HID), dtype=jnp.float32)
    inp["b1_served_by"] = jnp.zeros((HID,), dtype=jnp.float32)
    inp["W2_serves"] = 0.05 * jax.random.normal(ks[6], (HID, HID), dtype=jnp.float32)
    inp["b2_serves"] = jnp.zeros((HID,), dtype=jnp.float32)
    inp["W2_served_by"] = 0.05 * jax.random.normal(ks[7], (HID, HID), dtype=jnp.float32)
    inp["b2_served_by"] = jnp.zeros((HID,), dtype=jnp.float32)
    inp["W3_serves"] = 0.05 * jax.random.normal(ks[8], (HID, DOUT), dtype=jnp.float32)
    inp["b3_serves"] = jnp.zeros((DOUT,), dtype=jnp.float32)
    inp["W3_served_by"] = 0.05 * jax.random.normal(ks[9], (HID, DOUT), dtype=jnp.float32)
    inp["b3_served_by"] = jnp.zeros((DOUT,), dtype=jnp.float32)
    return inp


def _gconv(x_src, src, dst, n_dst, W, b):
    # DGL GraphConv with norm='both': symmetric degree normalization
    n_src = x_src.shape[0]
    ones_e = jnp.ones(src.shape[0], dtype=x_src.dtype)
    outdeg = jax.ops.segment_sum(ones_e, src, num_segments=n_src)
    outdeg = jnp.maximum(outdeg, 1.0)
    m = x_src * (outdeg ** -0.5)[:, None]
    agg = jax.ops.segment_sum(jnp.take(m, src, axis=0), dst, num_segments=n_dst)
    indeg = jax.ops.segment_sum(ones_e, dst, num_segments=n_dst)
    indeg = jnp.maximum(indeg, 1.0)
    agg = agg * (indeg ** -0.5)[:, None]
    return agg @ W + b


def reference(x_driver, x_rider, edge_serves, edge_served_by,
              W1_serves, b1_serves, W1_served_by, b1_served_by,
              W2_serves, b2_serves, W2_served_by, b2_served_by,
              W3_serves, b3_serves, W3_served_by, b3_served_by):
    s_src, s_dst = edge_serves[0], edge_serves[1]      # rider -> driver
    sb_src, sb_dst = edge_served_by[0], edge_served_by[1]  # driver -> rider
    # Layer 1 (HeteroGraphConv, aggregate='sum'; one relation per dst type)
    h_driver = _gconv(x_rider, s_src, s_dst, N, W1_serves, b1_serves)
    h_rider = _gconv(x_driver, sb_src, sb_dst, N, W1_served_by, b1_served_by)
    h_driver = jax.nn.relu(h_driver)
    h_rider = jax.nn.relu(h_rider)
    # Layer 2
    h_driver2 = _gconv(h_rider, s_src, s_dst, N, W2_serves, b2_serves)
    h_rider2 = _gconv(h_driver, sb_src, sb_dst, N, W2_served_by, b2_served_by)
    h_driver2 = jax.nn.relu(h_driver2)
    h_rider2 = jax.nn.relu(h_rider2)
    # Layer 3 (compute both dst types as HeteroGraphConv does, return 'driver')
    h_driver3 = _gconv(h_rider2, s_src, s_dst, N, W3_serves, b3_serves)
    h_rider3 = _gconv(h_driver2, sb_src, sb_dst, N, W3_served_by, b3_served_by)
    return h_driver3

if __name__ == "__main__":
    import jax
    _d = setup_inputs()
    print(jax.jit(kernel)(*tuple(_d.values())))

</pallas_src>

<mosaic_0001>
#map = affine_map<(d0, d1) -> (0, 0)>
#map1 = affine_map<(d0, d1) -> (0, 0, 0)>
module attributes {stable_mosaic.version = 14 : i64} {
  func.func @_gs_body(%arg0: i32, %arg1: i32, %arg2: memref<40000x64xf32, #tpu.memory_space<hbm>>, %arg3: memref<64x16x640xi32, #tpu.memory_space<hbm>>, %arg4: memref<16x16x640xi32, #tpu.memory_space<hbm>>, %arg5: memref<128x64xf32, #tpu.memory_space<hbm>>, %arg6: memref<40960x64xf32, #tpu.memory_space<hbm>>, %arg7: memref<16x640xi32, #tpu.memory_space<vmem>>, %arg8: memref<16x640xi32, #tpu.memory_space<vmem>>, %arg9: memref<640x64xf32, #tpu.memory_space<vmem>>, %arg10: memref<128x64xf32, #tpu.memory_space<vmem>>, %arg11: memref<10240x64xf32, #tpu.memory_space<vmem_shared>>) attributes {dimension_semantics = [#tpu.dimension_semantics<core_parallel>, #tpu.dimension_semantics<subcore_parallel>], iteration_bounds = array<i64: 2, 16>, scalar_prefetch = 0 : i64, scratch_operands = 5 : i64, tpu.core_type = #tpu.core_type<sc_vector_subcore>, window_params = [{transform_indices = #map}, {transform_indices = #map1}, {transform_indices = #map1}, {transform_indices = #map}, {transform_indices = #map}]} {
    "tpu.region"() ({
      %run_scoped3A = tpu.sem_alloc : memref<!tpu.dma_semaphore, #tpu.memory_space<semaphore_mem>>
      %dma_start3A = arith.constant 0 : i32
      %dma_start3A_79 = arith.constant 0 : i32
      %dma_start3A_80 = tpu.memref_slice %arg4[%arg1, %dma_start3A, %dma_start3A_79] : memref<16x16x640xi32, #tpu.memory_space<hbm>> -> memref<1x16x640xi32, #tpu.memory_space<hbm>>
      %dma_start3A_81 = tpu.memref_squeeze %dma_start3A_80 : memref<1x16x640xi32, #tpu.memory_space<hbm>> -> memref<16x640xi32, #tpu.memory_space<hbm>>
      %dma_start3A_82 = arith.constant 0 : i32
      %dma_start3A_83 = arith.constant 0 : i32
      %dma_start3A_84 = tpu.memref_slice %arg4[%arg1, %dma_start3A_82, %dma_start3A_83] : memref<16x16x640xi32, #tpu.memory_space<hbm>> -> memref<1x16x640xi32, #tpu.memory_space<hbm>>
      %dma_start3A_85 = tpu.memref_squeeze %dma_start3A_84 : memref<1x16x640xi32, #tpu.memory_space<hbm>> -> memref<16x640xi32, #tpu.memory_space<hbm>>
      tpu.enqueue_dma source(%dma_start3A_85 : memref<16x640xi32, #tpu.memory_space<hbm>>) target(%arg8 : memref<16x640xi32, #tpu.memory_space<vmem>>) target_semaphore(%run_scoped3A : memref<!tpu.dma_semaphore, #tpu.memory_space<semaphore_mem>>)
      %dma_wait3A = arith.constant 0 : i32
      %dma_wait3A_86 = arith.constant 0 : i32
      %dma_wait3A_87 = tpu.memref_slice %arg4[%arg1, %dma_wait3A, %dma_wait3A_86] : memref<16x16x640xi32, #tpu.memory_space<hbm>> -> memref<1x16x640xi32, #tpu.memory_space<hbm>>
      %dma_wait3A_88 = tpu.memref_squeeze %dma_wait3A_87 : memref<1x16x640xi32, #tpu.memory_space<hbm>> -> memref<16x640xi32, #tpu.memory_space<hbm>>
      %dma_wait3A_89 = arith.constant 0 : i32
      %dma_wait3A_90 = arith.constant 0 : i32
      %dma_wait3A_91 = tpu.memref_slice %arg4[%arg1, %dma_wait3A_89, %dma_wait3A_90] : memref<16x16x640xi32, #tpu.memory_space<hbm>> -> memref<1x16x640xi32, #tpu.memory_space<hbm>>
      %dma_wait3A_92 = tpu.memref_squeeze %dma_wait3A_91 : memref<1x16x640xi32, #tpu.memory_space<hbm>> -> memref<16x640xi32, #tpu.memory_space<hbm>>
      tpu.wait_dma2 semaphore(%run_scoped3A : memref<!tpu.dma_semaphore, #tpu.memory_space<semaphore_mem>>) src(%dma_wait3A_92 : memref<16x640xi32, #tpu.memory_space<hbm>>) dst(%arg8 : memref<16x640xi32, #tpu.memory_space<vmem>>)
      tpu.yield
    }) : () -> ()
    "tpu.region"() ({
      %run_scoped3A = tpu.sem_alloc : memref<!tpu.dma_semaphore, #tpu.memory_space<semaphore_mem>>
      tpu.enqueue_dma source(%arg5 : memref<128x64xf32, #tpu.memory_space<hbm>>) target(%arg10 : memref<128x64xf32, #tpu.memory_space<vmem>>) target_semaphore(%run_scoped3A : memref<!tpu.dma_semaphore, #tpu.memory_space<semaphore_mem>>)
      tpu.wait_dma2 semaphore(%run_scoped3A : memref<!tpu.dma_semaphore, #tpu.memory_space<semaphore_mem>>) src(%arg5 : memref<128x64xf32, #tpu.memory_space<hbm>>) dst(%arg10 : memref<128x64xf32, #tpu.memory_space<vmem>>)
      tpu.yield
    }) : () -> ()
    %add3A = arith.constant 0 : i32
    %add3A_0 = arith.addi %add3A, %arg0 : i32
    %mul3A = arith.constant 16 : i32
    %mul3A_1 = arith.muli %add3A_0, %mul3A : i32
    %add3A_2 = arith.addi %mul3A_1, %arg1 : i32
    "tpu.region"() ({
      %run_scoped3A = tpu.sem_alloc : memref<!tpu.dma_semaphore, #tpu.memory_space<semaphore_mem>>
      %dma_start3A = arith.constant 0 : i32
      %dma_start3A_79 = arith.constant 0 : i32
      %dma_start3A_80 = tpu.memref_slice %arg3[%add3A_2, %dma_start3A, %dma_start3A_79] : memref<64x16x640xi32, #tpu.memory_space<hbm>> -> memref<1x16x640xi32, #tpu.memory_space<hbm>>
      %dma_start3A_81 = tpu.memref_squeeze %dma_start3A_80 : memref<1x16x640xi32, #tpu.memory_space<hbm>> -> memref<16x640xi32, #tpu.memory_space<hbm>>
      %dma_start3A_82 = arith.constant 0 : i32
      %dma_start3A_83 = arith.constant 0 : i32
      %dma_start3A_84 = tpu.memref_slice %arg3[%add3A_2, %dma_start3A_82, %dma_start3A_83] : memref<64x16x640xi32, #tpu.memory_space<hbm>> -> memref<1x16x640xi32, #tpu.memory_space<hbm>>
      %dma_start3A_85 = tpu.memref_squeeze %dma_start3A_84 : memref<1x16x640xi32, #tpu.memory_space<hbm>> -> memref<16x640xi32, #tpu.memory_space<hbm>>
      tpu.enqueue_dma source(%dma_start3A_85 : memref<16x640xi32, #tpu.memory_space<hbm>>) target(%arg7 : memref<16x640xi32, #tpu.memory_space<vmem>>) target_semaphore(%run_scoped3A : memref<!tpu.dma_semaphore, #tpu.memory_space<semaphore_mem>>)
      %dma_wait3A = arith.constant 0 : i32
      %dma_wait3A_86 = arith.constant 0 : i32
      %dma_wait3A_87 = tpu.memref_slice %arg3[%add3A_2, %dma_wait3A, %dma_wait3A_86] : memref<64x16x640xi32, #tpu.memory_space<hbm>> -> memref<1x16x640xi32, #tpu.memory_space<hbm>>
      %dma_wait3A_88 = tpu.memref_squeeze %dma_wait3A_87 : memref<1x16x640xi32, #tpu.memory_space<hbm>> -> memref<16x640xi32, #tpu.memory_space<hbm>>
      %dma_wait3A_89 = arith.constant 0 : i32
      %dma_wait3A_90 = arith.constant 0 : i32
      %dma_wait3A_91 = tpu.memref_slice %arg3[%add3A_2, %dma_wait3A_89, %dma_wait3A_90] : memref<64x16x640xi32, #tpu.memory_space<hbm>> -> memref<1x16x640xi32, #tpu.memory_space<hbm>>
      %dma_wait3A_92 = tpu.memref_squeeze %dma_wait3A_91 : memref<1x16x640xi32, #tpu.memory_space<hbm>> -> memref<16x640xi32, #tpu.memory_space<hbm>>
      tpu.wait_dma2 semaphore(%run_scoped3A : memref<!tpu.dma_semaphore, #tpu.memory_space<semaphore_mem>>) src(%dma_wait3A_92 : memref<16x640xi32, #tpu.memory_space<hbm>>) dst(%arg7 : memref<16x640xi32, #tpu.memory_space<vmem>>)
      tpu.yield
    }) : () -> ()
    %mul3A_3 = arith.constant 640 : i32
    %mul3A_4 = arith.muli %arg1, %mul3A_3 : i32
    %add3A_5 = arith.constant 0 : i32
    %add3A_6 = arith.addi %mul3A_4, %add3A_5 : i32
    "tpu.region"() ({
      %run_scoped3A = tpu.sem_alloc : memref<!tpu.dma_semaphore, #tpu.memory_space<semaphore_mem>>
      %dma_start3A = arith.constant 0 : i32
      %dma_start3A_79 = tpu.memref_slice %arg11[%add3A_6, %dma_start3A] : memref<10240x64xf32, #tpu.memory_space<vmem_shared>> -> memref<128x64xf32, #tpu.memory_space<vmem_shared>>
      %dma_start3A_80 = arith.constant 0 : i32
      %dma_start3A_81 = tpu.memref_slice %arg11[%add3A_6, %dma_start3A_80] : memref<10240x64xf32, #tpu.memory_space<vmem_shared>> -> memref<128x64xf32, #tpu.memory_space<vmem_shared>>
      tpu.enqueue_dma source(%arg10 : memref<128x64xf32, #tpu.memory_space<vmem>>) target(%dma_start3A_81 : memref<128x64xf32, #tpu.memory_space<vmem_shared>>) target_semaphore(%run_scoped3A : memref<!tpu.dma_semaphore, #tpu.memory_space<semaphore_mem>>)
      %dma_wait3A = arith.constant 0 : i32
      %dma_wait3A_82 = tpu.memref_slice %arg11[%add3A_6, %dma_wait3A] : memref<10240x64xf32, #tpu.memory_space<vmem_shared>> -> memref<128x64xf32, #tpu.memory_space<vmem_shared>>
      %dma_wait3A_83 = arith.constant 0 : i32
      %dma_wait3A_84 = tpu.memref_slice %arg11[%add3A_6, %dma_wait3A_83] : memref<10240x64xf32, #tpu.memory_space<vmem_shared>> -> memref<128x64xf32, #tpu.memory_space<vmem_shared>>
      tpu.wait_dma2 semaphore(%run_scoped3A : memref<!tpu.dma_semaphore, #tpu.memory_space<semaphore_mem>>) src(%arg10 : memref<128x64xf32, #tpu.memory_space<vmem>>) dst(%dma_wait3A_84 : memref<128x64xf32, #tpu.memory_space<vmem_shared>>)
      tpu.yield
    }) : () -> ()
    %mul3A_7 = arith.constant 640 : i32
    %mul3A_8 = arith.muli %arg1, %mul3A_7 : i32
    %add3A_9 = arith.constant 128 : i32
    %add3A_10 = arith.addi %mul3A_8, %add3A_9 : i32
    "tpu.region"() ({
      %run_scoped3A = tpu.sem_alloc : memref<!tpu.dma_semaphore, #tpu.memory_space<semaphore_mem>>
      %dma_start3A = arith.constant 0 : i32
      %dma_start3A_79 = tpu.memref_slice %arg11[%add3A_10, %dma_start3A] : memref<10240x64xf32, #tpu.memory_space<vmem_shared>> -> memref<128x64xf32, #tpu.memory_space<vmem_shared>>
      %dma_start3A_80 = arith.constant 0 : i32
      %dma_start3A_81 = tpu.memref_slice %arg11[%add3A_10, %dma_start3A_80] : memref<10240x64xf32, #tpu.memory_space<vmem_shared>> -> memref<128x64xf32, #tpu.memory_space<vmem_shared>>
      tpu.enqueue_dma source(%arg10 : memref<128x64xf32, #tpu.memory_space<vmem>>) target(%dma_start3A_81 : memref<128x64xf32, #tpu.memory_space<vmem_shared>>) target_semaphore(%run_scoped3A : memref<!tpu.dma_semaphore, #tpu.memory_space<semaphore_mem>>)
      %dma_wait3A = arith.constant 0 : i32
      %dma_wait3A_82 = tpu.memref_slice %arg11[%add3A_10, %dma_wait3A] : memref<10240x64xf32, #tpu.memory_space<vmem_shared>> -> memref<128x64xf32, #tpu.memory_space<vmem_shared>>
      %dma_wait3A_83 = arith.constant 0 : i32
      %dma_wait3A_84 = tpu.memref_slice %arg11[%add3A_10, %dma_wait3A_83] : memref<10240x64xf32, #tpu.memory_space<vmem_shared>> -> memref<128x64xf32, #tpu.memory_space<vmem_shared>>
      tpu.wait_dma2 semaphore(%run_scoped3A : memref<!tpu.dma_semaphore, #tpu.memory_space<semaphore_mem>>) src(%arg10 : memref<128x64xf32, #tpu.memory_space<vmem>>) dst(%dma_wait3A_84 : memref<128x64xf32, #tpu.memory_space<vmem_shared>>)
      tpu.yield
    }) : () -> ()
    %mul3A_11 = arith.constant 640 : i32
    %mul3A_12 = arith.muli %arg1, %mul3A_11 : i32
    %add3A_13 = arith.constant 256 : i32
    %add3A_14 = arith.addi %mul3A_12, %add3A_13 : i32
    "tpu.region"() ({
      %run_scoped3A = tpu.sem_alloc : memref<!tpu.dma_semaphore, #tpu.memory_space<semaphore_mem>>
      %dma_start3A = arith.constant 0 : i32
      %dma_start3A_79 = tpu.memref_slice %arg11[%add3A_14, %dma_start3A] : memref<10240x64xf32, #tpu.memory_space<vmem_shared>> -> memref<128x64xf32, #tpu.memory_space<vmem_shared>>
      %dma_start3A_80 = arith.constant 0 : i32
      %dma_start3A_81 = tpu.memref_slice %arg11[%add3A_14, %dma_start3A_80] : memref<10240x64xf32, #tpu.memory_space<vmem_shared>> -> memref<128x64xf32, #tpu.memory_space<vmem_shared>>
      tpu.enqueue_dma source(%arg10 : memref<128x64xf32, #tpu.memory_space<vmem>>) target(%dma_start3A_81 : memref<128x64xf32, #tpu.memory_space<vmem_shared>>) target_semaphore(%run_scoped3A : memref<!tpu.dma_semaphore, #tpu.memory_space<semaphore_mem>>)
      %dma_wait3A = arith.constant 0 : i32
      %dma_wait3A_82 = tpu.memref_slice %arg11[%add3A_14, %dma_wait3A] : memref<10240x64xf32, #tpu.memory_space<vmem_shared>> -> memref<128x64xf32, #tpu.memory_space<vmem_shared>>
      %dma_wait3A_83 = arith.constant 0 : i32
      %dma_wait3A_84 = tpu.memref_slice %arg11[%add3A_14, %dma_wait3A_83] : memref<10240x64xf32, #tpu.memory_space<vmem_shared>> -> memref<128x64xf32, #tpu.memory_space<vmem_shared>>
      tpu.wait_dma2 semaphore(%run_scoped3A : memref<!tpu.dma_semaphore, #tpu.memory_space<semaphore_mem>>) src(%arg10 : memref<128x64xf32, #tpu.memory_space<vmem>>) dst(%dma_wait3A_84 : memref<128x64xf32, #tpu.memory_space<vmem_shared>>)
      tpu.yield
    }) : () -> ()
    %mul3A_15 = arith.constant 640 : i32
    %mul3A_16 = arith.muli %arg1, %mul3A_15 : i32
    %add3A_17 = arith.constant 384 : i32
    %add3A_18 = arith.addi %mul3A_16, %add3A_17 : i32
    "tpu.region"() ({
      %run_scoped3A = tpu.sem_alloc : memref<!tpu.dma_semaphore, #tpu.memory_space<semaphore_mem>>
      %dma_start3A = arith.constant 0 : i32
      %dma_start3A_79 = tpu.memref_slice %arg11[%add3A_18, %dma_start3A] : memref<10240x64xf32, #tpu.memory_space<vmem_shared>> -> memref<128x64xf32, #tpu.memory_space<vmem_shared>>
      %dma_start3A_80 = arith.constant 0 : i32
      %dma_start3A_81 = tpu.memref_slice %arg11[%add3A_18, %dma_start3A_80] : memref<10240x64xf32, #tpu.memory_space<vmem_shared>> -> memref<128x64xf32, #tpu.memory_space<vmem_shared>>
      tpu.enqueue_dma source(%arg10 : memref<128x64xf32, #tpu.memory_space<vmem>>) target(%dma_start3A_81 : memref<128x64xf32, #tpu.memory_space<vmem_shared>>) target_semaphore(%run_scoped3A : memref<!tpu.dma_semaphore, #tpu.memory_space<semaphore_mem>>)
      %dma_wait3A = arith.constant 0 : i32
      %dma_wait3A_82 = tpu.memref_slice %arg11[%add3A_18, %dma_wait3A] : memref<10240x64xf32, #tpu.memory_space<vmem_shared>> -> memref<128x64xf32, #tpu.memory_space<vmem_shared>>
      %dma_wait3A_83 = arith.constant 0 : i32
      %dma_wait3A_84 = tpu.memref_slice %arg11[%add3A_18, %dma_wait3A_83] : memref<10240x64xf32, #tpu.memory_space<vmem_shared>> -> memref<128x64xf32, #tpu.memory_space<vmem_shared>>
      tpu.wait_dma2 semaphore(%run_scoped3A : memref<!tpu.dma_semaphore, #tpu.memory_space<semaphore_mem>>) src(%arg10 : memref<128x64xf32, #tpu.memory_space<vmem>>) dst(%dma_wait3A_84 : memref<128x64xf32, #tpu.memory_space<vmem_shared>>)
      tpu.yield
    }) : () -> ()
    %mul3A_19 = arith.constant 640 : i32
    %mul3A_20 = arith.muli %arg1, %mul3A_19 : i32
    %add3A_21 = arith.constant 512 : i32
    %add3A_22 = arith.addi %mul3A_20, %add3A_21 : i32
    "tpu.region"() ({
      %run_scoped3A = tpu.sem_alloc : memref<!tpu.dma_semaphore, #tpu.memory_space<semaphore_mem>>
      %dma_start3A = arith.constant 0 : i32
      %dma_start3A_79 = tpu.memref_slice %arg11[%add3A_22, %dma_start3A] : memref<10240x64xf32, #tpu.memory_space<vmem_shared>> -> memref<128x64xf32, #tpu.memory_space<vmem_shared>>
      %dma_start3A_80 = arith.constant 0 : i32
      %dma_start3A_81 = tpu.memref_slice %arg11[%add3A_22, %dma_start3A_80] : memref<10240x64xf32, #tpu.memory_space<vmem_shared>> -> memref<128x64xf32, #tpu.memory_space<vmem_shared>>
      tpu.enqueue_dma source(%arg10 : memref<128x64xf32, #tpu.memory_space<vmem>>) target(%dma_start3A_81 : memref<128x64xf32, #tpu.memory_space<vmem_shared>>) target_semaphore(%run_scoped3A : memref<!tpu.dma_semaphore, #tpu.memory_space<semaphore_mem>>)
      %dma_wait3A = arith.constant 0 : i32
      %dma_wait3A_82 = tpu.memref_slice %arg11[%add3A_22, %dma_wait3A] : memref<10240x64xf32, #tpu.memory_space<vmem_shared>> -> memref<128x64xf32, #tpu.memory_space<vmem_shared>>
      %dma_wait3A_83 = arith.constant 0 : i32
      %dma_wait3A_84 = tpu.memref_slice %arg11[%add3A_22, %dma_wait3A_83] : memref<10240x64xf32, #tpu.memory_space<vmem_shared>> -> memref<128x64xf32, #tpu.memory_space<vmem_shared>>
      tpu.wait_dma2 semaphore(%run_scoped3A : memref<!tpu.dma_semaphore, #tpu.memory_space<semaphore_mem>>) src(%arg10 : memref<128x64xf32, #tpu.memory_space<vmem>>) dst(%dma_wait3A_84 : memref<128x64xf32, #tpu.memory_space<vmem_shared>>)
      tpu.yield
    }) : () -> ()
    %barrier3A = arith.constant 0 : index
    tpu.barrier barrier_id(%barrier3A)
    %scan3A = arith.constant 0 : i32
    %scan3A_23 = arith.constant 16 : i32
    %scan3A_24 = arith.addi %scan3A, %scan3A_23 : i32
    %scan3A_25 = arith.constant 1 : i32
    scf.for %scan3A_79 = %scan3A to %scan3A_24 step %scan3A_25  : i32 {
      %mul3A_80 = arith.constant 1 : i32
      %mul3A_81 = arith.muli %scan3A_79, %mul3A_80 : i32
      %add3A_82 = arith.constant 0 : i32
      %add3A_83 = arith.addi %add3A_82, %mul3A_81 : i32
      "tpu.region"() ({
        %run_scoped3A = tpu.sem_alloc : memref<!tpu.dma_semaphore, #tpu.memory_space<semaphore_mem>>
        %dma_start3A = arith.constant 0 : i32
        %dma_start3A_84 = tpu.memref_slice %arg7[%add3A_83, %dma_start3A] : memref<16x640xi32, #tpu.memory_space<vmem>> -> memref<1x640xi32, #tpu.memory_space<vmem>>
        %dma_start3A_85 = tpu.memref_squeeze %dma_start3A_84 : memref<1x640xi32, #tpu.memory_space<vmem>> -> memref<640xi32, #tpu.memory_space<vmem>>
        %dma_start3A_86 = arith.constant 0 : i32
        %dma_start3A_87 = arith.constant 0 : i32
        %dma_start3A_88 = tpu.memref_slice %arg2[%dma_start3A_86, %dma_start3A_87] : memref<40000x64xf32, #tpu.memory_space<hbm>> -> memref<40000x64xf32, #tpu.memory_space<hbm>>
        tpu.enqueue_indirect_dma source(%dma_start3A_88 : memref<40000x64xf32, #tpu.memory_space<hbm>>) target(%arg9 : memref<640x64xf32, #tpu.memory_space<vmem>>) offsets(%dma_start3A_85 : memref<640xi32, #tpu.memory_space<vmem>>) semaphore(%run_scoped3A : memref<!tpu.dma_semaphore, #tpu.memory_space<semaphore_mem>>)
        %dma_wait3A = arith.constant 0 : i32
        %dma_wait3A_89 = tpu.memref_slice %arg7[%add3A_83, %dma_wait3A] : memref<16x640xi32, #tpu.memory_space<vmem>> -> memref<1x640xi32, #tpu.memory_space<vmem>>
        %dma_wait3A_90 = tpu.memref_squeeze %dma_wait3A_89 : memref<1x640xi32, #tpu.memory_space<vmem>> -> memref<640xi32, #tpu.memory_space<vmem>>
        %dma_wait3A_91 = arith.constant 0 : i32
        %dma_wait3A_92 = arith.constant 0 : i32
        %dma_wait3A_93 = tpu.memref_slice %arg2[%dma_wait3A_91, %dma_wait3A_92] : memref<40000x64xf32, #tpu.memory_space<hbm>> -> memref<40000x64xf32, #tpu.memory_space<hbm>>
        tpu.wait_indirect_dma semaphore(%run_scoped3A : memref<!tpu.dma_semaphore, #tpu.memory_space<semaphore_mem>>) src(%dma_wait3A_93 : memref<40000x64xf32, #tpu.memory_space<hbm>>) dst(%arg9 : memref<640x64xf32, #tpu.memory_space<vmem>>)
        tpu.yield
      }) : () -> ()
      "tpu.region"() ({
        %run_scoped3A = tpu.sem_alloc : memref<!tpu.dma_semaphore, #tpu.memory_space<semaphore_mem>>
        %dma_start3A = arith.constant 0 : i32
        %dma_start3A_84 = tpu.memref_slice %arg8[%add3A_83, %dma_start3A] : memref<16x640xi32, #tpu.memory_space<vmem>> -> memref<1x640xi32, #tpu.memory_space<vmem>>
        %dma_start3A_85 = tpu.memref_squeeze %dma_start3A_84 : memref<1x640xi32, #tpu.memory_space<vmem>> -> memref<640xi32, #tpu.memory_space<vmem>>
        %dma_start3A_86 = arith.constant 0 : i32
        %dma_start3A_87 = arith.constant 0 : i32
        %dma_start3A_88 = tpu.memref_slice %arg11[%dma_start3A_86, %dma_start3A_87] : memref<10240x64xf32, #tpu.memory_space<vmem_shared>> -> memref<10240x64xf32, #tpu.memory_space<vmem_shared>>
        tpu.enqueue_indirect_dma source(%arg9 : memref<640x64xf32, #tpu.memory_space<vmem>>) target(%dma_start3A_88 : memref<10240x64xf32, #tpu.memory_space<vmem_shared>>) offsets(%dma_start3A_85 : memref<640xi32, #tpu.memory_space<vmem>>) semaphore(%run_scoped3A : memref<!tpu.dma_semaphore, #tpu.memory_space<semaphore_mem>>) {add = true}
        %dma_wait3A = arith.constant 0 : i32
        %dma_wait3A_89 = tpu.memref_slice %arg8[%add3A_83, %dma_wait3A] : memref<16x640xi32, #tpu.memory_space<vmem>> -> memref<1x640xi32, #tpu.memory_space<vmem>>
        %dma_wait3A_90 = tpu.memref_squeeze %dma_wait3A_89 : memref<1x640xi32, #tpu.memory_space<vmem>> -> memref<640xi32, #tpu.memory_space<vmem>>
        %dma_wait3A_91 = arith.constant 0 : i32
        %dma_wait3A_92 = arith.constant 0 : i32
        %dma_wait3A_93 = tpu.memref_slice %arg11[%dma_wait3A_91, %dma_wait3A_92] : memref<10240x64xf32, #tpu.memory_space<vmem_shared>> -> memref<10240x64xf32, #tpu.memory_space<vmem_shared>>
        tpu.wait_indirect_dma semaphore(%run_scoped3A : memref<!tpu.dma_semaphore, #tpu.memory_space<semaphore_mem>>) src(%arg9 : memref<640x64xf32, #tpu.memory_space<vmem>>) dst(%dma_wait3A_93 : memref<10240x64xf32, #tpu.memory_space<vmem_shared>>)
        tpu.yield
      }) : () -> ()
    }
    %scan3A_26 = arith.constant 16 : i32
    %barrier3A_27 = arith.constant 0 : index
    tpu.barrier barrier_id(%barrier3A_27)
    %mul3A_28 = arith.constant 640 : i32
    %mul3A_29 = arith.muli %arg1, %mul3A_28 : i32
    %add3A_30 = arith.constant 0 : i32
    %add3A_31 = arith.addi %add3A_30, %arg0 : i32
    %mul3A_32 = arith.constant 10240 : i32
    %mul3A_33 = arith.muli %add3A_31, %mul3A_32 : i32
    %mul3A_34 = arith.constant 640 : i32
    %mul3A_35 = arith.muli %arg1, %mul3A_34 : i32
    %add3A_36 = arith.addi %mul3A_33, %mul3A_35 : i32
    "tpu.region"() ({
      %run_scoped3A = tpu.sem_alloc : memref<!tpu.dma_semaphore, #tpu.memory_space<semaphore_mem>>
      %dma_start3A = arith.constant 0 : i32
      %dma_start3A_79 = tpu.memref_slice %arg6[%add3A_36, %dma_start3A] : memref<40960x64xf32, #tpu.memory_space<hbm>> -> memref<640x64xf32, #tpu.memory_space<hbm>>
      %dma_start3A_80 = arith.constant 0 : i32
      %dma_start3A_81 = tpu.memref_slice %arg11[%mul3A_29, %dma_start3A_80] : memref<10240x64xf32, #tpu.memory_space<vmem_shared>> -> memref<640x64xf32, #tpu.memory_space<vmem_shared>>
      tpu.enqueue_dma source(%dma_start3A_81 : memref<640x64xf32, #tpu.memory_space<vmem_shared>>) target(%dma_start3A_79 : memref<640x64xf32, #tpu.memory_space<hbm>>) target_semaphore(%run_scoped3A : memref<!tpu.dma_semaphore, #tpu.memory_space<semaphore_mem>>)
      %dma_wait3A = arith.constant 0 : i32
      %dma_wait3A_82 = tpu.memref_slice %arg6[%add3A_36, %dma_wait3A] : memref<40960x64xf32, #tpu.memory_space<hbm>> -> memref<640x64xf32, #tpu.memory_space<hbm>>
      %dma_wait3A_83 = arith.constant 0 : i32
      %dma_wait3A_84 = tpu.memref_slice %arg11[%mul3A_29, %dma_wait3A_83] : memref<10240x64xf32, #tpu.memory_space<vmem_shared>> -> memref<640x64xf32, #tpu.memory_space<vmem_shared>>
      tpu.wait_dma2 semaphore(%run_scoped3A : memref<!tpu.dma_semaphore, #tpu.memory_space<semaphore_mem>>) src(%dma_wait3A_84 : memref<640x64xf32, #tpu.memory_space<vmem_shared>>) dst(%dma_wait3A_82 : memref<640x64xf32, #tpu.memory_space<hbm>>)
      tpu.yield
    }) : () -> ()
    %barrier3A_37 = arith.constant 0 : index
    tpu.barrier barrier_id(%barrier3A_37)
    %add3A_38 = arith.constant 2 : i32
    %add3A_39 = arith.addi %add3A_38, %arg0 : i32
    %mul3A_40 = arith.constant 16 : i32
    %mul3A_41 = arith.muli %add3A_39, %mul3A_40 : i32
    %add3A_42 = arith.addi %mul3A_41, %arg1 : i32
    "tpu.region"() ({
      %run_scoped3A = tpu.sem_alloc : memref<!tpu.dma_semaphore, #tpu.memory_space<semaphore_mem>>
      %dma_start3A = arith.constant 0 : i32
      %dma_start3A_79 = arith.constant 0 : i32
      %dma_start3A_80 = tpu.memref_slice %arg3[%add3A_42, %dma_start3A, %dma_start3A_79] : memref<64x16x640xi32, #tpu.memory_space<hbm>> -> memref<1x16x640xi32, #tpu.memory_space<hbm>>
      %dma_start3A_81 = tpu.memref_squeeze %dma_start3A_80 : memref<1x16x640xi32, #tpu.memory_space<hbm>> -> memref<16x640xi32, #tpu.memory_space<hbm>>
      %dma_start3A_82 = arith.constant 0 : i32
      %dma_start3A_83 = arith.constant 0 : i32
      %dma_start3A_84 = tpu.memref_slice %arg3[%add3A_42, %dma_start3A_82, %dma_start3A_83] : memref<64x16x640xi32, #tpu.memory_space<hbm>> -> memref<1x16x640xi32, #tpu.memory_space<hbm>>
      %dma_start3A_85 = tpu.memref_squeeze %dma_start3A_84 : memref<1x16x640xi32, #tpu.memory_space<hbm>> -> memref<16x640xi32, #tpu.memory_space<hbm>>
      tpu.enqueue_dma source(%dma_start3A_85 : memref<16x640xi32, #tpu.memory_space<hbm>>) target(%arg7 : memref<16x640xi32, #tpu.memory_space<vmem>>) target_semaphore(%run_scoped3A : memref<!tpu.dma_semaphore, #tpu.memory_space<semaphore_mem>>)
      %dma_wait3A = arith.constant 0 : i32
      %dma_wait3A_86 = arith.constant 0 : i32
      %dma_wait3A_87 = tpu.memref_slice %arg3[%add3A_42, %dma_wait3A, %dma_wait3A_86] : memref<64x16x640xi32, #tpu.memory_space<hbm>> -> memref<1x16x640xi32, #tpu.memory_space<hbm>>
      %dma_wait3A_88 = tpu.memref_squeeze %dma_wait3A_87 : memref<1x16x640xi32, #tpu.memory_space<hbm>> -> memref<16x640xi32, #tpu.memory_space<hbm>>
      %dma_wait3A_89 = arith.constant 0 : i32
      %dma_wait3A_90 = arith.constant 0 : i32
      %dma_wait3A_91 = tpu.memref_slice %arg3[%add3A_42, %dma_wait3A_89, %dma_wait3A_90] : memref<64x16x640xi32, #tpu.memory_space<hbm>> -> memref<1x16x640xi32, #tpu.memory_space<hbm>>
      %dma_wait3A_92 = tpu.memref_squeeze %dma_wait3A_91 : memref<1x16x640xi32, #tpu.memory_space<hbm>> -> memref<16x640xi32, #tpu.memory_space<hbm>>
      tpu.wait_dma2 semaphore(%run_scoped3A : memref<!tpu.dma_semaphore, #tpu.memory_space<semaphore_mem>>) src(%dma_wait3A_92 : memref<16x640xi32, #tpu.memory_space<hbm>>) dst(%arg7 : memref<16x640xi32, #tpu.memory_space<vmem>>)
      tpu.yield
    }) : () -> ()
    %mul3A_43 = arith.constant 640 : i32
    %mul3A_44 = arith.muli %arg1, %mul3A_43 : i32
    %add3A_45 = arith.constant 0 : i32
    %add3A_46 = arith.addi %mul3A_44, %add3A_45 : i32
    "tpu.region"() ({
      %run_scoped3A = tpu.sem_alloc : memref<!tpu.dma_semaphore, #tpu.memory_space<semaphore_mem>>
      %dma_start3A = arith.constant 0 : i32
      %dma_start3A_79 = tpu.memref_slice %arg11[%add3A_46, %dma_start3A] : memref<10240x64xf32, #tpu.memory_space<vmem_shared>> -> memref<128x64xf32, #tpu.memory_space<vmem_shared>>
      %dma_start3A_80 = arith.constant 0 : i32
      %dma_start3A_81 = tpu.memref_slice %arg11[%add3A_46, %dma_start3A_80] : memref<10240x64xf32, #tpu.memory_space<vmem_shared>> -> memref<128x64xf32, #tpu.memory_space<vmem_shared>>
      tpu.enqueue_dma source(%arg10 : memref<128x64xf32, #tpu.memory_space<vmem>>) target(%dma_start3A_81 : memref<128x64xf32, #tpu.memory_space<vmem_shared>>) target_semaphore(%run_scoped3A : memref<!tpu.dma_semaphore, #tpu.memory_space<semaphore_mem>>)
      %dma_wait3A = arith.constant 0 : i32
      %dma_wait3A_82 = tpu.memref_slice %arg11[%add3A_46, %dma_wait3A] : memref<10240x64xf32, #tpu.memory_space<vmem_shared>> -> memref<128x64xf32, #tpu.memory_space<vmem_shared>>
      %dma_wait3A_83 = arith.constant 0 : i32
      %dma_wait3A_84 = tpu.memref_slice %arg11[%add3A_46, %dma_wait3A_83] : memref<10240x64xf32, #tpu.memory_space<vmem_shared>> -> memref<128x64xf32, #tpu.memory_space<vmem_shared>>
      tpu.wait_dma2 semaphore(%run_scoped3A : memref<!tpu.dma_semaphore, #tpu.memory_space<semaphore_mem>>) src(%arg10 : memref<128x64xf32, #tpu.memory_space<vmem>>) dst(%dma_wait3A_84 : memref<128x64xf32, #tpu.memory_space<vmem_shared>>)
      tpu.yield
    }) : () -> ()
    %mul3A_47 = arith.constant 640 : i32
    %mul3A_48 = arith.muli %arg1, %mul3A_47 : i32
    %add3A_49 = arith.constant 128 : i32
    %add3A_50 = arith.addi %mul3A_48, %add3A_49 : i32
    "tpu.region"() ({
      %run_scoped3A = tpu.sem_alloc : memref<!tpu.dma_semaphore, #tpu.memory_space<semaphore_mem>>
      %dma_start3A = arith.constant 0 : i32
      %dma_start3A_79 = tpu.memref_slice %arg11[%add3A_50, %dma_start3A] : memref<10240x64xf32, #tpu.memory_space<vmem_shared>> -> memref<128x64xf32, #tpu.memory_space<vmem_shared>>
      %dma_start3A_80 = arith.constant 0 : i32
      %dma_start3A_81 = tpu.memref_slice %arg11[%add3A_50, %dma_start3A_80] : memref<10240x64xf32, #tpu.memory_space<vmem_shared>> -> memref<128x64xf32, #tpu.memory_space<vmem_shared>>
      tpu.enqueue_dma source(%arg10 : memref<128x64xf32, #tpu.memory_space<vmem>>) target(%dma_start3A_81 : memref<128x64xf32, #tpu.memory_space<vmem_shared>>) target_semaphore(%run_scoped3A : memref<!tpu.dma_semaphore, #tpu.memory_space<semaphore_mem>>)
      %dma_wait3A = arith.constant 0 : i32
      %dma_wait3A_82 = tpu.memref_slice %arg11[%add3A_50, %dma_wait3A] : memref<10240x64xf32, #tpu.memory_space<vmem_shared>> -> memref<128x64xf32, #tpu.memory_space<vmem_shared>>
      %dma_wait3A_83 = arith.constant 0 : i32
      %dma_wait3A_84 = tpu.memref_slice %arg11[%add3A_50, %dma_wait3A_83] : memref<10240x64xf32, #tpu.memory_space<vmem_shared>> -> memref<128x64xf32, #tpu.memory_space<vmem_shared>>
      tpu.wait_dma2 semaphore(%run_scoped3A : memref<!tpu.dma_semaphore, #tpu.memory_space<semaphore_mem>>) src(%arg10 : memref<128x64xf32, #tpu.memory_space<vmem>>) dst(%dma_wait3A_84 : memref<128x64xf32, #tpu.memory_space<vmem_shared>>)
      tpu.yield
    }) : () -> ()
    %mul3A_51 = arith.constant 640 : i32
    %mul3A_52 = arith.muli %arg1, %mul3A_51 : i32
    %add3A_53 = arith.constant 256 : i32
    %add3A_54 = arith.addi %mul3A_52, %add3A_53 : i32
    "tpu.region"() ({
      %run_scoped3A = tpu.sem_alloc : memref<!tpu.dma_semaphore, #tpu.memory_space<semaphore_mem>>
      %dma_start3A = arith.constant 0 : i32
      %dma_start3A_79 = tpu.memref_slice %arg11[%add3A_54, %dma_start3A] : memref<10240x64xf32, #tpu.memory_space<vmem_shared>> -> memref<128x64xf32, #tpu.memory_space<vmem_shared>>
      %dma_start3A_80 = arith.constant 0 : i32
      %dma_start3A_81 = tpu.memref_slice %arg11[%add3A_54, %dma_start3A_80] : memref<10240x64xf32, #tpu.memory_space<vmem_shared>> -> memref<128x64xf32, #tpu.memory_space<vmem_shared>>
      tpu.enqueue_dma source(%arg10 : memref<128x64xf32, #tpu.memory_space<vmem>>) target(%dma_start3A_81 : memref<128x64xf32, #tpu.memory_space<vmem_shared>>) target_semaphore(%run_scoped3A : memref<!tpu.dma_semaphore, #tpu.memory_space<semaphore_mem>>)
      %dma_wait3A = arith.constant 0 : i32
      %dma_wait3A_82 = tpu.memref_slice %arg11[%add3A_54, %dma_wait3A] : memref<10240x64xf32, #tpu.memory_space<vmem_shared>> -> memref<128x64xf32, #tpu.memory_space<vmem_shared>>
      %dma_wait3A_83 = arith.constant 0 : i32
      %dma_wait3A_84 = tpu.memref_slice %arg11[%add3A_54, %dma_wait3A_83] : memref<10240x64xf32, #tpu.memory_space<vmem_shared>> -> memref<128x64xf32, #tpu.memory_space<vmem_shared>>
      tpu.wait_dma2 semaphore(%run_scoped3A : memref<!tpu.dma_semaphore, #tpu.memory_space<semaphore_mem>>) src(%arg10 : memref<128x64xf32, #tpu.memory_space<vmem>>) dst(%dma_wait3A_84 : memref<128x64xf32, #tpu.memory_space<vmem_shared>>)
      tpu.yield
    }) : () -> ()
    %mul3A_55 = arith.constant 640 : i32
    %mul3A_56 = arith.muli %arg1, %mul3A_55 : i32
    %add3A_57 = arith.constant 384 : i32
    %add3A_58 = arith.addi %mul3A_56, %add3A_57 : i32
    "tpu.region"() ({
      %run_scoped3A = tpu.sem_alloc : memref<!tpu.dma_semaphore, #tpu.memory_space<semaphore_mem>>
      %dma_start3A = arith.constant 0 : i32
      %dma_start3A_79 = tpu.memref_slice %arg11[%add3A_58, %dma_start3A] : memref<10240x64xf32, #tpu.memory_space<vmem_shared>> -> memref<128x64xf32, #tpu.memory_space<vmem_shared>>
      %dma_start3A_80 = arith.constant 0 : i32
      %dma_start3A_81 = tpu.memref_slice %arg11[%add3A_58, %dma_start3A_80] : memref<10240x64xf32, #tpu.memory_space<vmem_shared>> -> memref<128x64xf32, #tpu.memory_space<vmem_shared>>
      tpu.enqueue_dma source(%arg10 : memref<128x64xf32, #tpu.memory_space<vmem>>) target(%dma_start3A_81 : memref<128x64xf32, #tpu.memory_space<vmem_shared>>) target_semaphore(%run_scoped3A : memref<!tpu.dma_semaphore, #tpu.memory_space<semaphore_mem>>)
      %dma_wait3A = arith.constant 0 : i32
      %dma_wait3A_82 = tpu.memref_slice %arg11[%add3A_58, %dma_wait3A] : memref<10240x64xf32, #tpu.memory_space<vmem_shared>> -> memref<128x64xf32, #tpu.memory_space<vmem_shared>>
      %dma_wait3A_83 = arith.constant 0 : i32
      %dma_wait3A_84 = tpu.memref_slice %arg11[%add3A_58, %dma_wait3A_83] : memref<10240x64xf32, #tpu.memory_space<vmem_shared>> -> memref<128x64xf32, #tpu.memory_space<vmem_shared>>
      tpu.wait_dma2 semaphore(%run_scoped3A : memref<!tpu.dma_semaphore, #tpu.memory_space<semaphore_mem>>) src(%arg10 : memref<128x64xf32, #tpu.memory_space<vmem>>) dst(%dma_wait3A_84 : memref<128x64xf32, #tpu.memory_space<vmem_shared>>)
      tpu.yield
    }) : () -> ()
    %mul3A_59 = arith.constant 640 : i32
    %mul3A_60 = arith.muli %arg1, %mul3A_59 : i32
    %add3A_61 = arith.constant 512 : i32
    %add3A_62 = arith.addi %mul3A_60, %add3A_61 : i32
    "tpu.region"() ({
      %run_scoped3A = tpu.sem_alloc : memref<!tpu.dma_semaphore, #tpu.memory_space<semaphore_mem>>
      %dma_start3A = arith.constant 0 : i32
      %dma_start3A_79 = tpu.memref_slice %arg11[%add3A_62, %dma_start3A] : memref<10240x64xf32, #tpu.memory_space<vmem_shared>> -> memref<128x64xf32, #tpu.memory_space<vmem_shared>>
      %dma_start3A_80 = arith.constant 0 : i32
      %dma_start3A_81 = tpu.memref_slice %arg11[%add3A_62, %dma_start3A_80] : memref<10240x64xf32, #tpu.memory_space<vmem_shared>> -> memref<128x64xf32, #tpu.memory_space<vmem_shared>>
      tpu.enqueue_dma source(%arg10 : memref<128x64xf32, #tpu.memory_space<vmem>>) target(%dma_start3A_81 : memref<128x64xf32, #tpu.memory_space<vmem_shared>>) target_semaphore(%run_scoped3A : memref<!tpu.dma_semaphore, #tpu.memory_space<semaphore_mem>>)
      %dma_wait3A = arith.constant 0 : i32
      %dma_wait3A_82 = tpu.memref_slice %arg11[%add3A_62, %dma_wait3A] : memref<10240x64xf32, #tpu.memory_space<vmem_shared>> -> memref<128x64xf32, #tpu.memory_space<vmem_shared>>
      %dma_wait3A_83 = arith.constant 0 : i32
      %dma_wait3A_84 = tpu.memref_slice %arg11[%add3A_62, %dma_wait3A_83] : memref<10240x64xf32, #tpu.memory_space<vmem_shared>> -> memref<128x64xf32, #tpu.memory_space<vmem_shared>>
      tpu.wait_dma2 semaphore(%run_scoped3A : memref<!tpu.dma_semaphore, #tpu.memory_space<semaphore_mem>>) src(%arg10 : memref<128x64xf32, #tpu.memory_space<vmem>>) dst(%dma_wait3A_84 : memref<128x64xf32, #tpu.memory_space<vmem_shared>>)
      tpu.yield
    }) : () -> ()
    %barrier3A_63 = arith.constant 0 : index
    tpu.barrier barrier_id(%barrier3A_63)
    %scan3A_64 = arith.constant 0 : i32
    %scan3A_65 = arith.constant 16 : i32
    %scan3A_66 = arith.addi %scan3A_64, %scan3A_65 : i32
    %scan3A_67 = arith.constant 1 : i32
    scf.for %scan3A_79 = %scan3A_64 to %scan3A_66 step %scan3A_67  : i32 {
      %mul3A_80 = arith.constant 1 : i32
      %mul3A_81 = arith.muli %scan3A_79, %mul3A_80 : i32
      %add3A_82 = arith.constant 0 : i32
      %add3A_83 = arith.addi %add3A_82, %mul3A_81 : i32
      "tpu.region"() ({
        %run_scoped3A = tpu.sem_alloc : memref<!tpu.dma_semaphore, #tpu.memory_space<semaphore_mem>>
        %dma_start3A = arith.constant 0 : i32
        %dma_start3A_84 = tpu.memref_slice %arg7[%add3A_83, %dma_start3A] : memref<16x640xi32, #tpu.memory_space<vmem>> -> memref<1x640xi32, #tpu.memory_space<vmem>>
        %dma_start3A_85 = tpu.memref_squeeze %dma_start3A_84 : memref<1x640xi32, #tpu.memory_space<vmem>> -> memref<640xi32, #tpu.memory_space<vmem>>
        %dma_start3A_86 = arith.constant 0 : i32
        %dma_start3A_87 = arith.constant 0 : i32
        %dma_start3A_88 = tpu.memref_slice %arg2[%dma_start3A_86, %dma_start3A_87] : memref<40000x64xf32, #tpu.memory_space<hbm>> -> memref<40000x64xf32, #tpu.memory_space<hbm>>
        tpu.enqueue_indirect_dma source(%dma_start3A_88 : memref<40000x64xf32, #tpu.memory_space<hbm>>) target(%arg9 : memref<640x64xf32, #tpu.memory_space<vmem>>) offsets(%dma_start3A_85 : memref<640xi32, #tpu.memory_space<vmem>>) semaphore(%run_scoped3A : memref<!tpu.dma_semaphore, #tpu.memory_space<semaphore_mem>>)
        %dma_wait3A = arith.constant 0 : i32
        %dma_wait3A_89 = tpu.memref_slice %arg7[%add3A_83, %dma_wait3A] : memref<16x640xi32, #tpu.memory_space<vmem>> -> memref<1x640xi32, #tpu.memory_space<vmem>>
        %dma_wait3A_90 = tpu.memref_squeeze %dma_wait3A_89 : memref<1x640xi32, #tpu.memory_space<vmem>> -> memref<640xi32, #tpu.memory_space<vmem>>
        %dma_wait3A_91 = arith.constant 0 : i32
        %dma_wait3A_92 = arith.constant 0 : i32
        %dma_wait3A_93 = tpu.memref_slice %arg2[%dma_wait3A_91, %dma_wait3A_92] : memref<40000x64xf32, #tpu.memory_space<hbm>> -> memref<40000x64xf32, #tpu.memory_space<hbm>>
        tpu.wait_indirect_dma semaphore(%run_scoped3A : memref<!tpu.dma_semaphore, #tpu.memory_space<semaphore_mem>>) src(%dma_wait3A_93 : memref<40000x64xf32, #tpu.memory_space<hbm>>) dst(%arg9 : memref<640x64xf32, #tpu.memory_space<vmem>>)
        tpu.yield
      }) : () -> ()
      "tpu.region"() ({
        %run_scoped3A = tpu.sem_alloc : memref<!tpu.dma_semaphore, #tpu.memory_space<semaphore_mem>>
        %dma_start3A = arith.constant 0 : i32
        %dma_start3A_84 = tpu.memref_slice %arg8[%add3A_83, %dma_start3A] : memref<16x640xi32, #tpu.memory_space<vmem>> -> memref<1x640xi32, #tpu.memory_space<vmem>>
        %dma_start3A_85 = tpu.memref_squeeze %dma_start3A_84 : memref<1x640xi32, #tpu.memory_space<vmem>> -> memref<640xi32, #tpu.memory_space<vmem>>
        %dma_start3A_86 = arith.constant 0 : i32
        %dma_start3A_87 = arith.constant 0 : i32
        %dma_start3A_88 = tpu.memref_slice %arg11[%dma_start3A_86, %dma_start3A_87] : memref<10240x64xf32, #tpu.memory_space<vmem_shared>> -> memref<10240x64xf32, #tpu.memory_space<vmem_shared>>
        tpu.enqueue_indirect_dma source(%arg9 : memref<640x64xf32, #tpu.memory_space<vmem>>) target(%dma_start3A_88 : memref<10240x64xf32, #tpu.memory_space<vmem_shared>>) offsets(%dma_start3A_85 : memref<640xi32, #tpu.memory_space<vmem>>) semaphore(%run_scoped3A : memref<!tpu.dma_semaphore, #tpu.memory_space<semaphore_mem>>) {add = true}
        %dma_wait3A = arith.constant 0 : i32
        %dma_wait3A_89 = tpu.memref_slice %arg8[%add3A_83, %dma_wait3A] : memref<16x640xi32, #tpu.memory_space<vmem>> -> memref<1x640xi32, #tpu.memory_space<vmem>>
        %dma_wait3A_90 = tpu.memref_squeeze %dma_wait3A_89 : memref<1x640xi32, #tpu.memory_space<vmem>> -> memref<640xi32, #tpu.memory_space<vmem>>
        %dma_wait3A_91 = arith.constant 0 : i32
        %dma_wait3A_92 = arith.constant 0 : i32
        %dma_wait3A_93 = tpu.memref_slice %arg11[%dma_wait3A_91, %dma_wait3A_92] : memref<10240x64xf32, #tpu.memory_space<vmem_shared>> -> memref<10240x64xf32, #tpu.memory_space<vmem_shared>>
        tpu.wait_indirect_dma semaphore(%run_scoped3A : memref<!tpu.dma_semaphore, #tpu.memory_space<semaphore_mem>>) src(%arg9 : memref<640x64xf32, #tpu.memory_space<vmem>>) dst(%dma_wait3A_93 : memref<10240x64xf32, #tpu.memory_space<vmem_shared>>)
        tpu.yield
      }) : () -> ()
    }
    %scan3A_68 = arith.constant 16 : i32
    %barrier3A_69 = arith.constant 0 : index
    tpu.barrier barrier_id(%barrier3A_69)
    %mul3A_70 = arith.constant 640 : i32
    %mul3A_71 = arith.muli %arg1, %mul3A_70 : i32
    %add3A_72 = arith.constant 2 : i32
    %add3A_73 = arith.addi %add3A_72, %arg0 : i32
    %mul3A_74 = arith.constant 10240 : i32
    %mul3A_75 = arith.muli %add3A_73, %mul3A_74 : i32
    %mul3A_76 = arith.constant 640 : i32
    %mul3A_77 = arith.muli %arg1, %mul3A_76 : i32
    %add3A_78 = arith.addi %mul3A_75, %mul3A_77 : i32
    "tpu.region"() ({
      %run_scoped3A = tpu.sem_alloc : memref<!tpu.dma_semaphore, #tpu.memory_space<semaphore_mem>>
      %dma_start3A = arith.constant 0 : i32
      %dma_start3A_79 = tpu.memref_slice %arg6[%add3A_78, %dma_start3A] : memref<40960x64xf32, #tpu.memory_space<hbm>> -> memref<640x64xf32, #tpu.memory_space<hbm>>
      %dma_start3A_80 = arith.constant 0 : i32
      %dma_start3A_81 = tpu.memref_slice %arg11[%mul3A_71, %dma_start3A_80] : memref<10240x64xf32, #tpu.memory_space<vmem_shared>> -> memref<640x64xf32, #tpu.memory_space<vmem_shared>>
      tpu.enqueue_dma source(%dma_start3A_81 : memref<640x64xf32, #tpu.memory_space<vmem_shared>>) target(%dma_start3A_79 : memref<640x64xf32, #tpu.memory_space<hbm>>) target_semaphore(%run_scoped3A : memref<!tpu.dma_semaphore, #tpu.memory_space<semaphore_mem>>)
      %dma_wait3A = arith.constant 0 : i32
      %dma_wait3A_82 = tpu.memref_slice %arg6[%add3A_78, %dma_wait3A] : memref<40960x64xf32, #tpu.memory_space<hbm>> -> memref<640x64xf32, #tpu.memory_space<hbm>>
      %dma_wait3A_83 = arith.constant 0 : i32
      %dma_wait3A_84 = tpu.memref_slice %arg11[%mul3A_71, %dma_wait3A_83] : memref<10240x64xf32, #tpu.memory_space<vmem_shared>> -> memref<640x64xf32, #tpu.memory_space<vmem_shared>>
      tpu.wait_dma2 semaphore(%run_scoped3A : memref<!tpu.dma_semaphore, #tpu.memory_space<semaphore_mem>>) src(%dma_wait3A_84 : memref<640x64xf32, #tpu.memory_space<vmem_shared>>) dst(%dma_wait3A_82 : memref<640x64xf32, #tpu.memory_space<hbm>>)
      tpu.yield
    }) : () -> ()
    return
  }
}

#map = affine_map<(d0, d1) -> (0, 0, 0)>
#map1 = affine_map<(d0, d1) -> (0, 0)>
module attributes {stable_mosaic.version = 14 : i64} {
  func.func @_hist_body(%arg0: i32, %arg1: i32, %arg2: memref<64x16x640xi32, #tpu.memory_space<hbm>>, %arg3: memref<640x16xf32, #tpu.memory_space<hbm>>, %arg4: memref<640x16xf32, #tpu.memory_space<hbm>>, %arg5: memref<40960x16xf32, #tpu.memory_space<hbm>>, %arg6: memref<16x640xi32, #tpu.memory_space<vmem>>, %arg7: memref<640x16xf32, #tpu.memory_space<vmem>>, %arg8: memref<640x16xf32, #tpu.memory_space<vmem>>, %arg9: memref<10240x16xf32, #tpu.memory_space<vmem_shared>>, %arg10: memref<10240x16xf32, #tpu.memory_space<vmem_shared>>) attributes {dimension_semantics = [#tpu.dimension_semantics<core_parallel>, #tpu.dimension_semantics<subcore_parallel>], iteration_bounds = array<i64: 2, 16>, scalar_prefetch = 0 : i64, scratch_operands = 5 : i64, tpu.core_type = #tpu.core_type<sc_vector_subcore>, window_params = [{transform_indices = #map}, {transform_indices = #map1}, {transform_indices = #map1}, {transform_indices = #map1}]} {
    "tpu.region"() ({
      %run_scoped3A = tpu.sem_alloc : memref<!tpu.dma_semaphore, #tpu.memory_space<semaphore_mem>>
      tpu.enqueue_dma source(%arg3 : memref<640x16xf32, #tpu.memory_space<hbm>>) target(%arg7 : memref<640x16xf32, #tpu.memory_space<vmem>>) target_semaphore(%run_scoped3A : memref<!tpu.dma_semaphore, #tpu.memory_space<semaphore_mem>>)
      tpu.wait_dma2 semaphore(%run_scoped3A : memref<!tpu.dma_semaphore, #tpu.memory_space<semaphore_mem>>) src(%arg3 : memref<640x16xf32, #tpu.memory_space<hbm>>) dst(%arg7 : memref<640x16xf32, #tpu.memory_space<vmem>>)
      tpu.yield
    }) : () -> ()
    "tpu.region"() ({
      %run_scoped3A = tpu.sem_alloc : memref<!tpu.dma_semaphore, #tpu.memory_space<semaphore_mem>>
      tpu.enqueue_dma source(%arg4 : memref<640x16xf32, #tpu.memory_space<hbm>>) target(%arg8 : memref<640x16xf32, #tpu.memory_space<vmem>>) target_semaphore(%run_scoped3A : memref<!tpu.dma_semaphore, #tpu.memory_space<semaphore_mem>>)
      tpu.wait_dma2 semaphore(%run_scoped3A : memref<!tpu.dma_semaphore, #tpu.memory_space<semaphore_mem>>) src(%arg4 : memref<640x16xf32, #tpu.memory_space<hbm>>) dst(%arg8 : memref<640x16xf32, #tpu.memory_space<vmem>>)
      tpu.yield
    }) : () -> ()
    %mul3A = arith.constant 640 : i32
    %mul3A_0 = arith.muli %arg1, %mul3A : i32
    "tpu.region"() ({
      %run_scoped3A = tpu.sem_alloc : memref<!tpu.dma_semaphore, #tpu.memory_space<semaphore_mem>>
      %dma_start3A = arith.constant 0 : i32
      %dma_start3A_44 = tpu.memref_slice %arg9[%mul3A_0, %dma_start3A] : memref<10240x16xf32, #tpu.memory_space<vmem_shared>> -> memref<640x16xf32, #tpu.memory_space<vmem_shared>>
      %dma_start3A_45 = arith.constant 0 : i32
      %dma_start3A_46 = tpu.memref_slice %arg9[%mul3A_0, %dma_start3A_45] : memref<10240x16xf32, #tpu.memory_space<vmem_shared>> -> memref<640x16xf32, #tpu.memory_space<vmem_shared>>
      tpu.enqueue_dma source(%arg8 : memref<640x16xf32, #tpu.memory_space<vmem>>) target(%dma_start3A_46 : memref<640x16xf32, #tpu.memory_space<vmem_shared>>) target_semaphore(%run_scoped3A : memref<!tpu.dma_semaphore, #tpu.memory_space<semaphore_mem>>)
      %dma_wait3A = arith.constant 0 : i32
      %dma_wait3A_47 = tpu.memref_slice %arg9[%mul3A_0, %dma_wait3A] : memref<10240x16xf32, #tpu.memory_space<vmem_shared>> -> memref<640x16xf32, #tpu.memory_space<vmem_shared>>
      %dma_wait3A_48 = arith.constant 0 : i32
      %dma_wait3A_49 = tpu.memref_slice %arg9[%mul3A_0, %dma_wait3A_48] : memref<10240x16xf32, #tpu.memory_space<vmem_shared>> -> memref<640x16xf32, #tpu.memory_space<vmem_shared>>
      tpu.wait_dma2 semaphore(%run_scoped3A : memref<!tpu.dma_semaphore, #tpu.memory_space<semaphore_mem>>) src(%arg8 : memref<640x16xf32, #tpu.memory_space<vmem>>) dst(%dma_wait3A_49 : memref<640x16xf32, #tpu.memory_space<vmem_shared>>)
      tpu.yield
    }) : () -> ()
    %mul3A_1 = arith.constant 640 : i32
    %mul3A_2 = arith.muli %arg1, %mul3A_1 : i32
    "tpu.region"() ({
      %run_scoped3A = tpu.sem_alloc : memref<!tpu.dma_semaphore, #tpu.memory_space<semaphore_mem>>
      %dma_start3A = arith.constant 0 : i32
      %dma_start3A_44 = tpu.memref_slice %arg10[%mul3A_2, %dma_start3A] : memref<10240x16xf32, #tpu.memory_space<vmem_shared>> -> memref<640x16xf32, #tpu.memory_space<vmem_shared>>
      %dma_start3A_45 = arith.constant 0 : i32
      %dma_start3A_46 = tpu.memref_slice %arg10[%mul3A_2, %dma_start3A_45] : memref<10240x16xf32, #tpu.memory_space<vmem_shared>> -> memref<640x16xf32, #tpu.memory_space<vmem_shared>>
      tpu.enqueue_dma source(%arg8 : memref<640x16xf32, #tpu.memory_space<vmem>>) target(%dma_start3A_46 : memref<640x16xf32, #tpu.memory_space<vmem_shared>>) target_semaphore(%run_scoped3A : memref<!tpu.dma_semaphore, #tpu.memory_space<semaphore_mem>>)
      %dma_wait3A = arith.constant 0 : i32
      %dma_wait3A_47 = tpu.memref_slice %arg10[%mul3A_2, %dma_wait3A] : memref<10240x16xf32, #tpu.memory_space<vmem_shared>> -> memref<640x16xf32, #tpu.memory_space<vmem_shared>>
      %dma_wait3A_48 = arith.constant 0 : i32
      %dma_wait3A_49 = tpu.memref_slice %arg10[%mul3A_2, %dma_wait3A_48] : memref<10240x16xf32, #tpu.memory_space<vmem_shared>> -> memref<640x16xf32, #tpu.memory_space<vmem_shared>>
      tpu.wait_dma2 semaphore(%run_scoped3A : memref<!tpu.dma_semaphore, #tpu.memory_space<semaphore_mem>>) src(%arg8 : memref<640x16xf32, #tpu.memory_space<vmem>>) dst(%dma_wait3A_49 : memref<640x16xf32, #tpu.memory_space<vmem_shared>>)
      tpu.yield
    }) : () -> ()
    %barrier3A = arith.constant 0 : index
    tpu.barrier barrier_id(%barrier3A)
    %mul3A_3 = arith.constant 2 : i32
    %mul3A_4 = arith.muli %mul3A_3, %arg0 : i32
    %mul3A_5 = arith.constant 16 : i32
    %mul3A_6 = arith.muli %mul3A_4, %mul3A_5 : i32
    %add3A = arith.addi %mul3A_6, %arg1 : i32
    "tpu.region"() ({
      %run_scoped3A = tpu.sem_alloc : memref<!tpu.dma_semaphore, #tpu.memory_space<semaphore_mem>>
      %dma_start3A = arith.constant 0 : i32
      %dma_start3A_44 = arith.constant 0 : i32
      %dma_start3A_45 = tpu.memref_slice %arg2[%add3A, %dma_start3A, %dma_start3A_44] : memref<64x16x640xi32, #tpu.memory_space<hbm>> -> memref<1x16x640xi32, #tpu.memory_space<hbm>>
      %dma_start3A_46 = tpu.memref_squeeze %dma_start3A_45 : memref<1x16x640xi32, #tpu.memory_space<hbm>> -> memref<16x640xi32, #tpu.memory_space<hbm>>
      %dma_start3A_47 = arith.constant 0 : i32
      %dma_start3A_48 = arith.constant 0 : i32
      %dma_start3A_49 = tpu.memref_slice %arg2[%add3A, %dma_start3A_47, %dma_start3A_48] : memref<64x16x640xi32, #tpu.memory_space<hbm>> -> memref<1x16x640xi32, #tpu.memory_space<hbm>>
      %dma_start3A_50 = tpu.memref_squeeze %dma_start3A_49 : memref<1x16x640xi32, #tpu.memory_space<hbm>> -> memref<16x640xi32, #tpu.memory_space<hbm>>
      tpu.enqueue_dma source(%dma_start3A_50 : memref<16x640xi32, #tpu.memory_space<hbm>>) target(%arg6 : memref<16x640xi32, #tpu.memory_space<vmem>>) target_semaphore(%run_scoped3A : memref<!tpu.dma_semaphore, #tpu.memory_space<semaphore_mem>>)
      %dma_wait3A = arith.constant 0 : i32
      %dma_wait3A_51 = arith.constant 0 : i32
      %dma_wait3A_52 = tpu.memref_slice %arg2[%add3A, %dma_wait3A, %dma_wait3A_51] : memref<64x16x640xi32, #tpu.memory_space<hbm>> -> memref<1x16x640xi32, #tpu.memory_space<hbm>>
      %dma_wait3A_53 = tpu.memref_squeeze %dma_wait3A_52 : memref<1x16x640xi32, #tpu.memory_space<hbm>> -> memref<16x640xi32, #tpu.memory_space<hbm>>
      %dma_wait3A_54 = arith.constant 0 : i32
      %dma_wait3A_55 = arith.constant 0 : i32
      %dma_wait3A_56 = tpu.memref_slice %arg2[%add3A, %dma_wait3A_54, %dma_wait3A_55] : memref<64x16x640xi32, #tpu.memory_space<hbm>> -> memref<1x16x640xi32, #tpu.memory_space<hbm>>
      %dma_wait3A_57 = tpu.memref_squeeze %dma_wait3A_56 : memref<1x16x640xi32, #tpu.memory_space<hbm>> -> memref<16x640xi32, #tpu.memory_space<hbm>>
      tpu.wait_dma2 semaphore(%run_scoped3A : memref<!tpu.dma_semaphore, #tpu.memory_space<semaphore_mem>>) src(%dma_wait3A_57 : memref<16x640xi32, #tpu.memory_space<hbm>>) dst(%arg6 : memref<16x640xi32, #tpu.memory_space<vmem>>)
      tpu.yield
    }) : () -> ()
    %scan3A = arith.constant 0 : i32
    %scan3A_7 = arith.constant 16 : i32
    %scan3A_8 = arith.addi %scan3A, %scan3A_7 : i32
    %scan3A_9 = arith.constant 1 : i32
    scf.for %scan3A_44 = %scan3A to %scan3A_8 step %scan3A_9  : i32 {
      %mul3A_45 = arith.constant 1 : i32
      %mul3A_46 = arith.muli %scan3A_44, %mul3A_45 : i32
      %add3A_47 = arith.constant 0 : i32
      %add3A_48 = arith.addi %add3A_47, %mul3A_46 : i32
      "tpu.region"() ({
        %run_scoped3A = tpu.sem_alloc : memref<!tpu.dma_semaphore, #tpu.memory_space<semaphore_mem>>
        %dma_start3A = arith.constant 0 : i32
        %dma_start3A_49 = tpu.memref_slice %arg6[%add3A_48, %dma_start3A] : memref<16x640xi32, #tpu.memory_space<vmem>> -> memref<1x640xi32, #tpu.memory_space<vmem>>
        %dma_start3A_50 = tpu.memref_squeeze %dma_start3A_49 : memref<1x640xi32, #tpu.memory_space<vmem>> -> memref<640xi32, #tpu.memory_space<vmem>>
        %dma_start3A_51 = arith.constant 0 : i32
        %dma_start3A_52 = arith.constant 0 : i32
        %dma_start3A_53 = tpu.memref_slice %arg9[%dma_start3A_51, %dma_start3A_52] : memref<10240x16xf32, #tpu.memory_space<vmem_shared>> -> memref<10240x16xf32, #tpu.memory_space<vmem_shared>>
        tpu.enqueue_indirect_dma source(%arg7 : memref<640x16xf32, #tpu.memory_space<vmem>>) target(%dma_start3A_53 : memref<10240x16xf32, #tpu.memory_space<vmem_shared>>) offsets(%dma_start3A_50 : memref<640xi32, #tpu.memory_space<vmem>>) semaphore(%run_scoped3A : memref<!tpu.dma_semaphore, #tpu.memory_space<semaphore_mem>>) {add = true}
        %dma_wait3A = arith.constant 0 : i32
        %dma_wait3A_54 = tpu.memref_slice %arg6[%add3A_48, %dma_wait3A] : memref<16x640xi32, #tpu.memory_space<vmem>> -> memref<1x640xi32, #tpu.memory_space<vmem>>
        %dma_wait3A_55 = tpu.memref_squeeze %dma_wait3A_54 : memref<1x640xi32, #tpu.memory_space<vmem>> -> memref<640xi32, #tpu.memory_space<vmem>>
        %dma_wait3A_56 = arith.constant 0 : i32
        %dma_wait3A_57 = arith.constant 0 : i32
        %dma_wait3A_58 = tpu.memref_slice %arg9[%dma_wait3A_56, %dma_wait3A_57] : memref<10240x16xf32, #tpu.memory_space<vmem_shared>> -> memref<10240x16xf32, #tpu.memory_space<vmem_shared>>
        tpu.wait_indirect_dma semaphore(%run_scoped3A : memref<!tpu.dma_semaphore, #tpu.memory_space<semaphore_mem>>) src(%arg7 : memref<640x16xf32, #tpu.memory_space<vmem>>) dst(%dma_wait3A_58 : memref<10240x16xf32, #tpu.memory_space<vmem_shared>>)
        tpu.yield
      }) : () -> ()
    }
    %scan3A_10 = arith.constant 16 : i32
    %mul3A_11 = arith.constant 2 : i32
    %mul3A_12 = arith.muli %mul3A_11, %arg0 : i32
    %add3A_13 = arith.constant 1 : i32
    %add3A_14 = arith.addi %mul3A_12, %add3A_13 : i32
    %mul3A_15 = arith.constant 16 : i32
    %mul3A_16 = arith.muli %add3A_14, %mul3A_15 : i32
    %add3A_17 = arith.addi %mul3A_16, %arg1 : i32
    "tpu.region"() ({
      %run_scoped3A = tpu.sem_alloc : memref<!tpu.dma_semaphore, #tpu.memory_space<semaphore_mem>>
      %dma_start3A = arith.constant 0 : i32
      %dma_start3A_44 = arith.constant 0 : i32
      %dma_start3A_45 = tpu.memref_slice %arg2[%add3A_17, %dma_start3A, %dma_start3A_44] : memref<64x16x640xi32, #tpu.memory_space<hbm>> -> memref<1x16x640xi32, #tpu.memory_space<hbm>>
      %dma_start3A_46 = tpu.memref_squeeze %dma_start3A_45 : memref<1x16x640xi32, #tpu.memory_space<hbm>> -> memref<16x640xi32, #tpu.memory_space<hbm>>
      %dma_start3A_47 = arith.constant 0 : i32
      %dma_start3A_48 = arith.constant 0 : i32
      %dma_start3A_49 = tpu.memref_slice %arg2[%add3A_17, %dma_start3A_47, %dma_start3A_48] : memref<64x16x640xi32, #tpu.memory_space<hbm>> -> memref<1x16x640xi32, #tpu.memory_space<hbm>>
      %dma_start3A_50 = tpu.memref_squeeze %dma_start3A_49 : memref<1x16x640xi32, #tpu.memory_space<hbm>> -> memref<16x640xi32, #tpu.memory_space<hbm>>
      tpu.enqueue_dma source(%dma_start3A_50 : memref<16x640xi32, #tpu.memory_space<hbm>>) target(%arg6 : memref<16x640xi32, #tpu.memory_space<vmem>>) target_semaphore(%run_scoped3A : memref<!tpu.dma_semaphore, #tpu.memory_space<semaphore_mem>>)
      %dma_wait3A = arith.constant 0 : i32
      %dma_wait3A_51 = arith.constant 0 : i32
      %dma_wait3A_52 = tpu.memref_slice %arg2[%add3A_17, %dma_wait3A, %dma_wait3A_51] : memref<64x16x640xi32, #tpu.memory_space<hbm>> -> memref<1x16x640xi32, #tpu.memory_space<hbm>>
      %dma_wait3A_53 = tpu.memref_squeeze %dma_wait3A_52 : memref<1x16x640xi32, #tpu.memory_space<hbm>> -> memref<16x640xi32, #tpu.memory_space<hbm>>
      %dma_wait3A_54 = arith.constant 0 : i32
      %dma_wait3A_55 = arith.constant 0 : i32
      %dma_wait3A_56 = tpu.memref_slice %arg2[%add3A_17, %dma_wait3A_54, %dma_wait3A_55] : memref<64x16x640xi32, #tpu.memory_space<hbm>> -> memref<1x16x640xi32, #tpu.memory_space<hbm>>
      %dma_wait3A_57 = tpu.memref_squeeze %dma_wait3A_56 : memref<1x16x640xi32, #tpu.memory_space<hbm>> -> memref<16x640xi32, #tpu.memory_space<hbm>>
      tpu.wait_dma2 semaphore(%run_scoped3A : memref<!tpu.dma_semaphore, #tpu.memory_space<semaphore_mem>>) src(%dma_wait3A_57 : memref<16x640xi32, #tpu.memory_space<hbm>>) dst(%arg6 : memref<16x640xi32, #tpu.memory_space<vmem>>)
      tpu.yield
    }) : () -> ()
    %scan3A_18 = arith.constant 0 : i32
    %scan3A_19 = arith.constant 16 : i32
    %scan3A_20 = arith.addi %scan3A_18, %scan3A_19 : i32
    %scan3A_21 = arith.constant 1 : i32
    scf.for %scan3A_44 = %scan3A_18 to %scan3A_20 step %scan3A_21  : i32 {
      %mul3A_45 = arith.constant 1 : i32
      %mul3A_46 = arith.muli %scan3A_44, %mul3A_45 : i32
      %add3A_47 = arith.constant 0 : i32
      %add3A_48 = arith.addi %add3A_47, %mul3A_46 : i32
      "tpu.region"() ({
        %run_scoped3A = tpu.sem_alloc : memref<!tpu.dma_semaphore, #tpu.memory_space<semaphore_mem>>
        %dma_start3A = arith.constant 0 : i32
        %dma_start3A_49 = tpu.memref_slice %arg6[%add3A_48, %dma_start3A] : memref<16x640xi32, #tpu.memory_space<vmem>> -> memref<1x640xi32, #tpu.memory_space<vmem>>
        %dma_start3A_50 = tpu.memref_squeeze %dma_start3A_49 : memref<1x640xi32, #tpu.memory_space<vmem>> -> memref<640xi32, #tpu.memory_space<vmem>>
        %dma_start3A_51 = arith.constant 0 : i32
        %dma_start3A_52 = arith.constant 0 : i32
        %dma_start3A_53 = tpu.memref_slice %arg10[%dma_start3A_51, %dma_start3A_52] : memref<10240x16xf32, #tpu.memory_space<vmem_shared>> -> memref<10240x16xf32, #tpu.memory_space<vmem_shared>>
        tpu.enqueue_indirect_dma source(%arg7 : memref<640x16xf32, #tpu.memory_space<vmem>>) target(%dma_start3A_53 : memref<10240x16xf32, #tpu.memory_space<vmem_shared>>) offsets(%dma_start3A_50 : memref<640xi32, #tpu.memory_space<vmem>>) semaphore(%run_scoped3A : memref<!tpu.dma_semaphore, #tpu.memory_space<semaphore_mem>>) {add = true}
        %dma_wait3A = arith.constant 0 : i32
        %dma_wait3A_54 = tpu.memref_slice %arg6[%add3A_48, %dma_wait3A] : memref<16x640xi32, #tpu.memory_space<vmem>> -> memref<1x640xi32, #tpu.memory_space<vmem>>
        %dma_wait3A_55 = tpu.memref_squeeze %dma_wait3A_54 : memref<1x640xi32, #tpu.memory_space<vmem>> -> memref<640xi32, #tpu.memory_space<vmem>>
        %dma_wait3A_56 = arith.constant 0 : i32
        %dma_wait3A_57 = arith.constant 0 : i32
        %dma_wait3A_58 = tpu.memref_slice %arg10[%dma_wait3A_56, %dma_wait3A_57] : memref<10240x16xf32, #tpu.memory_space<vmem_shared>> -> memref<10240x16xf32, #tpu.memory_space<vmem_shared>>
        tpu.wait_indirect_dma semaphore(%run_scoped3A : memref<!tpu.dma_semaphore, #tpu.memory_space<semaphore_mem>>) src(%arg7 : memref<640x16xf32, #tpu.memory_space<vmem>>) dst(%dma_wait3A_58 : memref<10240x16xf32, #tpu.memory_space<vmem_shared>>)
        tpu.yield
      }) : () -> ()
    }
    %scan3A_22 = arith.constant 16 : i32
    %barrier3A_23 = arith.constant 0 : index
    tpu.barrier barrier_id(%barrier3A_23)
    %mul3A_24 = arith.constant 640 : i32
    %mul3A_25 = arith.muli %arg1, %mul3A_24 : i32
    %mul3A_26 = arith.constant 2 : i32
    %mul3A_27 = arith.muli %mul3A_26, %arg0 : i32
    %mul3A_28 = arith.constant 10240 : i32
    %mul3A_29 = arith.muli %mul3A_27, %mul3A_28 : i32
    %mul3A_30 = arith.constant 640 : i32
    %mul3A_31 = arith.muli %arg1, %mul3A_30 : i32
    %add3A_32 = arith.addi %mul3A_29, %mul3A_31 : i32
    "tpu.region"() ({
      %run_scoped3A = tpu.sem_alloc : memref<!tpu.dma_semaphore, #tpu.memory_space<semaphore_mem>>
      %dma_start3A = arith.constant 0 : i32
      %dma_start3A_44 = tpu.memref_slice %arg5[%add3A_32, %dma_start3A] : memref<40960x16xf32, #tpu.memory_space<hbm>> -> memref<640x16xf32, #tpu.memory_space<hbm>>
      %dma_start3A_45 = arith.constant 0 : i32
      %dma_start3A_46 = tpu.memref_slice %arg9[%mul3A_25, %dma_start3A_45] : memref<10240x16xf32, #tpu.memory_space<vmem_shared>> -> memref<640x16xf32, #tpu.memory_space<vmem_shared>>
      tpu.enqueue_dma source(%dma_start3A_46 : memref<640x16xf32, #tpu.memory_space<vmem_shared>>) target(%dma_start3A_44 : memref<640x16xf32, #tpu.memory_space<hbm>>) target_semaphore(%run_scoped3A : memref<!tpu.dma_semaphore, #tpu.memory_space<semaphore_mem>>)
      %dma_wait3A = arith.constant 0 : i32
      %dma_wait3A_47 = tpu.memref_slice %arg5[%add3A_32, %dma_wait3A] : memref<40960x16xf32, #tpu.memory_space<hbm>> -> memref<640x16xf32, #tpu.memory_space<hbm>>
      %dma_wait3A_48 = arith.constant 0 : i32
      %dma_wait3A_49 = tpu.memref_slice %arg9[%mul3A_25, %dma_wait3A_48] : memref<10240x16xf32, #tpu.memory_space<vmem_shared>> -> memref<640x16xf32, #tpu.memory_space<vmem_shared>>
      tpu.wait_dma2 semaphore(%run_scoped3A : memref<!tpu.dma_semaphore, #tpu.memory_space<semaphore_mem>>) src(%dma_wait3A_49 : memref<640x16xf32, #tpu.memory_space<vmem_shared>>) dst(%dma_wait3A_47 : memref<640x16xf32, #tpu.memory_space<hbm>>)
      tpu.yield
    }) : () -> ()
    %mul3A_33 = arith.constant 640 : i32
    %mul3A_34 = arith.muli %arg1, %mul3A_33 : i32
    %mul3A_35 = arith.constant 2 : i32
    %mul3A_36 = arith.muli %mul3A_35, %arg0 : i32
    %add3A_37 = arith.constant 1 : i32
    %add3A_38 = arith.addi %mul3A_36, %add3A_37 : i32
    %mul3A_39 = arith.constant 10240 : i32
    %mul3A_40 = arith.muli %add3A_38, %mul3A_39 : i32
    %mul3A_41 = arith.constant 640 : i32
    %mul3A_42 = arith.muli %arg1, %mul3A_41 : i32
    %add3A_43 = arith.addi %mul3A_40, %mul3A_42 : i32
    "tpu.region"() ({
      %run_scoped3A = tpu.sem_alloc : memref<!tpu.dma_semaphore, #tpu.memory_space<semaphore_mem>>
      %dma_start3A = arith.constant 0 : i32
      %dma_start3A_44 = tpu.memref_slice %arg5[%add3A_43, %dma_start3A] : memref<40960x16xf32, #tpu.memory_space<hbm>> -> memref<640x16xf32, #tpu.memory_space<hbm>>
      %dma_start3A_45 = arith.constant 0 : i32
      %dma_start3A_46 = tpu.memref_slice %arg10[%mul3A_34, %dma_start3A_45] : memref<10240x16xf32, #tpu.memory_space<vmem_shared>> -> memref<640x16xf32, #tpu.memory_space<vmem_shared>>
      tpu.enqueue_dma source(%dma_start3A_46 : memref<640x16xf32, #tpu.memory_space<vmem_shared>>) target(%dma_start3A_44 : memref<640x16xf32, #tpu.memory_space<hbm>>) target_semaphore(%run_scoped3A : memref<!tpu.dma_semaphore, #tpu.memory_space<semaphore_mem>>)
      %dma_wait3A = arith.constant 0 : i32
      %dma_wait3A_47 = tpu.memref_slice %arg5[%add3A_43, %dma_wait3A] : memref<40960x16xf32, #tpu.memory_space<hbm>> -> memref<640x16xf32, #tpu.memory_space<hbm>>
      %dma_wait3A_48 = arith.constant 0 : i32
      %dma_wait3A_49 = tpu.memref_slice %arg10[%mul3A_34, %dma_wait3A_48] : memref<10240x16xf32, #tpu.memory_space<vmem_shared>> -> memref<640x16xf32, #tpu.memory_space<vmem_shared>>
      tpu.wait_dma2 semaphore(%run_scoped3A : memref<!tpu.dma_semaphore, #tpu.memory_space<semaphore_mem>>) src(%dma_wait3A_49 : memref<640x16xf32, #tpu.memory_space<vmem_shared>>) dst(%dma_wait3A_47 : memref<640x16xf32, #tpu.memory_space<hbm>>)
      tpu.yield
    }) : () -> ()
    return
  }
}

#map = affine_map<(d0, d1) -> (0, 0)>
#map1 = affine_map<(d0, d1) -> (0, 0, 0)>
module attributes {stable_mosaic.version = 14 : i64} {
  func.func @_gs_body(%arg0: i32, %arg1: i32, %arg2: memref<20000x64xf32, #tpu.memory_space<hbm>>, %arg3: memref<32x16x640xi32, #tpu.memory_space<hbm>>, %arg4: memref<16x16x640xi32, #tpu.memory_space<hbm>>, %arg5: memref<128x64xf32, #tpu.memory_space<hbm>>, %arg6: memref<20480x64xf32, #tpu.memory_space<hbm>>, %arg7: memref<16x640xi32, #tpu.memory_space<vmem>>, %arg8: memref<16x640xi32, #tpu.memory_space<vmem>>, %arg9: memref<640x64xf32, #tpu.memory_space<vmem>>, %arg10: memref<128x64xf32, #tpu.memory_space<vmem>>, %arg11: memref<10240x64xf32, #tpu.memory_space<vmem_shared>>) attributes {dimension_semantics = [#tpu.dimension_semantics<core_parallel>, #tpu.dimension_semantics<subcore_parallel>], iteration_bounds = array<i64: 2, 16>, scalar_prefetch = 0 : i64, scratch_operands = 5 : i64, tpu.core_type = #tpu.core_type<sc_vector_subcore>, window_params = [{transform_indices = #map}, {transform_indices = #map1}, {transform_indices = #map1}, {transform_indices = #map}, {transform_indices = #map}]} {
    "tpu.region"() ({
      %run_scoped3A = tpu.sem_alloc : memref<!tpu.dma_semaphore, #tpu.memory_space<semaphore_mem>>
      %dma_start3A = arith.constant 0 : i32
      %dma_start3A_37 = arith.constant 0 : i32
      %dma_start3A_38 = tpu.memref_slice %arg4[%arg1, %dma_start3A, %dma_start3A_37] : memref<16x16x640xi32, #tpu.memory_space<hbm>> -> memref<1x16x640xi32, #tpu.memory_space<hbm>>
      %dma_start3A_39 = tpu.memref_squeeze %dma_start3A_38 : memref<1x16x640xi32, #tpu.memory_space<hbm>> -> memref<16x640xi32, #tpu.memory_space<hbm>>
      %dma_start3A_40 = arith.constant 0 : i32
      %dma_start3A_41 = arith.constant 0 : i32
      %dma_start3A_42 = tpu.memref_slice %arg4[%arg1, %dma_start3A_40, %dma_start3A_41] : memref<16x16x640xi32, #tpu.memory_space<hbm>> -> memref<1x16x640xi32, #tpu.memory_space<hbm>>
      %dma_start3A_43 = tpu.memref_squeeze %dma_start3A_42 : memref<1x16x640xi32, #tpu.memory_space<hbm>> -> memref<16x640xi32, #tpu.memory_space<hbm>>
      tpu.enqueue_dma source(%dma_start3A_43 : memref<16x640xi32, #tpu.memory_space<hbm>>) target(%arg8 : memref<16x640xi32, #tpu.memory_space<vmem>>) target_semaphore(%run_scoped3A : memref<!tpu.dma_semaphore, #tpu.memory_space<semaphore_mem>>)
      %dma_wait3A = arith.constant 0 : i32
      %dma_wait3A_44 = arith.constant 0 : i32
      %dma_wait3A_45 = tpu.memref_slice %arg4[%arg1, %dma_wait3A, %dma_wait3A_44] : memref<16x16x640xi32, #tpu.memory_space<hbm>> -> memref<1x16x640xi32, #tpu.memory_space<hbm>>
      %dma_wait3A_46 = tpu.memref_squeeze %dma_wait3A_45 : memref<1x16x640xi32, #tpu.memory_space<hbm>> -> memref<16x640xi32, #tpu.memory_space<hbm>>
      %dma_wait3A_47 = arith.constant 0 : i32
      %dma_wait3A_48 = arith.constant 0 : i32
      %dma_wait3A_49 = tpu.memref_slice %arg4[%arg1, %dma_wait3A_47, %dma_wait3A_48] : memref<16x16x640xi32, #tpu.memory_space<hbm>> -> memref<1x16x640xi32, #tpu.memory_space<hbm>>
      %dma_wait3A_50 = tpu.memref_squeeze %dma_wait3A_49 : memref<1x16x640xi32, #tpu.memory_space<hbm>> -> memref<16x640xi32, #tpu.memory_space<hbm>>
      tpu.wait_dma2 semaphore(%run_scoped3A : memref<!tpu.dma_semaphore, #tpu.memory_space<semaphore_mem>>) src(%dma_wait3A_50 : memref<16x640xi32, #tpu.memory_space<hbm>>) dst(%arg8 : memref<16x640xi32, #tpu.memory_space<vmem>>)
      tpu.yield
    }) : () -> ()
    "tpu.region"() ({
      %run_scoped3A = tpu.sem_alloc : memref<!tpu.dma_semaphore, #tpu.memory_space<semaphore_mem>>
      tpu.enqueue_dma source(%arg5 : memref<128x64xf32, #tpu.memory_space<hbm>>) target(%arg10 : memref<128x64xf32, #tpu.memory_space<vmem>>) target_semaphore(%run_scoped3A : memref<!tpu.dma_semaphore, #tpu.memory_space<semaphore_mem>>)
      tpu.wait_dma2 semaphore(%run_scoped3A : memref<!tpu.dma_semaphore, #tpu.memory_space<semaphore_mem>>) src(%arg5 : memref<128x64xf32, #tpu.memory_space<hbm>>) dst(%arg10 : memref<128x64xf32, #tpu.memory_space<vmem>>)
      tpu.yield
    }) : () -> ()
    %add3A = arith.constant 0 : i32
    %add3A_0 = arith.addi %add3A, %arg0 : i32
    %mul3A = arith.constant 16 : i32
    %mul3A_1 = arith.muli %add3A_0, %mul3A : i32
    %add3A_2 = arith.addi %mul3A_1, %arg1 : i32
    "tpu.region"() ({
      %run_scoped3A = tpu.sem_alloc : memref<!tpu.dma_semaphore, #tpu.memory_space<semaphore_mem>>
      %dma_start3A = arith.constant 0 : i32
      %dma_start3A_37 = arith.constant 0 : i32
      %dma_start3A_38 = tpu.memref_slice %arg3[%add3A_2, %dma_start3A, %dma_start3A_37] : memref<32x16x640xi32, #tpu.memory_space<hbm>> -> memref<1x16x640xi32, #tpu.memory_space<hbm>>
      %dma_start3A_39 = tpu.memref_squeeze %dma_start3A_38 : memref<1x16x640xi32, #tpu.memory_space<hbm>> -> memref<16x640xi32, #tpu.memory_space<hbm>>
      %dma_start3A_40 = arith.constant 0 : i32
      %dma_start3A_41 = arith.constant 0 : i32
      %dma_start3A_42 = tpu.memref_slice %arg3[%add3A_2, %dma_start3A_40, %dma_start3A_41] : memref<32x16x640xi32, #tpu.memory_space<hbm>> -> memref<1x16x640xi32, #tpu.memory_space<hbm>>
      %dma_start3A_43 = tpu.memref_squeeze %dma_start3A_42 : memref<1x16x640xi32, #tpu.memory_space<hbm>> -> memref<16x640xi32, #tpu.memory_space<hbm>>
      tpu.enqueue_dma source(%dma_start3A_43 : memref<16x640xi32, #tpu.memory_space<hbm>>) target(%arg7 : memref<16x640xi32, #tpu.memory_space<vmem>>) target_semaphore(%run_scoped3A : memref<!tpu.dma_semaphore, #tpu.memory_space<semaphore_mem>>)
      %dma_wait3A = arith.constant 0 : i32
      %dma_wait3A_44 = arith.constant 0 : i32
      %dma_wait3A_45 = tpu.memref_slice %arg3[%add3A_2, %dma_wait3A, %dma_wait3A_44] : memref<32x16x640xi32, #tpu.memory_space<hbm>> -> memref<1x16x640xi32, #tpu.memory_space<hbm>>
      %dma_wait3A_46 = tpu.memref_squeeze %dma_wait3A_45 : memref<1x16x640xi32, #tpu.memory_space<hbm>> -> memref<16x640xi32, #tpu.memory_space<hbm>>
      %dma_wait3A_47 = arith.constant 0 : i32
      %dma_wait3A_48 = arith.constant 0 : i32
      %dma_wait3A_49 = tpu.memref_slice %arg3[%add3A_2, %dma_wait3A_47, %dma_wait3A_48] : memref<32x16x640xi32, #tpu.memory_space<hbm>> -> memref<1x16x640xi32, #tpu.memory_space<hbm>>
      %dma_wait3A_50 = tpu.memref_squeeze %dma_wait3A_49 : memref<1x16x640xi32, #tpu.memory_space<hbm>> -> memref<16x640xi32, #tpu.memory_space<hbm>>
      tpu.wait_dma2 semaphore(%run_scoped3A : memref<!tpu.dma_semaphore, #tpu.memory_space<semaphore_mem>>) src(%dma_wait3A_50 : memref<16x640xi32, #tpu.memory_space<hbm>>) dst(%arg7 : memref<16x640xi32, #tpu.memory_space<vmem>>)
      tpu.yield
    }) : () -> ()
    %mul3A_3 = arith.constant 640 : i32
    %mul3A_4 = arith.muli %arg1, %mul3A_3 : i32
    %add3A_5 = arith.constant 0 : i32
    %add3A_6 = arith.addi %mul3A_4, %add3A_5 : i32
    "tpu.region"() ({
      %run_scoped3A = tpu.sem_alloc : memref<!tpu.dma_semaphore, #tpu.memory_space<semaphore_mem>>
      %dma_start3A = arith.constant 0 : i32
      %dma_start3A_37 = tpu.memref_slice %arg11[%add3A_6, %dma_start3A] : memref<10240x64xf32, #tpu.memory_space<vmem_shared>> -> memref<128x64xf32, #tpu.memory_space<vmem_shared>>
      %dma_start3A_38 = arith.constant 0 : i32
      %dma_start3A_39 = tpu.memref_slice %arg11[%add3A_6, %dma_start3A_38] : memref<10240x64xf32, #tpu.memory_space<vmem_shared>> -> memref<128x64xf32, #tpu.memory_space<vmem_shared>>
      tpu.enqueue_dma source(%arg10 : memref<128x64xf32, #tpu.memory_space<vmem>>) target(%dma_start3A_39 : memref<128x64xf32, #tpu.memory_space<vmem_shared>>) target_semaphore(%run_scoped3A : memref<!tpu.dma_semaphore, #tpu.memory_space<semaphore_mem>>)
      %dma_wait3A = arith.constant 0 : i32
      %dma_wait3A_40 = tpu.memref_slice %arg11[%add3A_6, %dma_wait3A] : memref<10240x64xf32, #tpu.memory_space<vmem_shared>> -> memref<128x64xf32, #tpu.memory_space<vmem_shared>>
      %dma_wait3A_41 = arith.constant 0 : i32
      %dma_wait3A_42 = tpu.memref_slice %arg11[%add3A_6, %dma_wait3A_41] : memref<10240x64xf32, #tpu.memory_space<vmem_shared>> -> memref<128x64xf32, #tpu.memory_space<vmem_shared>>
      tpu.wait_dma2 semaphore(%run_scoped3A : memref<!tpu.dma_semaphore, #tpu.memory_space<semaphore_mem>>) src(%arg10 : memref<128x64xf32, #tpu.memory_space<vmem>>) dst(%dma_wait3A_42 : memref<128x64xf32, #tpu.memory_space<vmem_shared>>)
      tpu.yield
    }) : () -> ()
    %mul3A_7 = arith.constant 640 : i32
    %mul3A_8 = arith.muli %arg1, %mul3A_7 : i32
    %add3A_9 = arith.constant 128 : i32
    %add3A_10 = arith.addi %mul3A_8, %add3A_9 : i32
    "tpu.region"() ({
      %run_scoped3A = tpu.sem_alloc : memref<!tpu.dma_semaphore, #tpu.memory_space<semaphore_mem>>
      %dma_start3A = arith.constant 0 : i32
      %dma_start3A_37 = tpu.memref_slice %arg11[%add3A_10, %dma_start3A] : memref<10240x64xf32, #tpu.memory_space<vmem_shared>> -> memref<128x64xf32, #tpu.memory_space<vmem_shared>>
      %dma_start3A_38 = arith.constant 0 : i32
      %dma_start3A_39 = tpu.memref_slice %arg11[%add3A_10, %dma_start3A_38] : memref<10240x64xf32, #tpu.memory_space<vmem_shared>> -> memref<128x64xf32, #tpu.memory_space<vmem_shared>>
      tpu.enqueue_dma source(%arg10 : memref<128x64xf32, #tpu.memory_space<vmem>>) target(%dma_start3A_39 : memref<128x64xf32, #tpu.memory_space<vmem_shared>>) target_semaphore(%run_scoped3A : memref<!tpu.dma_semaphore, #tpu.memory_space<semaphore_mem>>)
      %dma_wait3A = arith.constant 0 : i32
      %dma_wait3A_40 = tpu.memref_slice %arg11[%add3A_10, %dma_wait3A] : memref<10240x64xf32, #tpu.memory_space<vmem_shared>> -> memref<128x64xf32, #tpu.memory_space<vmem_shared>>
      %dma_wait3A_41 = arith.constant 0 : i32
      %dma_wait3A_42 = tpu.memref_slice %arg11[%add3A_10, %dma_wait3A_41] : memref<10240x64xf32, #tpu.memory_space<vmem_shared>> -> memref<128x64xf32, #tpu.memory_space<vmem_shared>>
      tpu.wait_dma2 semaphore(%run_scoped3A : memref<!tpu.dma_semaphore, #tpu.memory_space<semaphore_mem>>) src(%arg10 : memref<128x64xf32, #tpu.memory_space<vmem>>) dst(%dma_wait3A_42 : memref<128x64xf32, #tpu.memory_space<vmem_shared>>)
      tpu.yield
    }) : () -> ()
    %mul3A_11 = arith.constant 640 : i32
    %mul3A_12 = arith.muli %arg1, %mul3A_11 : i32
    %add3A_13 = arith.constant 256 : i32
    %add3A_14 = arith.addi %mul3A_12, %add3A_13 : i32
    "tpu.region"() ({
      %run_scoped3A = tpu.sem_alloc : memref<!tpu.dma_semaphore, #tpu.memory_space<semaphore_mem>>
      %dma_start3A = arith.constant 0 : i32
      %dma_start3A_37 = tpu.memref_slice %arg11[%add3A_14, %dma_start3A] : memref<10240x64xf32, #tpu.memory_space<vmem_shared>> -> memref<128x64xf32, #tpu.memory_space<vmem_shared>>
      %dma_start3A_38 = arith.constant 0 : i32
      %dma_start3A_39 = tpu.memref_slice %arg11[%add3A_14, %dma_start3A_38] : memref<10240x64xf32, #tpu.memory_space<vmem_shared>> -> memref<128x64xf32, #tpu.memory_space<vmem_shared>>
      tpu.enqueue_dma source(%arg10 : memref<128x64xf32, #tpu.memory_space<vmem>>) target(%dma_start3A_39 : memref<128x64xf32, #tpu.memory_space<vmem_shared>>) target_semaphore(%run_scoped3A : memref<!tpu.dma_semaphore, #tpu.memory_space<semaphore_mem>>)
      %dma_wait3A = arith.constant 0 : i32
      %dma_wait3A_40 = tpu.memref_slice %arg11[%add3A_14, %dma_wait3A] : memref<10240x64xf32, #tpu.memory_space<vmem_shared>> -> memref<128x64xf32, #tpu.memory_space<vmem_shared>>
      %dma_wait3A_41 = arith.constant 0 : i32
      %dma_wait3A_42 = tpu.memref_slice %arg11[%add3A_14, %dma_wait3A_41] : memref<10240x64xf32, #tpu.memory_space<vmem_shared>> -> memref<128x64xf32, #tpu.memory_space<vmem_shared>>
      tpu.wait_dma2 semaphore(%run_scoped3A : memref<!tpu.dma_semaphore, #tpu.memory_space<semaphore_mem>>) src(%arg10 : memref<128x64xf32, #tpu.memory_space<vmem>>) dst(%dma_wait3A_42 : memref<128x64xf32, #tpu.memory_space<vmem_shared>>)
      tpu.yield
    }) : () -> ()
    %mul3A_15 = arith.constant 640 : i32
    %mul3A_16 = arith.muli %arg1, %mul3A_15 : i32
    %add3A_17 = arith.constant 384 : i32
    %add3A_18 = arith.addi %mul3A_16, %add3A_17 : i32
    "tpu.region"() ({
      %run_scoped3A = tpu.sem_alloc : memref<!tpu.dma_semaphore, #tpu.memory_space<semaphore_mem>>
      %dma_start3A = arith.constant 0 : i32
      %dma_start3A_37 = tpu.memref_slice %arg11[%add3A_18, %dma_start3A] : memref<10240x64xf32, #tpu.memory_space<vmem_shared>> -> memref<128x64xf32, #tpu.memory_space<vmem_shared>>
      %dma_start3A_38 = arith.constant 0 : i32
      %dma_start3A_39 = tpu.memref_slice %arg11[%add3A_18, %dma_start3A_38] : memref<10240x64xf32, #tpu.memory_space<vmem_shared>> -> memref<128x64xf32, #tpu.memory_space<vmem_shared>>
      tpu.enqueue_dma source(%arg10 : memref<128x64xf32, #tpu.memory_space<vmem>>) target(%dma_start3A_39 : memref<128x64xf32, #tpu.memory_space<vmem_shared>>) target_semaphore(%run_scoped3A : memref<!tpu.dma_semaphore, #tpu.memory_space<semaphore_mem>>)
      %dma_wait3A = arith.constant 0 : i32
      %dma_wait3A_40 = tpu.memref_slice %arg11[%add3A_18, %dma_wait3A] : memref<10240x64xf32, #tpu.memory_space<vmem_shared>> -> memref<128x64xf32, #tpu.memory_space<vmem_shared>>
      %dma_wait3A_41 = arith.constant 0 : i32
      %dma_wait3A_42 = tpu.memref_slice %arg11[%add3A_18, %dma_wait3A_41] : memref<10240x64xf32, #tpu.memory_space<vmem_shared>> -> memref<128x64xf32, #tpu.memory_space<vmem_shared>>
      tpu.wait_dma2 semaphore(%run_scoped3A : memref<!tpu.dma_semaphore, #tpu.memory_space<semaphore_mem>>) src(%arg10 : memref<128x64xf32, #tpu.memory_space<vmem>>) dst(%dma_wait3A_42 : memref<128x64xf32, #tpu.memory_space<vmem_shared>>)
      tpu.yield
    }) : () -> ()
    %mul3A_19 = arith.constant 640 : i32
    %mul3A_20 = arith.muli %arg1, %mul3A_19 : i32
    %add3A_21 = arith.constant 512 : i32
    %add3A_22 = arith.addi %mul3A_20, %add3A_21 : i32
    "tpu.region"() ({
      %run_scoped3A = tpu.sem_alloc : memref<!tpu.dma_semaphore, #tpu.memory_space<semaphore_mem>>
      %dma_start3A = arith.constant 0 : i32
      %dma_start3A_37 = tpu.memref_slice %arg11[%add3A_22, %dma_start3A] : memref<10240x64xf32, #tpu.memory_space<vmem_shared>> -> memref<128x64xf32, #tpu.memory_space<vmem_shared>>
      %dma_start3A_38 = arith.constant 0 : i32
      %dma_start3A_39 = tpu.memref_slice %arg11[%add3A_22, %dma_start3A_38] : memref<10240x64xf32, #tpu.memory_space<vmem_shared>> -> memref<128x64xf32, #tpu.memory_space<vmem_shared>>
      tpu.enqueue_dma source(%arg10 : memref<128x64xf32, #tpu.memory_space<vmem>>) target(%dma_start3A_39 : memref<128x64xf32, #tpu.memory_space<vmem_shared>>) target_semaphore(%run_scoped3A : memref<!tpu.dma_semaphore, #tpu.memory_space<semaphore_mem>>)
      %dma_wait3A = arith.constant 0 : i32
      %dma_wait3A_40 = tpu.memref_slice %arg11[%add3A_22, %dma_wait3A] : memref<10240x64xf32, #tpu.memory_space<vmem_shared>> -> memref<128x64xf32, #tpu.memory_space<vmem_shared>>
      %dma_wait3A_41 = arith.constant 0 : i32
      %dma_wait3A_42 = tpu.memref_slice %arg11[%add3A_22, %dma_wait3A_41] : memref<10240x64xf32, #tpu.memory_space<vmem_shared>> -> memref<128x64xf32, #tpu.memory_space<vmem_shared>>
      tpu.wait_dma2 semaphore(%run_scoped3A : memref<!tpu.dma_semaphore, #tpu.memory_space<semaphore_mem>>) src(%arg10 : memref<128x64xf32, #tpu.memory_space<vmem>>) dst(%dma_wait3A_42 : memref<128x64xf32, #tpu.memory_space<vmem_shared>>)
      tpu.yield
    }) : () -> ()
    %barrier3A = arith.constant 0 : index
    tpu.barrier barrier_id(%barrier3A)
    %scan3A = arith.constant 0 : i32
    %scan3A_23 = arith.constant 16 : i32
    %scan3A_24 = arith.addi %scan3A, %scan3A_23 : i32
    %scan3A_25 = arith.constant 1 : i32
    scf.for %scan3A_37 = %scan3A to %scan3A_24 step %scan3A_25  : i32 {
      %mul3A_38 = arith.constant 1 : i32
      %mul3A_39 = arith.muli %scan3A_37, %mul3A_38 : i32
      %add3A_40 = arith.constant 0 : i32
      %add3A_41 = arith.addi %add3A_40, %mul3A_39 : i32
      "tpu.region"() ({
        %run_scoped3A = tpu.sem_alloc : memref<!tpu.dma_semaphore, #tpu.memory_space<semaphore_mem>>
        %dma_start3A = arith.constant 0 : i32
        %dma_start3A_42 = tpu.memref_slice %arg7[%add3A_41, %dma_start3A] : memref<16x640xi32, #tpu.memory_space<vmem>> -> memref<1x640xi32, #tpu.memory_space<vmem>>
        %dma_start3A_43 = tpu.memref_squeeze %dma_start3A_42 : memref<1x640xi32, #tpu.memory_space<vmem>> -> memref<640xi32, #tpu.memory_space<vmem>>
        %dma_start3A_44 = arith.constant 0 : i32
        %dma_start3A_45 = arith.constant 0 : i32
        %dma_start3A_46 = tpu.memref_slice %arg2[%dma_start3A_44, %dma_start3A_45] : memref<20000x64xf32, #tpu.memory_space<hbm>> -> memref<20000x64xf32, #tpu.memory_space<hbm>>
        tpu.enqueue_indirect_dma source(%dma_start3A_46 : memref<20000x64xf32, #tpu.memory_space<hbm>>) target(%arg9 : memref<640x64xf32, #tpu.memory_space<vmem>>) offsets(%dma_start3A_43 : memref<640xi32, #tpu.memory_space<vmem>>) semaphore(%run_scoped3A : memref<!tpu.dma_semaphore, #tpu.memory_space<semaphore_mem>>)
        %dma_wait3A = arith.constant 0 : i32
        %dma_wait3A_47 = tpu.memref_slice %arg7[%add3A_41, %dma_wait3A] : memref<16x640xi32, #tpu.memory_space<vmem>> -> memref<1x640xi32, #tpu.memory_space<vmem>>
        %dma_wait3A_48 = tpu.memref_squeeze %dma_wait3A_47 : memref<1x640xi32, #tpu.memory_space<vmem>> -> memref<640xi32, #tpu.memory_space<vmem>>
        %dma_wait3A_49 = arith.constant 0 : i32
        %dma_wait3A_50 = arith.constant 0 : i32
        %dma_wait3A_51 = tpu.memref_slice %arg2[%dma_wait3A_49, %dma_wait3A_50] : memref<20000x64xf32, #tpu.memory_space<hbm>> -> memref<20000x64xf32, #tpu.memory_space<hbm>>
        tpu.wait_indirect_dma semaphore(%run_scoped3A : memref<!tpu.dma_semaphore, #tpu.memory_space<semaphore_mem>>) src(%dma_wait3A_51 : memref<20000x64xf32, #tpu.memory_space<hbm>>) dst(%arg9 : memref<640x64xf32, #tpu.memory_space<vmem>>)
        tpu.yield
      }) : () -> ()
      "tpu.region"() ({
        %run_scoped3A = tpu.sem_alloc : memref<!tpu.dma_semaphore, #tpu.memory_space<semaphore_mem>>
        %dma_start3A = arith.constant 0 : i32
        %dma_start3A_42 = tpu.memref_slice %arg8[%add3A_41, %dma_start3A] : memref<16x640xi32, #tpu.memory_space<vmem>> -> memref<1x640xi32, #tpu.memory_space<vmem>>
        %dma_start3A_43 = tpu.memref_squeeze %dma_start3A_42 : memref<1x640xi32, #tpu.memory_space<vmem>> -> memref<640xi32, #tpu.memory_space<vmem>>
        %dma_start3A_44 = arith.constant 0 : i32
        %dma_start3A_45 = arith.constant 0 : i32
        %dma_start3A_46 = tpu.memref_slice %arg11[%dma_start3A_44, %dma_start3A_45] : memref<10240x64xf32, #tpu.memory_space<vmem_shared>> -> memref<10240x64xf32, #tpu.memory_space<vmem_shared>>
        tpu.enqueue_indirect_dma source(%arg9 : memref<640x64xf32, #tpu.memory_space<vmem>>) target(%dma_start3A_46 : memref<10240x64xf32, #tpu.memory_space<vmem_shared>>) offsets(%dma_start3A_43 : memref<640xi32, #tpu.memory_space<vmem>>) semaphore(%run_scoped3A : memref<!tpu.dma_semaphore, #tpu.memory_space<semaphore_mem>>) {add = true}
        %dma_wait3A = arith.constant 0 : i32
        %dma_wait3A_47 = tpu.memref_slice %arg8[%add3A_41, %dma_wait3A] : memref<16x640xi32, #tpu.memory_space<vmem>> -> memref<1x640xi32, #tpu.memory_space<vmem>>
        %dma_wait3A_48 = tpu.memref_squeeze %dma_wait3A_47 : memref<1x640xi32, #tpu.memory_space<vmem>> -> memref<640xi32, #tpu.memory_space<vmem>>
        %dma_wait3A_49 = arith.constant 0 : i32
        %dma_wait3A_50 = arith.constant 0 : i32
        %dma_wait3A_51 = tpu.memref_slice %arg11[%dma_wait3A_49, %dma_wait3A_50] : memref<10240x64xf32, #tpu.memory_space<vmem_shared>> -> memref<10240x64xf32, #tpu.memory_space<vmem_shared>>
        tpu.wait_indirect_dma semaphore(%run_scoped3A : memref<!tpu.dma_semaphore, #tpu.memory_space<semaphore_mem>>) src(%arg9 : memref<640x64xf32, #tpu.memory_space<vmem>>) dst(%dma_wait3A_51 : memref<10240x64xf32, #tpu.memory_space<vmem_shared>>)
        tpu.yield
      }) : () -> ()
    }
    %scan3A_26 = arith.constant 16 : i32
    %barrier3A_27 = arith.constant 0 : index
    tpu.barrier barrier_id(%barrier3A_27)
    %mul3A_28 = arith.constant 640 : i32
    %mul3A_29 = arith.muli %arg1, %mul3A_28 : i32
    %add3A_30 = arith.constant 0 : i32
    %add3A_31 = arith.addi %add3A_30, %arg0 : i32
    %mul3A_32 = arith.constant 10240 : i32
    %mul3A_33 = arith.muli %add3A_31, %mul3A_32 : i32
    %mul3A_34 = arith.constant 640 : i32
    %mul3A_35 = arith.muli %arg1, %mul3A_34 : i32
    %add3A_36 = arith.addi %mul3A_33, %mul3A_35 : i32
    "tpu.region"() ({
      %run_scoped3A = tpu.sem_alloc : memref<!tpu.dma_semaphore, #tpu.memory_space<semaphore_mem>>
      %dma_start3A = arith.constant 0 : i32
      %dma_start3A_37 = tpu.memref_slice %arg6[%add3A_36, %dma_start3A] : memref<20480x64xf32, #tpu.memory_space<hbm>> -> memref<640x64xf32, #tpu.memory_space<hbm>>
      %dma_start3A_38 = arith.constant 0 : i32
      %dma_start3A_39 = tpu.memref_slice %arg11[%mul3A_29, %dma_start3A_38] : memref<10240x64xf32, #tpu.memory_space<vmem_shared>> -> memref<640x64xf32, #tpu.memory_space<vmem_shared>>
      tpu.enqueue_dma source(%dma_start3A_39 : memref<640x64xf32, #tpu.memory_space<vmem_shared>>) target(%dma_start3A_37 : memref<640x64xf32, #tpu.memory_space<hbm>>) target_semaphore(%run_scoped3A : memref<!tpu.dma_semaphore, #tpu.memory_space<semaphore_mem>>)
      %dma_wait3A = arith.constant 0 : i32
      %dma_wait3A_40 = tpu.memref_slice %arg6[%add3A_36, %dma_wait3A] : memref<20480x64xf32, #tpu.memory_space<hbm>> -> memref<640x64xf32, #tpu.memory_space<hbm>>
      %dma_wait3A_41 = arith.constant 0 : i32
      %dma_wait3A_42 = tpu.memref_slice %arg11[%mul3A_29, %dma_wait3A_41] : memref<10240x64xf32, #tpu.memory_space<vmem_shared>> -> memref<640x64xf32, #tpu.memory_space<vmem_shared>>
      tpu.wait_dma2 semaphore(%run_scoped3A : memref<!tpu.dma_semaphore, #tpu.memory_space<semaphore_mem>>) src(%dma_wait3A_42 : memref<640x64xf32, #tpu.memory_space<vmem_shared>>) dst(%dma_wait3A_40 : memref<640x64xf32, #tpu.memory_space<hbm>>)
      tpu.yield
    }) : () -> ()
    return
  }
}

#map = affine_map<(d0, d1) -> (0, 0)>
#map1 = affine_map<(d0, d1) -> (0, 0, 0)>
module attributes {stable_mosaic.version = 14 : i64} {
  func.func @_gs_body(%arg0: i32, %arg1: i32, %arg2: memref<40000x64xf32, #tpu.memory_space<hbm>>, %arg3: memref<64x16x640xi32, #tpu.memory_space<hbm>>, %arg4: memref<16x16x640xi32, #tpu.memory_space<hbm>>, %arg5: memref<128x64xf32, #tpu.memory_space<hbm>>, %arg6: memref<40960x64xf32, #tpu.memory_space<hbm>>, %arg7: memref<16x640xi32, #tpu.memory_space<vmem>>, %arg8: memref<16x640xi32, #tpu.memory_space<vmem>>, %arg9: memref<640x64xf32, #tpu.memory_space<vmem>>, %arg10: memref<128x64xf32, #tpu.memory_space<vmem>>, %arg11: memref<10240x64xf32, #tpu.memory_space<vmem_shared>>) attributes {dimension_semantics = [#tpu.dimension_semantics<core_parallel>, #tpu.dimension_semantics<subcore_parallel>], iteration_bounds = array<i64: 2, 16>, scalar_prefetch = 0 : i64, scratch_operands = 5 : i64, tpu.core_type = #tpu.core_type<sc_vector_subcore>, window_params = [{transform_indices = #map}, {transform_indices = #map1}, {transform_indices = #map1}, {transform_indices = #map}, {transform_indices = #map}]} {
    "tpu.region"() ({
      %run_scoped3A = tpu.sem_alloc : memref<!tpu.dma_semaphore, #tpu.memory_space<semaphore_mem>>
      %dma_start3A = arith.constant 0 : i32
      %dma_start3A_79 = arith.constant 0 : i32
      %dma_start3A_80 = tpu.memref_slice %arg4[%arg1, %dma_start3A, %dma_start3A_79] : memref<16x16x640xi32, #tpu.memory_space<hbm>> -> memref<1x16x640xi32, #tpu.memory_space<hbm>>
      %dma_start3A_81 = tpu.memref_squeeze %dma_start3A_80 : memref<1x16x640xi32, #tpu.memory_space<hbm>> -> memref<16x640xi32, #tpu.memory_space<hbm>>
      %dma_start3A_82 = arith.constant 0 : i32
      %dma_start3A_83 = arith.constant 0 : i32
      %dma_start3A_84 = tpu.memref_slice %arg4[%arg1, %dma_start3A_82, %dma_start3A_83] : memref<16x16x640xi32, #tpu.memory_space<hbm>> -> memref<1x16x640xi32, #tpu.memory_space<hbm>>
      %dma_start3A_85 = tpu.memref_squeeze %dma_start3A_84 : memref<1x16x640xi32, #tpu.memory_space<hbm>> -> memref<16x640xi32, #tpu.memory_space<hbm>>
      tpu.enqueue_dma source(%dma_start3A_85 : memref<16x640xi32, #tpu.memory_space<hbm>>) target(%arg8 : memref<16x640xi32, #tpu.memory_space<vmem>>) target_semaphore(%run_scoped3A : memref<!tpu.dma_semaphore, #tpu.memory_space<semaphore_mem>>)
      %dma_wait3A = arith.constant 0 : i32
      %dma_wait3A_86 = arith.constant 0 : i32
      %dma_wait3A_87 = tpu.memref_slice %arg4[%arg1, %dma_wait3A, %dma_wait3A_86] : memref<16x16x640xi32, #tpu.memory_space<hbm>> -> memref<1x16x640xi32, #tpu.memory_space<hbm>>
      %dma_wait3A_88 = tpu.memref_squeeze %dma_wait3A_87 : memref<1x16x640xi32, #tpu.memory_space<hbm>> -> memref<16x640xi32, #tpu.memory_space<hbm>>
      %dma_wait3A_89 = arith.constant 0 : i32
      %dma_wait3A_90 = arith.constant 0 : i32
      %dma_wait3A_91 = tpu.memref_slice %arg4[%arg1, %dma_wait3A_89, %dma_wait3A_90] : memref<16x16x640xi32, #tpu.memory_space<hbm>> -> memref<1x16x640xi32, #tpu.memory_space<hbm>>
      %dma_wait3A_92 = tpu.memref_squeeze %dma_wait3A_91 : memref<1x16x640xi32, #tpu.memory_space<hbm>> -> memref<16x640xi32, #tpu.memory_space<hbm>>
      tpu.wait_dma2 semaphore(%run_scoped3A : memref<!tpu.dma_semaphore, #tpu.memory_space<semaphore_mem>>) src(%dma_wait3A_92 : memref<16x640xi32, #tpu.memory_space<hbm>>) dst(%arg8 : memref<16x640xi32, #tpu.memory_space<vmem>>)
      tpu.yield
    }) : () -> ()
    "tpu.region"() ({
      %run_scoped3A = tpu.sem_alloc : memref<!tpu.dma_semaphore, #tpu.memory_space<semaphore_mem>>
      tpu.enqueue_dma source(%arg5 : memref<128x64xf32, #tpu.memory_space<hbm>>) target(%arg10 : memref<128x64xf32, #tpu.memory_space<vmem>>) target_semaphore(%run_scoped3A : memref<!tpu.dma_semaphore, #tpu.memory_space<semaphore_mem>>)
      tpu.wait_dma2 semaphore(%run_scoped3A : memref<!tpu.dma_semaphore, #tpu.memory_space<semaphore_mem>>) src(%arg5 : memref<128x64xf32, #tpu.memory_space<hbm>>) dst(%arg10 : memref<128x64xf32, #tpu.memory_space<vmem>>)
      tpu.yield
    }) : () -> ()
    %add3A = arith.constant 0 : i32
    %add3A_0 = arith.addi %add3A, %arg0 : i32
    %mul3A = arith.constant 16 : i32
    %mul3A_1 = arith.muli %add3A_0, %mul3A : i32
    %add3A_2 = arith.addi %mul3A_1, %arg1 : i32
    "tpu.region"() ({
      %run_scoped3A = tpu.sem_alloc : memref<!tpu.dma_semaphore, #tpu.memory_space<semaphore_mem>>
      %dma_start3A = arith.constant 0 : i32
      %dma_start3A_79 = arith.constant 0 : i32
      %dma_start3A_80 = tpu.memref_slice %arg3[%add3A_2, %dma_start3A, %dma_start3A_79] : memref<64x16x640xi32, #tpu.memory_space<hbm>> -> memref<1x16x640xi32, #tpu.memory_space<hbm>>
      %dma_start3A_81 = tpu.memref_squeeze %dma_start3A_80 : memref<1x16x640xi32, #tpu.memory_space<hbm>> -> memref<16x640xi32, #tpu.memory_space<hbm>>
      %dma_start3A_82 = arith.constant 0 : i32
      %dma_start3A_83 = arith.constant 0 : i32
      %dma_start3A_84 = tpu.memref_slice %arg3[%add3A_2, %dma_start3A_82, %dma_start3A_83] : memref<64x16x640xi32, #tpu.memory_space<hbm>> -> memref<1x16x640xi32, #tpu.memory_space<hbm>>
      %dma_start3A_85 = tpu.memref_squeeze %dma_start3A_84 : memref<1x16x640xi32, #tpu.memory_space<hbm>> -> memref<16x640xi32, #tpu.memory_space<hbm>>
      tpu.enqueue_dma source(%dma_start3A_85 : memref<16x640xi32, #tpu.memory_space<hbm>>) target(%arg7 : memref<16x640xi32, #tpu.memory_space<vmem>>) target_semaphore(%run_scoped3A : memref<!tpu.dma_semaphore, #tpu.memory_space<semaphore_mem>>)
      %dma_wait3A = arith.constant 0 : i32
      %dma_wait3A_86 = arith.constant 0 : i32
      %dma_wait3A_87 = tpu.memref_slice %arg3[%add3A_2, %dma_wait3A, %dma_wait3A_86] : memref<64x16x640xi32, #tpu.memory_space<hbm>> -> memref<1x16x640xi32, #tpu.memory_space<hbm>>
      %dma_wait3A_88 = tpu.memref_squeeze %dma_wait3A_87 : memref<1x16x640xi32, #tpu.memory_space<hbm>> -> memref<16x640xi32, #tpu.memory_space<hbm>>
      %dma_wait3A_89 = arith.constant 0 : i32
      %dma_wait3A_90 = arith.constant 0 : i32
      %dma_wait3A_91 = tpu.memref_slice %arg3[%add3A_2, %dma_wait3A_89, %dma_wait3A_90] : memref<64x16x640xi32, #tpu.memory_space<hbm>> -> memref<1x16x640xi32, #tpu.memory_space<hbm>>
      %dma_wait3A_92 = tpu.memref_squeeze %dma_wait3A_91 : memref<1x16x640xi32, #tpu.memory_space<hbm>> -> memref<16x640xi32, #tpu.memory_space<hbm>>
      tpu.wait_dma2 semaphore(%run_scoped3A : memref<!tpu.dma_semaphore, #tpu.memory_space<semaphore_mem>>) src(%dma_wait3A_92 : memref<16x640xi32, #tpu.memory_space<hbm>>) dst(%arg7 : memref<16x640xi32, #tpu.memory_space<vmem>>)
      tpu.yield
    }) : () -> ()
    %mul3A_3 = arith.constant 640 : i32
    %mul3A_4 = arith.muli %arg1, %mul3A_3 : i32
    %add3A_5 = arith.constant 0 : i32
    %add3A_6 = arith.addi %mul3A_4, %add3A_5 : i32
    "tpu.region"() ({
      %run_scoped3A = tpu.sem_alloc : memref<!tpu.dma_semaphore, #tpu.memory_space<semaphore_mem>>
      %dma_start3A = arith.constant 0 : i32
      %dma_start3A_79 = tpu.memref_slice %arg11[%add3A_6, %dma_start3A] : memref<10240x64xf32, #tpu.memory_space<vmem_shared>> -> memref<128x64xf32, #tpu.memory_space<vmem_shared>>
      %dma_start3A_80 = arith.constant 0 : i32
      %dma_start3A_81 = tpu.memref_slice %arg11[%add3A_6, %dma_start3A_80] : memref<10240x64xf32, #tpu.memory_space<vmem_shared>> -> memref<128x64xf32, #tpu.memory_space<vmem_shared>>
      tpu.enqueue_dma source(%arg10 : memref<128x64xf32, #tpu.memory_space<vmem>>) target(%dma_start3A_81 : memref<128x64xf32, #tpu.memory_space<vmem_shared>>) target_semaphore(%run_scoped3A : memref<!tpu.dma_semaphore, #tpu.memory_space<semaphore_mem>>)
      %dma_wait3A = arith.constant 0 : i32
      %dma_wait3A_82 = tpu.memref_slice %arg11[%add3A_6, %dma_wait3A] : memref<10240x64xf32, #tpu.memory_space<vmem_shared>> -> memref<128x64xf32, #tpu.memory_space<vmem_shared>>
      %dma_wait3A_83 = arith.constant 0 : i32
      %dma_wait3A_84 = tpu.memref_slice %arg11[%add3A_6, %dma_wait3A_83] : memref<10240x64xf32, #tpu.memory_space<vmem_shared>> -> memref<128x64xf32, #tpu.memory_space<vmem_shared>>
      tpu.wait_dma2 semaphore(%run_scoped3A : memref<!tpu.dma_semaphore, #tpu.memory_space<semaphore_mem>>) src(%arg10 : memref<128x64xf32, #tpu.memory_space<vmem>>) dst(%dma_wait3A_84 : memref<128x64xf32, #tpu.memory_space<vmem_shared>>)
      tpu.yield
    }) : () -> ()
    %mul3A_7 = arith.constant 640 : i32
    %mul3A_8 = arith.muli %arg1, %mul3A_7 : i32
    %add3A_9 = arith.constant 128 : i32
    %add3A_10 = arith.addi %mul3A_8, %add3A_9 : i32
    "tpu.region"() ({
      %run_scoped3A = tpu.sem_alloc : memref<!tpu.dma_semaphore, #tpu.memory_space<semaphore_mem>>
      %dma_start3A = arith.constant 0 : i32
      %dma_start3A_79 = tpu.memref_slice %arg11[%add3A_10, %dma_start3A] : memref<10240x64xf32, #tpu.memory_space<vmem_shared>> -> memref<128x64xf32, #tpu.memory_space<vmem_shared>>
      %dma_start3A_80 = arith.constant 0 : i32
      %dma_start3A_81 = tpu.memref_slice %arg11[%add3A_10, %dma_start3A_80] : memref<10240x64xf32, #tpu.memory_space<vmem_shared>> -> memref<128x64xf32, #tpu.memory_space<vmem_shared>>
      tpu.enqueue_dma source(%arg10 : memref<128x64xf32, #tpu.memory_space<vmem>>) target(%dma_start3A_81 : memref<128x64xf32, #tpu.memory_space<vmem_shared>>) target_semaphore(%run_scoped3A : memref<!tpu.dma_semaphore, #tpu.memory_space<semaphore_mem>>)
      %dma_wait3A = arith.constant 0 : i32
      %dma_wait3A_82 = tpu.memref_slice %arg11[%add3A_10, %dma_wait3A] : memref<10240x64xf32, #tpu.memory_space<vmem_shared>> -> memref<128x64xf32, #tpu.memory_space<vmem_shared>>
      %dma_wait3A_83 = arith.constant 0 : i32
      %dma_wait3A_84 = tpu.memref_slice %arg11[%add3A_10, %dma_wait3A_83] : memref<10240x64xf32, #tpu.memory_space<vmem_shared>> -> memref<128x64xf32, #tpu.memory_space<vmem_shared>>
      tpu.wait_dma2 semaphore(%run_scoped3A : memref<!tpu.dma_semaphore, #tpu.memory_space<semaphore_mem>>) src(%arg10 : memref<128x64xf32, #tpu.memory_space<vmem>>) dst(%dma_wait3A_84 : memref<128x64xf32, #tpu.memory_space<vmem_shared>>)
      tpu.yield
    }) : () -> ()
    %mul3A_11 = arith.constant 640 : i32
    %mul3A_12 = arith.muli %arg1, %mul3A_11 : i32
    %add3A_13 = arith.constant 256 : i32
    %add3A_14 = arith.addi %mul3A_12, %add3A_13 : i32
    "tpu.region"() ({
      %run_scoped3A = tpu.sem_alloc : memref<!tpu.dma_semaphore, #tpu.memory_space<semaphore_mem>>
      %dma_start3A = arith.constant 0 : i32
      %dma_start3A_79 = tpu.memref_slice %arg11[%add3A_14, %dma_start3A] : memref<10240x64xf32, #tpu.memory_space<vmem_shared>> -> memref<128x64xf32, #tpu.memory_space<vmem_shared>>
      %dma_start3A_80 = arith.constant 0 : i32
      %dma_start3A_81 = tpu.memref_slice %arg11[%add3A_14, %dma_start3A_80] : memref<10240x64xf32, #tpu.memory_space<vmem_shared>> -> memref<128x64xf32, #tpu.memory_space<vmem_shared>>
      tpu.enqueue_dma source(%arg10 : memref<128x64xf32, #tpu.memory_space<vmem>>) target(%dma_start3A_81 : memref<128x64xf32, #tpu.memory_space<vmem_shared>>) target_semaphore(%run_scoped3A : memref<!tpu.dma_semaphore, #tpu.memory_space<semaphore_mem>>)
      %dma_wait3A = arith.constant 0 : i32
      %dma_wait3A_82 = tpu.memref_slice %arg11[%add3A_14, %dma_wait3A] : memref<10240x64xf32, #tpu.memory_space<vmem_shared>> -> memref<128x64xf32, #tpu.memory_space<vmem_shared>>
      %dma_wait3A_83 = arith.constant 0 : i32
      %dma_wait3A_84 = tpu.memref_slice %arg11[%add3A_14, %dma_wait3A_83] : memref<10240x64xf32, #tpu.memory_space<vmem_shared>> -> memref<128x64xf32, #tpu.memory_space<vmem_shared>>
      tpu.wait_dma2 semaphore(%run_scoped3A : memref<!tpu.dma_semaphore, #tpu.memory_space<semaphore_mem>>) src(%arg10 : memref<128x64xf32, #tpu.memory_space<vmem>>) dst(%dma_wait3A_84 : memref<128x64xf32, #tpu.memory_space<vmem_shared>>)
      tpu.yield
    }) : () -> ()
    %mul3A_15 = arith.constant 640 : i32
    %mul3A_16 = arith.muli %arg1, %mul3A_15 : i32
    %add3A_17 = arith.constant 384 : i32
    %add3A_18 = arith.addi %mul3A_16, %add3A_17 : i32
    "tpu.region"() ({
      %run_scoped3A = tpu.sem_alloc : memref<!tpu.dma_semaphore, #tpu.memory_space<semaphore_mem>>
      %dma_start3A = arith.constant 0 : i32
      %dma_start3A_79 = tpu.memref_slice %arg11[%add3A_18, %dma_start3A] : memref<10240x64xf32, #tpu.memory_space<vmem_shared>> -> memref<128x64xf32, #tpu.memory_space<vmem_shared>>
      %dma_start3A_80 = arith.constant 0 : i32
      %dma_start3A_81 = tpu.memref_slice %arg11[%add3A_18, %dma_start3A_80] : memref<10240x64xf32, #tpu.memory_space<vmem_shared>> -> memref<128x64xf32, #tpu.memory_space<vmem_shared>>
      tpu.enqueue_dma source(%arg10 : memref<128x64xf32, #tpu.memory_space<vmem>>) target(%dma_start3A_81 : memref<128x64xf32, #tpu.memory_space<vmem_shared>>) target_semaphore(%run_scoped3A : memref<!tpu.dma_semaphore, #tpu.memory_space<semaphore_mem>>)
      %dma_wait3A = arith.constant 0 : i32
      %dma_wait3A_82 = tpu.memref_slice %arg11[%add3A_18, %dma_wait3A] : memref<10240x64xf32, #tpu.memory_space<vmem_shared>> -> memref<128x64xf32, #tpu.memory_space<vmem_shared>>
      %dma_wait3A_83 = arith.constant 0 : i32
      %dma_wait3A_84 = tpu.memref_slice %arg11[%add3A_18, %dma_wait3A_83] : memref<10240x64xf32, #tpu.memory_space<vmem_shared>> -> memref<128x64xf32, #tpu.memory_space<vmem_shared>>
      tpu.wait_dma2 semaphore(%run_scoped3A : memref<!tpu.dma_semaphore, #tpu.memory_space<semaphore_mem>>) src(%arg10 : memref<128x64xf32, #tpu.memory_space<vmem>>) dst(%dma_wait3A_84 : memref<128x64xf32, #tpu.memory_space<vmem_shared>>)
      tpu.yield
    }) : () -> ()
    %mul3A_19 = arith.constant 640 : i32
    %mul3A_20 = arith.muli %arg1, %mul3A_19 : i32
    %add3A_21 = arith.constant 512 : i32
    %add3A_22 = arith.addi %mul3A_20, %add3A_21 : i32
    "tpu.region"() ({
      %run_scoped3A = tpu.sem_alloc : memref<!tpu.dma_semaphore, #tpu.memory_space<semaphore_mem>>
      %dma_start3A = arith.constant 0 : i32
      %dma_start3A_79 = tpu.memref_slice %arg11[%add3A_22, %dma_start3A] : memref<10240x64xf32, #tpu.memory_space<vmem_shared>> -> memref<128x64xf32, #tpu.memory_space<vmem_shared>>
      %dma_start3A_80 = arith.constant 0 : i32
      %dma_start3A_81 = tpu.memref_slice %arg11[%add3A_22, %dma_start3A_80] : memref<10240x64xf32, #tpu.memory_space<vmem_shared>> -> memref<128x64xf32, #tpu.memory_space<vmem_shared>>
      tpu.enqueue_dma source(%arg10 : memref<128x64xf32, #tpu.memory_space<vmem>>) target(%dma_start3A_81 : memref<128x64xf32, #tpu.memory_space<vmem_shared>>) target_semaphore(%run_scoped3A : memref<!tpu.dma_semaphore, #tpu.memory_space<semaphore_mem>>)
      %dma_wait3A = arith.constant 0 : i32
      %dma_wait3A_82 = tpu.memref_slice %arg11[%add3A_22, %dma_wait3A] : memref<10240x64xf32, #tpu.memory_space<vmem_shared>> -> memref<128x64xf32, #tpu.memory_space<vmem_shared>>
      %dma_wait3A_83 = arith.constant 0 : i32
      %dma_wait3A_84 = tpu.memref_slice %arg11[%add3A_22, %dma_wait3A_83] : memref<10240x64xf32, #tpu.memory_space<vmem_shared>> -> memref<128x64xf32, #tpu.memory_space<vmem_shared>>
      tpu.wait_dma2 semaphore(%run_scoped3A : memref<!tpu.dma_semaphore, #tpu.memory_space<semaphore_mem>>) src(%arg10 : memref<128x64xf32, #tpu.memory_space<vmem>>) dst(%dma_wait3A_84 : memref<128x64xf32, #tpu.memory_space<vmem_shared>>)
      tpu.yield
    }) : () -> ()
    %barrier3A = arith.constant 0 : index
    tpu.barrier barrier_id(%barrier3A)
    %scan3A = arith.constant 0 : i32
    %scan3A_23 = arith.constant 16 : i32
    %scan3A_24 = arith.addi %scan3A, %scan3A_23 : i32
    %scan3A_25 = arith.constant 1 : i32
    scf.for %scan3A_79 = %scan3A to %scan3A_24 step %scan3A_25  : i32 {
      %mul3A_80 = arith.constant 1 : i32
      %mul3A_81 = arith.muli %scan3A_79, %mul3A_80 : i32
      %add3A_82 = arith.constant 0 : i32
      %add3A_83 = arith.addi %add3A_82, %mul3A_81 : i32
      "tpu.region"() ({
        %run_scoped3A = tpu.sem_alloc : memref<!tpu.dma_semaphore, #tpu.memory_space<semaphore_mem>>
        %dma_start3A = arith.constant 0 : i32
        %dma_start3A_84 = tpu.memref_slice %arg7[%add3A_83, %dma_start3A] : memref<16x640xi32, #tpu.memory_space<vmem>> -> memref<1x640xi32, #tpu.memory_space<vmem>>
        %dma_start3A_85 = tpu.memref_squeeze %dma_start3A_84 : memref<1x640xi32, #tpu.memory_space<vmem>> -> memref<640xi32, #tpu.memory_space<vmem>>
        %dma_start3A_86 = arith.constant 0 : i32
        %dma_start3A_87 = arith.constant 0 : i32
        %dma_start3A_88 = tpu.memref_slice %arg2[%dma_start3A_86, %dma_start3A_87] : memref<40000x64xf32, #tpu.memory_space<hbm>> -> memref<40000x64xf32, #tpu.memory_space<hbm>>
        tpu.enqueue_indirect_dma source(%dma_start3A_88 : memref<40000x64xf32, #tpu.memory_space<hbm>>) target(%arg9 : memref<640x64xf32, #tpu.memory_space<vmem>>) offsets(%dma_start3A_85 : memref<640xi32, #tpu.memory_space<vmem>>) semaphore(%run_scoped3A : memref<!tpu.dma_semaphore, #tpu.memory_space<semaphore_mem>>)
        %dma_wait3A = arith.constant 0 : i32
        %dma_wait3A_89 = tpu.memref_slice %arg7[%add3A_83, %dma_wait3A] : memref<16x640xi32, #tpu.memory_space<vmem>> -> memref<1x640xi32, #tpu.memory_space<vmem>>
        %dma_wait3A_90 = tpu.memref_squeeze %dma_wait3A_89 : memref<1x640xi32, #tpu.memory_space<vmem>> -> memref<640xi32, #tpu.memory_space<vmem>>
        %dma_wait3A_91 = arith.constant 0 : i32
        %dma_wait3A_92 = arith.constant 0 : i32
        %dma_wait3A_93 = tpu.memref_slice %arg2[%dma_wait3A_91, %dma_wait3A_92] : memref<40000x64xf32, #tpu.memory_space<hbm>> -> memref<40000x64xf32, #tpu.memory_space<hbm>>
        tpu.wait_indirect_dma semaphore(%run_scoped3A : memref<!tpu.dma_semaphore, #tpu.memory_space<semaphore_mem>>) src(%dma_wait3A_93 : memref<40000x64xf32, #tpu.memory_space<hbm>>) dst(%arg9 : memref<640x64xf32, #tpu.memory_space<vmem>>)
        tpu.yield
      }) : () -> ()
      "tpu.region"() ({
        %run_scoped3A = tpu.sem_alloc : memref<!tpu.dma_semaphore, #tpu.memory_space<semaphore_mem>>
        %dma_start3A = arith.constant 0 : i32
        %dma_start3A_84 = tpu.memref_slice %arg8[%add3A_83, %dma_start3A] : memref<16x640xi32, #tpu.memory_space<vmem>> -> memref<1x640xi32, #tpu.memory_space<vmem>>
        %dma_start3A_85 = tpu.memref_squeeze %dma_start3A_84 : memref<1x640xi32, #tpu.memory_space<vmem>> -> memref<640xi32, #tpu.memory_space<vmem>>
        %dma_start3A_86 = arith.constant 0 : i32
        %dma_start3A_87 = arith.constant 0 : i32
        %dma_start3A_88 = tpu.memref_slice %arg11[%dma_start3A_86, %dma_start3A_87] : memref<10240x64xf32, #tpu.memory_space<vmem_shared>> -> memref<10240x64xf32, #tpu.memory_space<vmem_shared>>
        tpu.enqueue_indirect_dma source(%arg9 : memref<640x64xf32, #tpu.memory_space<vmem>>) target(%dma_start3A_88 : memref<10240x64xf32, #tpu.memory_space<vmem_shared>>) offsets(%dma_start3A_85 : memref<640xi32, #tpu.memory_space<vmem>>) semaphore(%run_scoped3A : memref<!tpu.dma_semaphore, #tpu.memory_space<semaphore_mem>>) {add = true}
        %dma_wait3A = arith.constant 0 : i32
        %dma_wait3A_89 = tpu.memref_slice %arg8[%add3A_83, %dma_wait3A] : memref<16x640xi32, #tpu.memory_space<vmem>> -> memref<1x640xi32, #tpu.memory_space<vmem>>
        %dma_wait3A_90 = tpu.memref_squeeze %dma_wait3A_89 : memref<1x640xi32, #tpu.memory_space<vmem>> -> memref<640xi32, #tpu.memory_space<vmem>>
        %dma_wait3A_91 = arith.constant 0 : i32
        %dma_wait3A_92 = arith.constant 0 : i32
        %dma_wait3A_93 = tpu.memref_slice %arg11[%dma_wait3A_91, %dma_wait3A_92] : memref<10240x64xf32, #tpu.memory_space<vmem_shared>> -> memref<10240x64xf32, #tpu.memory_space<vmem_shared>>
        tpu.wait_indirect_dma semaphore(%run_scoped3A : memref<!tpu.dma_semaphore, #tpu.memory_space<semaphore_mem>>) src(%arg9 : memref<640x64xf32, #tpu.memory_space<vmem>>) dst(%dma_wait3A_93 : memref<10240x64xf32, #tpu.memory_space<vmem_shared>>)
        tpu.yield
      }) : () -> ()
    }
    %scan3A_26 = arith.constant 16 : i32
    %barrier3A_27 = arith.constant 0 : index
    tpu.barrier barrier_id(%barrier3A_27)
    %mul3A_28 = arith.constant 640 : i32
    %mul3A_29 = arith.muli %arg1, %mul3A_28 : i32
    %add3A_30 = arith.constant 0 : i32
    %add3A_31 = arith.addi %add3A_30, %arg0 : i32
    %mul3A_32 = arith.constant 10240 : i32
    %mul3A_33 = arith.muli %add3A_31, %mul3A_32 : i32
    %mul3A_34 = arith.constant 640 : i32
    %mul3A_35 = arith.muli %arg1, %mul3A_34 : i32
    %add3A_36 = arith.addi %mul3A_33, %mul3A_35 : i32
    "tpu.region"() ({
      %run_scoped3A = tpu.sem_alloc : memref<!tpu.dma_semaphore, #tpu.memory_space<semaphore_mem>>
      %dma_start3A = arith.constant 0 : i32
      %dma_start3A_79 = tpu.memref_slice %arg6[%add3A_36, %dma_start3A] : memref<40960x64xf32, #tpu.memory_space<hbm>> -> memref<640x64xf32, #tpu.memory_space<hbm>>
      %dma_start3A_80 = arith.constant 0 : i32
      %dma_start3A_81 = tpu.memref_slice %arg11[%mul3A_29, %dma_start3A_80] : memref<10240x64xf32, #tpu.memory_space<vmem_shared>> -> memref<640x64xf32, #tpu.memory_space<vmem_shared>>
      tpu.enqueue_dma source(%dma_start3A_81 : memref<640x64xf32, #tpu.memory_space<vmem_shared>>) target(%dma_start3A_79 : memref<640x64xf32, #tpu.memory_space<hbm>>) target_semaphore(%run_scoped3A : memref<!tpu.dma_semaphore, #tpu.memory_space<semaphore_mem>>)
      %dma_wait3A = arith.constant 0 : i32
      %dma_wait3A_82 = tpu.memref_slice %arg6[%add3A_36, %dma_wait3A] : memref<40960x64xf32, #tpu.memory_space<hbm>> -> memref<640x64xf32, #tpu.memory_space<hbm>>
      %dma_wait3A_83 = arith.constant 0 : i32
      %dma_wait3A_84 = tpu.memref_slice %arg11[%mul3A_29, %dma_wait3A_83] : memref<10240x64xf32, #tpu.memory_space<vmem_shared>> -> memref<640x64xf32, #tpu.memory_space<vmem_shared>>
      tpu.wait_dma2 semaphore(%run_scoped3A : memref<!tpu.dma_semaphore, #tpu.memory_space<semaphore_mem>>) src(%dma_wait3A_84 : memref<640x64xf32, #tpu.memory_space<vmem_shared>>) dst(%dma_wait3A_82 : memref<640x64xf32, #tpu.memory_space<hbm>>)
      tpu.yield
    }) : () -> ()
    %barrier3A_37 = arith.constant 0 : index
    tpu.barrier barrier_id(%barrier3A_37)
    %add3A_38 = arith.constant 2 : i32
    %add3A_39 = arith.addi %add3A_38, %arg0 : i32
    %mul3A_40 = arith.constant 16 : i32
    %mul3A_41 = arith.muli %add3A_39, %mul3A_40 : i32
    %add3A_42 = arith.addi %mul3A_41, %arg1 : i32
    "tpu.region"() ({
      %run_scoped3A = tpu.sem_alloc : memref<!tpu.dma_semaphore, #tpu.memory_space<semaphore_mem>>
      %dma_start3A = arith.constant 0 : i32
      %dma_start3A_79 = arith.constant 0 : i32
      %dma_start3A_80 = tpu.memref_slice %arg3[%add3A_42, %dma_start3A, %dma_start3A_79] : memref<64x16x640xi32, #tpu.memory_space<hbm>> -> memref<1x16x640xi32, #tpu.memory_space<hbm>>
      %dma_start3A_81 = tpu.memref_squeeze %dma_start3A_80 : memref<1x16x640xi32, #tpu.memory_space<hbm>> -> memref<16x640xi32, #tpu.memory_space<hbm>>
      %dma_start3A_82 = arith.constant 0 : i32
      %dma_start3A_83 = arith.constant 0 : i32
      %dma_start3A_84 = tpu.memref_slice %arg3[%add3A_42, %dma_start3A_82, %dma_start3A_83] : memref<64x16x640xi32, #tpu.memory_space<hbm>> -> memref<1x16x640xi32, #tpu.memory_space<hbm>>
      %dma_start3A_85 = tpu.memref_squeeze %dma_start3A_84 : memref<1x16x640xi32, #tpu.memory_space<hbm>> -> memref<16x640xi32, #tpu.memory_space<hbm>>
      tpu.enqueue_dma source(%dma_start3A_85 : memref<16x640xi32, #tpu.memory_space<hbm>>) target(%arg7 : memref<16x640xi32, #tpu.memory_space<vmem>>) target_semaphore(%run_scoped3A : memref<!tpu.dma_semaphore, #tpu.memory_space<semaphore_mem>>)
      %dma_wait3A = arith.constant 0 : i32
      %dma_wait3A_86 = arith.constant 0 : i32
      %dma_wait3A_87 = tpu.memref_slice %arg3[%add3A_42, %dma_wait3A, %dma_wait3A_86] : memref<64x16x640xi32, #tpu.memory_space<hbm>> -> memref<1x16x640xi32, #tpu.memory_space<hbm>>
      %dma_wait3A_88 = tpu.memref_squeeze %dma_wait3A_87 : memref<1x16x640xi32, #tpu.memory_space<hbm>> -> memref<16x640xi32, #tpu.memory_space<hbm>>
      %dma_wait3A_89 = arith.constant 0 : i32
      %dma_wait3A_90 = arith.constant 0 : i32
      %dma_wait3A_91 = tpu.memref_slice %arg3[%add3A_42, %dma_wait3A_89, %dma_wait3A_90] : memref<64x16x640xi32, #tpu.memory_space<hbm>> -> memref<1x16x640xi32, #tpu.memory_space<hbm>>
      %dma_wait3A_92 = tpu.memref_squeeze %dma_wait3A_91 : memref<1x16x640xi32, #tpu.memory_space<hbm>> -> memref<16x640xi32, #tpu.memory_space<hbm>>
      tpu.wait_dma2 semaphore(%run_scoped3A : memref<!tpu.dma_semaphore, #tpu.memory_space<semaphore_mem>>) src(%dma_wait3A_92 : memref<16x640xi32, #tpu.memory_space<hbm>>) dst(%arg7 : memref<16x640xi32, #tpu.memory_space<vmem>>)
      tpu.yield
    }) : () -> ()
    %mul3A_43 = arith.constant 640 : i32
    %mul3A_44 = arith.muli %arg1, %mul3A_43 : i32
    %add3A_45 = arith.constant 0 : i32
    %add3A_46 = arith.addi %mul3A_44, %add3A_45 : i32
    "tpu.region"() ({
      %run_scoped3A = tpu.sem_alloc : memref<!tpu.dma_semaphore, #tpu.memory_space<semaphore_mem>>
      %dma_start3A = arith.constant 0 : i32
      %dma_start3A_79 = tpu.memref_slice %arg11[%add3A_46, %dma_start3A] : memref<10240x64xf32, #tpu.memory_space<vmem_shared>> -> memref<128x64xf32, #tpu.memory_space<vmem_shared>>
      %dma_start3A_80 = arith.constant 0 : i32
      %dma_start3A_81 = tpu.memref_slice %arg11[%add3A_46, %dma_start3A_80] : memref<10240x64xf32, #tpu.memory_space<vmem_shared>> -> memref<128x64xf32, #tpu.memory_space<vmem_shared>>
      tpu.enqueue_dma source(%arg10 : memref<128x64xf32, #tpu.memory_space<vmem>>) target(%dma_start3A_81 : memref<128x64xf32, #tpu.memory_space<vmem_shared>>) target_semaphore(%run_scoped3A : memref<!tpu.dma_semaphore, #tpu.memory_space<semaphore_mem>>)
      %dma_wait3A = arith.constant 0 : i32
      %dma_wait3A_82 = tpu.memref_slice %arg11[%add3A_46, %dma_wait3A] : memref<10240x64xf32, #tpu.memory_space<vmem_shared>> -> memref<128x64xf32, #tpu.memory_space<vmem_shared>>
      %dma_wait3A_83 = arith.constant 0 : i32
      %dma_wait3A_84 = tpu.memref_slice %arg11[%add3A_46, %dma_wait3A_83] : memref<10240x64xf32, #tpu.memory_space<vmem_shared>> -> memref<128x64xf32, #tpu.memory_space<vmem_shared>>
      tpu.wait_dma2 semaphore(%run_scoped3A : memref<!tpu.dma_semaphore, #tpu.memory_space<semaphore_mem>>) src(%arg10 : memref<128x64xf32, #tpu.memory_space<vmem>>) dst(%dma_wait3A_84 : memref<128x64xf32, #tpu.memory_space<vmem_shared>>)
      tpu.yield
    }) : () -> ()
    %mul3A_47 = arith.constant 640 : i32
    %mul3A_48 = arith.muli %arg1, %mul3A_47 : i32
    %add3A_49 = arith.constant 128 : i32
    %add3A_50 = arith.addi %mul3A_48, %add3A_49 : i32
    "tpu.region"() ({
      %run_scoped3A = tpu.sem_alloc : memref<!tpu.dma_semaphore, #tpu.memory_space<semaphore_mem>>
      %dma_start3A = arith.constant 0 : i32
      %dma_start3A_79 = tpu.memref_slice %arg11[%add3A_50, %dma_start3A] : memref<10240x64xf32, #tpu.memory_space<vmem_shared>> -> memref<128x64xf32, #tpu.memory_space<vmem_shared>>
      %dma_start3A_80 = arith.constant 0 : i32
      %dma_start3A_81 = tpu.memref_slice %arg11[%add3A_50, %dma_start3A_80] : memref<10240x64xf32, #tpu.memory_space<vmem_shared>> -> memref<128x64xf32, #tpu.memory_space<vmem_shared>>
      tpu.enqueue_dma source(%arg10 : memref<128x64xf32, #tpu.memory_space<vmem>>) target(%dma_start3A_81 : memref<128x64xf32, #tpu.memory_space<vmem_shared>>) target_semaphore(%run_scoped3A : memref<!tpu.dma_semaphore, #tpu.memory_space<semaphore_mem>>)
      %dma_wait3A = arith.constant 0 : i32
      %dma_wait3A_82 = tpu.memref_slice %arg11[%add3A_50, %dma_wait3A] : memref<10240x64xf32, #tpu.memory_space<vmem_shared>> -> memref<128x64xf32, #tpu.memory_space<vmem_shared>>
      %dma_wait3A_83 = arith.constant 0 : i32
      %dma_wait3A_84 = tpu.memref_slice %arg11[%add3A_50, %dma_wait3A_83] : memref<10240x64xf32, #tpu.memory_space<vmem_shared>> -> memref<128x64xf32, #tpu.memory_space<vmem_shared>>
      tpu.wait_dma2 semaphore(%run_scoped3A : memref<!tpu.dma_semaphore, #tpu.memory_space<semaphore_mem>>) src(%arg10 : memref<128x64xf32, #tpu.memory_space<vmem>>) dst(%dma_wait3A_84 : memref<128x64xf32, #tpu.memory_space<vmem_shared>>)
      tpu.yield
    }) : () -> ()
    %mul3A_51 = arith.constant 640 : i32
    %mul3A_52 = arith.muli %arg1, %mul3A_51 : i32
    %add3A_53 = arith.constant 256 : i32
    %add3A_54 = arith.addi %mul3A_52, %add3A_53 : i32
    "tpu.region"() ({
      %run_scoped3A = tpu.sem_alloc : memref<!tpu.dma_semaphore, #tpu.memory_space<semaphore_mem>>
      %dma_start3A = arith.constant 0 : i32
      %dma_start3A_79 = tpu.memref_slice %arg11[%add3A_54, %dma_start3A] : memref<10240x64xf32, #tpu.memory_space<vmem_shared>> -> memref<128x64xf32, #tpu.memory_space<vmem_shared>>
      %dma_start3A_80 = arith.constant 0 : i32
      %dma_start3A_81 = tpu.memref_slice %arg11[%add3A_54, %dma_start3A_80] : memref<10240x64xf32, #tpu.memory_space<vmem_shared>> -> memref<128x64xf32, #tpu.memory_space<vmem_shared>>
      tpu.enqueue_dma source(%arg10 : memref<128x64xf32, #tpu.memory_space<vmem>>) target(%dma_start3A_81 : memref<128x64xf32, #tpu.memory_space<vmem_shared>>) target_semaphore(%run_scoped3A : memref<!tpu.dma_semaphore, #tpu.memory_space<semaphore_mem>>)
      %dma_wait3A = arith.constant 0 : i32
      %dma_wait3A_82 = tpu.memref_slice %arg11[%add3A_54, %dma_wait3A] : memref<10240x64xf32, #tpu.memory_space<vmem_shared>> -> memref<128x64xf32, #tpu.memory_space<vmem_shared>>
      %dma_wait3A_83 = arith.constant 0 : i32
      %dma_wait3A_84 = tpu.memref_slice %arg11[%add3A_54, %dma_wait3A_83] : memref<10240x64xf32, #tpu.memory_space<vmem_shared>> -> memref<128x64xf32, #tpu.memory_space<vmem_shared>>
      tpu.wait_dma2 semaphore(%run_scoped3A : memref<!tpu.dma_semaphore, #tpu.memory_space<semaphore_mem>>) src(%arg10 : memref<128x64xf32, #tpu.memory_space<vmem>>) dst(%dma_wait3A_84 : memref<128x64xf32, #tpu.memory_space<vmem_shared>>)
      tpu.yield
    }) : () -> ()
    %mul3A_55 = arith.constant 640 : i32
    %mul3A_56 = arith.muli %arg1, %mul3A_55 : i32
    %add3A_57 = arith.constant 384 : i32
    %add3A_58 = arith.addi %mul3A_56, %add3A_57 : i32
    "tpu.region"() ({
      %run_scoped3A = tpu.sem_alloc : memref<!tpu.dma_semaphore, #tpu.memory_space<semaphore_mem>>
      %dma_start3A = arith.constant 0 : i32
      %dma_start3A_79 = tpu.memref_slice %arg11[%add3A_58, %dma_start3A] : memref<10240x64xf32, #tpu.memory_space<vmem_shared>> -> memref<128x64xf32, #tpu.memory_space<vmem_shared>>
      %dma_start3A_80 = arith.constant 0 : i32
      %dma_start3A_81 = tpu.memref_slice %arg11[%add3A_58, %dma_start3A_80] : memref<10240x64xf32, #tpu.memory_space<vmem_shared>> -> memref<128x64xf32, #tpu.memory_space<vmem_shared>>
      tpu.enqueue_dma source(%arg10 : memref<128x64xf32, #tpu.memory_space<vmem>>) target(%dma_start3A_81 : memref<128x64xf32, #tpu.memory_space<vmem_shared>>) target_semaphore(%run_scoped3A : memref<!tpu.dma_semaphore, #tpu.memory_space<semaphore_mem>>)
      %dma_wait3A = arith.constant 0 : i32
      %dma_wait3A_82 = tpu.memref_slice %arg11[%add3A_58, %dma_wait3A] : memref<10240x64xf32, #tpu.memory_space<vmem_shared>> -> memref<128x64xf32, #tpu.memory_space<vmem_shared>>
      %dma_wait3A_83 = arith.constant 0 : i32
      %dma_wait3A_84 = tpu.memref_slice %arg11[%add3A_58, %dma_wait3A_83] : memref<10240x64xf32, #tpu.memory_space<vmem_shared>> -> memref<128x64xf32, #tpu.memory_space<vmem_shared>>
      tpu.wait_dma2 semaphore(%run_scoped3A : memref<!tpu.dma_semaphore, #tpu.memory_space<semaphore_mem>>) src(%arg10 : memref<128x64xf32, #tpu.memory_space<vmem>>) dst(%dma_wait3A_84 : memref<128x64xf32, #tpu.memory_space<vmem_shared>>)
      tpu.yield
    }) : () -> ()
    %mul3A_59 = arith.constant 640 : i32
    %mul3A_60 = arith.muli %arg1, %mul3A_59 : i32
    %add3A_61 = arith.constant 512 : i32
    %add3A_62 = arith.addi %mul3A_60, %add3A_61 : i32
    "tpu.region"() ({
      %run_scoped3A = tpu.sem_alloc : memref<!tpu.dma_semaphore, #tpu.memory_space<semaphore_mem>>
      %dma_start3A = arith.constant 0 : i32
      %dma_start3A_79 = tpu.memref_slice %arg11[%add3A_62, %dma_start3A] : memref<10240x64xf32, #tpu.memory_space<vmem_shared>> -> memref<128x64xf32, #tpu.memory_space<vmem_shared>>
      %dma_start3A_80 = arith.constant 0 : i32
      %dma_start3A_81 = tpu.memref_slice %arg11[%add3A_62, %dma_start3A_80] : memref<10240x64xf32, #tpu.memory_space<vmem_shared>> -> memref<128x64xf32, #tpu.memory_space<vmem_shared>>
      tpu.enqueue_dma source(%arg10 : memref<128x64xf32, #tpu.memory_space<vmem>>) target(%dma_start3A_81 : memref<128x64xf32, #tpu.memory_space<vmem_shared>>) target_semaphore(%run_scoped3A : memref<!tpu.dma_semaphore, #tpu.memory_space<semaphore_mem>>)
      %dma_wait3A = arith.constant 0 : i32
      %dma_wait3A_82 = tpu.memref_slice %arg11[%add3A_62, %dma_wait3A] : memref<10240x64xf32, #tpu.memory_space<vmem_shared>> -> memref<128x64xf32, #tpu.memory_space<vmem_shared>>
      %dma_wait3A_83 = arith.constant 0 : i32
      %dma_wait3A_84 = tpu.memref_slice %arg11[%add3A_62, %dma_wait3A_83] : memref<10240x64xf32, #tpu.memory_space<vmem_shared>> -> memref<128x64xf32, #tpu.memory_space<vmem_shared>>
      tpu.wait_dma2 semaphore(%run_scoped3A : memref<!tpu.dma_semaphore, #tpu.memory_space<semaphore_mem>>) src(%arg10 : memref<128x64xf32, #tpu.memory_space<vmem>>) dst(%dma_wait3A_84 : memref<128x64xf32, #tpu.memory_space<vmem_shared>>)
      tpu.yield
    }) : () -> ()
    %barrier3A_63 = arith.constant 0 : index
    tpu.barrier barrier_id(%barrier3A_63)
    %scan3A_64 = arith.constant 0 : i32
    %scan3A_65 = arith.constant 16 : i32
    %scan3A_66 = arith.addi %scan3A_64, %scan3A_65 : i32
    %scan3A_67 = arith.constant 1 : i32
    scf.for %scan3A_79 = %scan3A_64 to %scan3A_66 step %scan3A_67  : i32 {
      %mul3A_80 = arith.constant 1 : i32
      %mul3A_81 = arith.muli %scan3A_79, %mul3A_80 : i32
      %add3A_82 = arith.constant 0 : i32
      %add3A_83 = arith.addi %add3A_82, %mul3A_81 : i32
      "tpu.region"() ({
        %run_scoped3A = tpu.sem_alloc : memref<!tpu.dma_semaphore, #tpu.memory_space<semaphore_mem>>
        %dma_start3A = arith.constant 0 : i32
        %dma_start3A_84 = tpu.memref_slice %arg7[%add3A_83, %dma_start3A] : memref<16x640xi32, #tpu.memory_space<vmem>> -> memref<1x640xi32, #tpu.memory_space<vmem>>
        %dma_start3A_85 = tpu.memref_squeeze %dma_start3A_84 : memref<1x640xi32, #tpu.memory_space<vmem>> -> memref<640xi32, #tpu.memory_space<vmem>>
        %dma_start3A_86 = arith.constant 0 : i32
        %dma_start3A_87 = arith.constant 0 : i32
        %dma_start3A_88 = tpu.memref_slice %arg2[%dma_start3A_86, %dma_start3A_87] : memref<40000x64xf32, #tpu.memory_space<hbm>> -> memref<40000x64xf32, #tpu.memory_space<hbm>>
        tpu.enqueue_indirect_dma source(%dma_start3A_88 : memref<40000x64xf32, #tpu.memory_space<hbm>>) target(%arg9 : memref<640x64xf32, #tpu.memory_space<vmem>>) offsets(%dma_start3A_85 : memref<640xi32, #tpu.memory_space<vmem>>) semaphore(%run_scoped3A : memref<!tpu.dma_semaphore, #tpu.memory_space<semaphore_mem>>)
        %dma_wait3A = arith.constant 0 : i32
        %dma_wait3A_89 = tpu.memref_slice %arg7[%add3A_83, %dma_wait3A] : memref<16x640xi32, #tpu.memory_space<vmem>> -> memref<1x640xi32, #tpu.memory_space<vmem>>
        %dma_wait3A_90 = tpu.memref_squeeze %dma_wait3A_89 : memref<1x640xi32, #tpu.memory_space<vmem>> -> memref<640xi32, #tpu.memory_space<vmem>>
        %dma_wait3A_91 = arith.constant 0 : i32
        %dma_wait3A_92 = arith.constant 0 : i32
        %dma_wait3A_93 = tpu.memref_slice %arg2[%dma_wait3A_91, %dma_wait3A_92] : memref<40000x64xf32, #tpu.memory_space<hbm>> -> memref<40000x64xf32, #tpu.memory_space<hbm>>
        tpu.wait_indirect_dma semaphore(%run_scoped3A : memref<!tpu.dma_semaphore, #tpu.memory_space<semaphore_mem>>) src(%dma_wait3A_93 : memref<40000x64xf32, #tpu.memory_space<hbm>>) dst(%arg9 : memref<640x64xf32, #tpu.memory_space<vmem>>)
        tpu.yield
      }) : () -> ()
      "tpu.region"() ({
        %run_scoped3A = tpu.sem_alloc : memref<!tpu.dma_semaphore, #tpu.memory_space<semaphore_mem>>
        %dma_start3A = arith.constant 0 : i32
        %dma_start3A_84 = tpu.memref_slice %arg8[%add3A_83, %dma_start3A] : memref<16x640xi32, #tpu.memory_space<vmem>> -> memref<1x640xi32, #tpu.memory_space<vmem>>
        %dma_start3A_85 = tpu.memref_squeeze %dma_start3A_84 : memref<1x640xi32, #tpu.memory_space<vmem>> -> memref<640xi32, #tpu.memory_space<vmem>>
        %dma_start3A_86 = arith.constant 0 : i32
        %dma_start3A_87 = arith.constant 0 : i32
        %dma_start3A_88 = tpu.memref_slice %arg11[%dma_start3A_86, %dma_start3A_87] : memref<10240x64xf32, #tpu.memory_space<vmem_shared>> -> memref<10240x64xf32, #tpu.memory_space<vmem_shared>>
        tpu.enqueue_indirect_dma source(%arg9 : memref<640x64xf32, #tpu.memory_space<vmem>>) target(%dma_start3A_88 : memref<10240x64xf32, #tpu.memory_space<vmem_shared>>) offsets(%dma_start3A_85 : memref<640xi32, #tpu.memory_space<vmem>>) semaphore(%run_scoped3A : memref<!tpu.dma_semaphore, #tpu.memory_space<semaphore_mem>>) {add = true}
        %dma_wait3A = arith.constant 0 : i32
        %dma_wait3A_89 = tpu.memref_slice %arg8[%add3A_83, %dma_wait3A] : memref<16x640xi32, #tpu.memory_space<vmem>> -> memref<1x640xi32, #tpu.memory_space<vmem>>
        %dma_wait3A_90 = tpu.memref_squeeze %dma_wait3A_89 : memref<1x640xi32, #tpu.memory_space<vmem>> -> memref<640xi32, #tpu.memory_space<vmem>>
        %dma_wait3A_91 = arith.constant 0 : i32
        %dma_wait3A_92 = arith.constant 0 : i32
        %dma_wait3A_93 = tpu.memref_slice %arg11[%dma_wait3A_91, %dma_wait3A_92] : memref<10240x64xf32, #tpu.memory_space<vmem_shared>> -> memref<10240x64xf32, #tpu.memory_space<vmem_shared>>
        tpu.wait_indirect_dma semaphore(%run_scoped3A : memref<!tpu.dma_semaphore, #tpu.memory_space<semaphore_mem>>) src(%arg9 : memref<640x64xf32, #tpu.memory_space<vmem>>) dst(%dma_wait3A_93 : memref<10240x64xf32, #tpu.memory_space<vmem_shared>>)
        tpu.yield
      }) : () -> ()
    }
    %scan3A_68 = arith.constant 16 : i32
    %barrier3A_69 = arith.constant 0 : index
    tpu.barrier barrier_id(%barrier3A_69)
    %mul3A_70 = arith.constant 640 : i32
    %mul3A_71 = arith.muli %arg1, %mul3A_70 : i32
    %add3A_72 = arith.constant 2 : i32
    %add3A_73 = arith.addi %add3A_72, %arg0 : i32
    %mul3A_74 = arith.constant 10240 : i32
    %mul3A_75 = arith.muli %add3A_73, %mul3A_74 : i32
    %mul3A_76 = arith.constant 640 : i32
    %mul3A_77 = arith.muli %arg1, %mul3A_76 : i32
    %add3A_78 = arith.addi %mul3A_75, %mul3A_77 : i32
    "tpu.region"() ({
      %run_scoped3A = tpu.sem_alloc : memref<!tpu.dma_semaphore, #tpu.memory_space<semaphore_mem>>
      %dma_start3A = arith.constant 0 : i32
      %dma_start3A_79 = tpu.memref_slice %arg6[%add3A_78, %dma_start3A] : memref<40960x64xf32, #tpu.memory_space<hbm>> -> memref<640x64xf32, #tpu.memory_space<hbm>>
      %dma_start3A_80 = arith.constant 0 : i32
      %dma_start3A_81 = tpu.memref_slice %arg11[%mul3A_71, %dma_start3A_80] : memref<10240x64xf32, #tpu.memory_space<vmem_shared>> -> memref<640x64xf32, #tpu.memory_space<vmem_shared>>
      tpu.enqueue_dma source(%dma_start3A_81 : memref<640x64xf32, #tpu.memory_space<vmem_shared>>) target(%dma_start3A_79 : memref<640x64xf32, #tpu.memory_space<hbm>>) target_semaphore(%run_scoped3A : memref<!tpu.dma_semaphore, #tpu.memory_space<semaphore_mem>>)
      %dma_wait3A = arith.constant 0 : i32
      %dma_wait3A_82 = tpu.memref_slice %arg6[%add3A_78, %dma_wait3A] : memref<40960x64xf32, #tpu.memory_space<hbm>> -> memref<640x64xf32, #tpu.memory_space<hbm>>
      %dma_wait3A_83 = arith.constant 0 : i32
      %dma_wait3A_84 = tpu.memref_slice %arg11[%mul3A_71, %dma_wait3A_83] : memref<10240x64xf32, #tpu.memory_space<vmem_shared>> -> memref<640x64xf32, #tpu.memory_space<vmem_shared>>
      tpu.wait_dma2 semaphore(%run_scoped3A : memref<!tpu.dma_semaphore, #tpu.memory_space<semaphore_mem>>) src(%dma_wait3A_84 : memref<640x64xf32, #tpu.memory_space<vmem_shared>>) dst(%dma_wait3A_82 : memref<640x64xf32, #tpu.memory_space<hbm>>)
      tpu.yield
    }) : () -> ()
    return
  }
}

module attributes {stable_mosaic.version = 14 : i64} {
  func.func @_tc1_body(%arg0: i32, %arg1: memref<400x256xf32, #tpu.memory_space<vmem>>, %arg2: memref<1x400x16xf32, #tpu.memory_space<vmem>>, %arg3: memref<4x400x64xf32, #tpu.memory_space<vmem>>) attributes {dimension_semantics = [#tpu.dimension_semantics<arbitrary>], iteration_bounds = array<i64: 25>, scalar_prefetch = 0 : i64, scratch_operands = 0 : i64, tpu.core_type = #tpu.core_type<tc>, window_params = [{transform_indices = @transform_0, window_bounds = array<i64: 400, 256>}, {transform_indices = @transform_1, window_bounds = array<i64: 1, 400, 16>}, {transform_indices = @transform_2, window_bounds = array<i64: 4, 400, 64>}]} {
    %get3A = arith.constant 0 : index
    %get3A_0 = arith.constant 0 : index
    %get3A_1 = vector.load %arg1[%get3A, %get3A_0] : memref<400x256xf32, #tpu.memory_space<vmem>>, vector<400x256xf32>
    %get3A_2 = arith.constant 0 : index
    %get3A_3 = arith.constant 0 : index
    %get3A_4 = arith.constant 0 : index
    %get3A_5 = vector.load %arg2[%get3A_2, %get3A_3, %get3A_4] : memref<1x400x16xf32, #tpu.memory_space<vmem>>, vector<1x400x1xf32>
    %get3A_6 = vector.shape_cast %get3A_5 : vector<1x400x1xf32> to vector<400x1xf32>
    %max3A = arith.constant 1.000000e+00 : f32
    %max3A_7 = vector.broadcast %max3A : f32 to vector<400x1xf32>
    %max3A_8 = arith.maximumf %get3A_6, %max3A_7 : vector<400x1xf32>
    %rsqrt3A = math.rsqrt %max3A_8 : vector<400x1xf32>
    %mul3A = vector.broadcast %rsqrt3A : vector<400x1xf32> to vector<400x256xf32>
    %mul3A_9 = arith.mulf %get3A_1, %mul3A : vector<400x256xf32>
    %slice3A = vector.extract_strided_slice %mul3A_9 {offsets = [0, 0], sizes = [400, 64], strides = [1, 1]} : vector<400x256xf32> to vector<400x64xf32>
    %slice3A_10 = vector.extract_strided_slice %mul3A_9 {offsets = [0, 64], sizes = [400, 64], strides = [1, 1]} : vector<400x256xf32> to vector<400x64xf32>
    %slice3A_11 = vector.extract_strided_slice %mul3A_9 {offsets = [0, 128], sizes = [400, 64], strides = [1, 1]} : vector<400x256xf32> to vector<400x64xf32>
    %slice3A_12 = vector.extract_strided_slice %mul3A_9 {offsets = [0, 192], sizes = [400, 64], strides = [1, 1]} : vector<400x256xf32> to vector<400x64xf32>
    %stack3A = vector.shape_cast %slice3A : vector<400x64xf32> to vector<1x400x64xf32>
    %stack3A_13 = vector.shape_cast %slice3A_10 : vector<400x64xf32> to vector<1x400x64xf32>
    %stack3A_14 = vector.shape_cast %slice3A_11 : vector<400x64xf32> to vector<1x400x64xf32>
    %stack3A_15 = vector.shape_cast %slice3A_12 : vector<400x64xf32> to vector<1x400x64xf32>
    %stack3A_16 = tpu.concatenate %stack3A, %stack3A_13, %stack3A_14, %stack3A_15 in 0 : vector<1x400x64xf32>, vector<1x400x64xf32>, vector<1x400x64xf32>, vector<1x400x64xf32> -> vector<4x400x64xf32>
    %swap3A = arith.constant 0 : index
    %swap3A_17 = arith.constant 0 : index
    %swap3A_18 = arith.constant 0 : index
    %swap3A_19 = vector.load %arg3[%swap3A, %swap3A_17, %swap3A_18] : memref<4x400x64xf32, #tpu.memory_space<vmem>>, vector<4x400x64xf32>
    tpu.vector_store %arg3[%swap3A, %swap3A_17, %swap3A_18], %stack3A_16 {strides = array<i32>} : memref<4x400x64xf32, #tpu.memory_space<vmem>>, vector<4x400x64xf32>,
    return
  }
  func.func @transform_0(%arg0: i32) -> (i32, i32) {
    %c0_i32 = arith.constant 0 : i32
    %c0_i32_0 = arith.constant 0 : i32
    return %arg0, %c0_i32 : i32, i32
  }
  func.func @transform_1(%arg0: i32) -> (i32, i32, i32) {
    %c0_i32 = arith.constant 0 : i32
    %c0_i32_0 = arith.constant 0 : i32
    %c0_i32_1 = arith.constant 0 : i32
    return %c0_i32, %arg0, %c0_i32_0 : i32, i32, i32
  }
  func.func @transform_2(%arg0: i32) -> (i32, i32, i32) {
    %c0_i32 = arith.constant 0 : i32
    %c0_i32_0 = arith.constant 0 : i32
    %c0_i32_1 = arith.constant 0 : i32
    return %c0_i32, %arg0, %c0_i32_0 : i32, i32, i32
  }
}

module attributes {stable_mosaic.version = 14 : i64} {
  func.func @_tc2_body(%arg0: i32, %arg1: memref<4x400x64xf32, #tpu.memory_space<vmem>>, %arg2: memref<1x400x16xf32, #tpu.memory_space<vmem>>, %arg3: memref<1x400x16xf32, #tpu.memory_space<vmem>>, %arg4: memref<256x256xf32, #tpu.memory_space<vmem>>, %arg5: memref<1x256xf32, #tpu.memory_space<vmem>>, %arg6: memref<4x400x64xf32, #tpu.memory_space<vmem>>) attributes {dimension_semantics = [#tpu.dimension_semantics<arbitrary>], iteration_bounds = array<i64: 25>, scalar_prefetch = 0 : i64, scratch_operands = 0 : i64, tpu.core_type = #tpu.core_type<tc>, window_params = [{transform_indices = @transform_0, window_bounds = array<i64: 4, 400, 64>}, {transform_indices = @transform_1, window_bounds = array<i64: 1, 400, 16>}, {transform_indices = @transform_2, window_bounds = array<i64: 1, 400, 16>}, {pipeline_mode = #tpu.pipeline_mode<synchronous>, transform_indices = @transform_3, window_bounds = array<i64: 256, 256>}, {pipeline_mode = #tpu.pipeline_mode<synchronous>, transform_indices = @transform_4, window_bounds = array<i64: 1, 256>}, {transform_indices = @transform_5, window_bounds = array<i64: 4, 400, 64>}]} {
    %get3A = arith.constant 0 : index
    %get3A_0 = arith.constant 0 : index
    %get3A_1 = arith.constant 0 : index
    %get3A_2 = vector.load %arg2[%get3A, %get3A_0, %get3A_1] : memref<1x400x16xf32, #tpu.memory_space<vmem>>, vector<1x400x1xf32>
    %get3A_3 = vector.shape_cast %get3A_2 : vector<1x400x1xf32> to vector<400x1xf32>
    %max3A = arith.constant 1.000000e+00 : f32
    %max3A_4 = vector.broadcast %max3A : f32 to vector<400x1xf32>
    %max3A_5 = arith.maximumf %get3A_3, %max3A_4 : vector<400x1xf32>
    %rsqrt3A = math.rsqrt %max3A_5 : vector<400x1xf32>
    %get3A_6 = arith.constant 0 : index
    %get3A_7 = arith.constant 0 : index
    %get3A_8 = vector.load %arg5[%get3A_6, %get3A_7] : memref<1x256xf32, #tpu.memory_space<vmem>>, vector<1x256xf32>
    %get3A_9 = arith.constant 0 : index
    %get3A_10 = arith.constant 0 : index
    %get3A_11 = arith.constant 0 : index
    %get3A_12 = vector.load %arg1[%get3A_9, %get3A_10, %get3A_11] : memref<4x400x64xf32, #tpu.memory_space<vmem>>, vector<1x400x64xf32>
    %get3A_13 = vector.shape_cast %get3A_12 : vector<1x400x64xf32> to vector<400x64xf32>
    %mul3A = vector.broadcast %rsqrt3A : vector<400x1xf32> to vector<400x64xf32>
    %mul3A_14 = arith.mulf %get3A_13, %mul3A : vector<400x64xf32>
    %get3A_15 = arith.constant 0 : index
    %get3A_16 = arith.constant 0 : index
    %get3A_17 = vector.load %arg4[%get3A_15, %get3A_16] : memref<256x256xf32, #tpu.memory_space<vmem>>, vector<64x256xf32>
    %dot_general3A = arith.constant dense<0.000000e+00> : vector<400x256xf32>
    %dot_general3A_18 = tpu.matmul %mul3A_14, %get3A_17, %dot_general3A {dimension_numbers = #tpu.dot_dimension_numbers<[1], [0], [0], [1], [0, 0, 1, 1], [], []>, transpose_lhs_hint = false} : vector<400x64xf32>, vector<64x256xf32>, vector<400x256xf32> -> vector<400x256xf32>
    %add3A = vector.broadcast %get3A_8 : vector<1x256xf32> to vector<400x256xf32>
    %add3A_19 = arith.addf %add3A, %dot_general3A_18 : vector<400x256xf32>
    %get3A_20 = arith.constant 1 : index
    %get3A_21 = arith.constant 0 : index
    %get3A_22 = arith.constant 0 : index
    %get3A_23 = vector.load %arg1[%get3A_20, %get3A_21, %get3A_22] : memref<4x400x64xf32, #tpu.memory_space<vmem>>, vector<1x400x64xf32>
    %get3A_24 = vector.shape_cast %get3A_23 : vector<1x400x64xf32> to vector<400x64xf32>
    %mul3A_25 = vector.broadcast %rsqrt3A : vector<400x1xf32> to vector<400x64xf32>
    %mul3A_26 = arith.mulf %get3A_24, %mul3A_25 : vector<400x64xf32>
    %get3A_27 = arith.constant 64 : index
    %get3A_28 = arith.constant 0 : index
    %get3A_29 = vector.load %arg4[%get3A_27, %get3A_28] : memref<256x256xf32, #tpu.memory_space<vmem>>, vector<64x256xf32>
    %dot_general3A_30 = arith.constant dense<0.000000e+00> : vector<400x256xf32>
    %dot_general3A_31 = tpu.matmul %mul3A_26, %get3A_29, %dot_general3A_30 {dimension_numbers = #tpu.dot_dimension_numbers<[1], [0], [0], [1], [0, 0, 1, 1], [], []>, transpose_lhs_hint = false} : vector<400x64xf32>, vector<64x256xf32>, vector<400x256xf32> -> vector<400x256xf32>
    %add3A_32 = arith.addf %add3A_19, %dot_general3A_31 : vector<400x256xf32>
    %get3A_33 = arith.constant 2 : index
    %get3A_34 = arith.constant 0 : index
    %get3A_35 = arith.constant 0 : index
    %get3A_36 = vector.load %arg1[%get3A_33, %get3A_34, %get3A_35] : memref<4x400x64xf32, #tpu.memory_space<vmem>>, vector<1x400x64xf32>
    %get3A_37 = vector.shape_cast %get3A_36 : vector<1x400x64xf32> to vector<400x64xf32>
    %mul3A_38 = vector.broadcast %rsqrt3A : vector<400x1xf32> to vector<400x64xf32>
    %mul3A_39 = arith.mulf %get3A_37, %mul3A_38 : vector<400x64xf32>
    %get3A_40 = arith.constant 128 : index
    %get3A_41 = arith.constant 0 : index
    %get3A_42 = vector.load %arg4[%get3A_40, %get3A_41] : memref<256x256xf32, #tpu.memory_space<vmem>>, vector<64x256xf32>
    %dot_general3A_43 = arith.constant dense<0.000000e+00> : vector<400x256xf32>
    %dot_general3A_44 = tpu.matmul %mul3A_39, %get3A_42, %dot_general3A_43 {dimension_numbers = #tpu.dot_dimension_numbers<[1], [0], [0], [1], [0, 0, 1, 1], [], []>, transpose_lhs_hint = false} : vector<400x64xf32>, vector<64x256xf32>, vector<400x256xf32> -> vector<400x256xf32>
    %add3A_45 = arith.addf %add3A_32, %dot_general3A_44 : vector<400x256xf32>
    %get3A_46 = arith.constant 3 : index
    %get3A_47 = arith.constant 0 : index
    %get3A_48 = arith.constant 0 : index
    %get3A_49 = vector.load %arg1[%get3A_46, %get3A_47, %get3A_48] : memref<4x400x64xf32, #tpu.memory_space<vmem>>, vector<1x400x64xf32>
    %get3A_50 = vector.shape_cast %get3A_49 : vector<1x400x64xf32> to vector<400x64xf32>
    %mul3A_51 = vector.broadcast %rsqrt3A : vector<400x1xf32> to vector<400x64xf32>
    %mul3A_52 = arith.mulf %get3A_50, %mul3A_51 : vector<400x64xf32>
    %get3A_53 = arith.constant 192 : index
    %get3A_54 = arith.constant 0 : index
    %get3A_55 = vector.load %arg4[%get3A_53, %get3A_54] : memref<256x256xf32, #tpu.memory_space<vmem>>, vector<64x256xf32>
    %dot_general3A_56 = arith.constant dense<0.000000e+00> : vector<400x256xf32>
    %dot_general3A_57 = tpu.matmul %mul3A_52, %get3A_55, %dot_general3A_56 {dimension_numbers = #tpu.dot_dimension_numbers<[1], [0], [0], [1], [0, 0, 1, 1], [], []>, transpose_lhs_hint = false} : vector<400x64xf32>, vector<64x256xf32>, vector<400x256xf32> -> vector<400x256xf32>
    %add3A_58 = arith.addf %add3A_45, %dot_general3A_57 : vector<400x256xf32>
    %max3A_59 = arith.constant 0.000000e+00 : f32
    %max3A_60 = vector.broadcast %max3A_59 : f32 to vector<400x256xf32>
    %max3A_61 = arith.maximumf %add3A_58, %max3A_60 : vector<400x256xf32>
    %get3A_62 = arith.constant 0 : index
    %get3A_63 = arith.constant 0 : index
    %get3A_64 = arith.constant 0 : index
    %get3A_65 = vector.load %arg3[%get3A_62, %get3A_63, %get3A_64] : memref<1x400x16xf32, #tpu.memory_space<vmem>>, vector<1x400x1xf32>
    %get3A_66 = vector.shape_cast %get3A_65 : vector<1x400x1xf32> to vector<400x1xf32>
    %max3A_67 = arith.constant 1.000000e+00 : f32
    %max3A_68 = vector.broadcast %max3A_67 : f32 to vector<400x1xf32>
    %max3A_69 = arith.maximumf %get3A_66, %max3A_68 : vector<400x1xf32>
    %rsqrt3A_70 = math.rsqrt %max3A_69 : vector<400x1xf32>
    %mul3A_71 = vector.broadcast %rsqrt3A_70 : vector<400x1xf32> to vector<400x256xf32>
    %mul3A_72 = arith.mulf %max3A_61, %mul3A_71 : vector<400x256xf32>
    %slice3A = vector.extract_strided_slice %mul3A_72 {offsets = [0, 0], sizes = [400, 64], strides = [1, 1]} : vector<400x256xf32> to vector<400x64xf32>
    %slice3A_73 = vector.extract_strided_slice %mul3A_72 {offsets = [0, 64], sizes = [400, 64], strides = [1, 1]} : vector<400x256xf32> to vector<400x64xf32>
    %slice3A_74 = vector.extract_strided_slice %mul3A_72 {offsets = [0, 128], sizes = [400, 64], strides = [1, 1]} : vector<400x256xf32> to vector<400x64xf32>
    %slice3A_75 = vector.extract_strided_slice %mul3A_72 {offsets = [0, 192], sizes = [400, 64], strides = [1, 1]} : vector<400x256xf32> to vector<400x64xf32>
    %stack3A = vector.shape_cast %slice3A : vector<400x64xf32> to vector<1x400x64xf32>
    %stack3A_76 = vector.shape_cast %slice3A_73 : vector<400x64xf32> to vector<1x400x64xf32>
    %stack3A_77 = vector.shape_cast %slice3A_74 : vector<400x64xf32> to vector<1x400x64xf32>
    %stack3A_78 = vector.shape_cast %slice3A_75 : vector<400x64xf32> to vector<1x400x64xf32>
    %stack3A_79 = tpu.concatenate %stack3A, %stack3A_76, %stack3A_77, %stack3A_78 in 0 : vector<1x400x64xf32>, vector<1x400x64xf32>, vector<1x400x64xf32>, vector<1x400x64xf32> -> vector<4x400x64xf32>
    %swap3A = arith.constant 0 : index
    %swap3A_80 = arith.constant 0 : index
    %swap3A_81 = arith.constant 0 : index
    %swap3A_82 = vector.load %arg6[%swap3A, %swap3A_80, %swap3A_81] : memref<4x400x64xf32, #tpu.memory_space<vmem>>, vector<4x400x64xf32>
    tpu.vector_store %arg6[%swap3A, %swap3A_80, %swap3A_81], %stack3A_79 {strides = array<i32>} : memref<4x400x64xf32, #tpu.memory_space<vmem>>, vector<4x400x64xf32>,
    return
  }
  func.func @transform_0(%arg0: i32) -> (i32, i32, i32) {
    %c0_i32 = arith.constant 0 : i32
    %c0_i32_0 = arith.constant 0 : i32
    %c0_i32_1 = arith.constant 0 : i32
    return %c0_i32, %arg0, %c0_i32_0 : i32, i32, i32
  }
  func.func @transform_1(%arg0: i32) -> (i32, i32, i32) {
    %c1_i32 = arith.constant 1 : i32
    %c0_i32 = arith.constant 0 : i32
    %c0_i32_0 = arith.constant 0 : i32
    return %c1_i32, %arg0, %c0_i32 : i32, i32, i32
  }
  func.func @transform_2(%arg0: i32) -> (i32, i32, i32) {
    %c2_i32 = arith.constant 2 : i32
    %c0_i32 = arith.constant 0 : i32
    %c0_i32_0 = arith.constant 0 : i32
    return %c2_i32, %arg0, %c0_i32 : i32, i32, i32
  }
  func.func @transform_3(%arg0: i32) -> (i32, i32) {
    %c0_i32 = arith.constant 0 : i32
    %c0_i32_0 = arith.constant 0 : i32
    %c0_i32_1 = arith.constant 0 : i32
    return %c0_i32, %c0_i32_0 : i32, i32
  }
  func.func @transform_4(%arg0: i32) -> (i32, i32) {
    %c0_i32 = arith.constant 0 : i32
    %c0_i32_0 = arith.constant 0 : i32
    %c0_i32_1 = arith.constant 0 : i32
    return %c0_i32, %c0_i32_0 : i32, i32
  }
  func.func @transform_5(%arg0: i32) -> (i32, i32, i32) {
    %c0_i32 = arith.constant 0 : i32
    %c0_i32_0 = arith.constant 0 : i32
    %c0_i32_1 = arith.constant 0 : i32
    return %c0_i32, %arg0, %c0_i32_0 : i32, i32, i32
  }
}

module attributes {stable_mosaic.version = 14 : i64} {
  func.func @_tc3_body(%arg0: i32, %arg1: memref<4x400x64xf32, #tpu.memory_space<vmem>>, %arg2: memref<1x400x16xf32, #tpu.memory_space<vmem>>, %arg3: memref<1x400x16xf32, #tpu.memory_space<vmem>>, %arg4: memref<256x256xf32, #tpu.memory_space<vmem>>, %arg5: memref<1x256xf32, #tpu.memory_space<vmem>>, %arg6: memref<256x128xf32, #tpu.memory_space<vmem>>, %arg7: memref<2x400x64xf32, #tpu.memory_space<vmem>>) attributes {dimension_semantics = [#tpu.dimension_semantics<arbitrary>], iteration_bounds = array<i64: 25>, scalar_prefetch = 0 : i64, scratch_operands = 0 : i64, tpu.core_type = #tpu.core_type<tc>, window_params = [{transform_indices = @transform_0, window_bounds = array<i64: 4, 400, 64>}, {transform_indices = @transform_1, window_bounds = array<i64: 1, 400, 16>}, {transform_indices = @transform_2, window_bounds = array<i64: 1, 400, 16>}, {pipeline_mode = #tpu.pipeline_mode<synchronous>, transform_indices = @transform_3, window_bounds = array<i64: 256, 256>}, {pipeline_mode = #tpu.pipeline_mode<synchronous>, transform_indices = @transform_4, window_bounds = array<i64: 1, 256>}, {pipeline_mode = #tpu.pipeline_mode<synchronous>, transform_indices = @transform_5, window_bounds = array<i64: 256, 128>}, {transform_indices = @transform_6, window_bounds = array<i64: 2, 400, 64>}]} {
    %get3A = arith.constant 0 : index
    %get3A_0 = arith.constant 0 : index
    %get3A_1 = arith.constant 0 : index
    %get3A_2 = vector.load %arg2[%get3A, %get3A_0, %get3A_1] : memref<1x400x16xf32, #tpu.memory_space<vmem>>, vector<1x400x1xf32>
    %get3A_3 = vector.shape_cast %get3A_2 : vector<1x400x1xf32> to vector<400x1xf32>
    %max3A = arith.constant 1.000000e+00 : f32
    %max3A_4 = vector.broadcast %max3A : f32 to vector<400x1xf32>
    %max3A_5 = arith.maximumf %get3A_3, %max3A_4 : vector<400x1xf32>
    %rsqrt3A = math.rsqrt %max3A_5 : vector<400x1xf32>
    %get3A_6 = arith.constant 0 : index
    %get3A_7 = arith.constant 0 : index
    %get3A_8 = vector.load %arg5[%get3A_6, %get3A_7] : memref<1x256xf32, #tpu.memory_space<vmem>>, vector<1x256xf32>
    %get3A_9 = arith.constant 0 : index
    %get3A_10 = arith.constant 0 : index
    %get3A_11 = arith.constant 0 : index
    %get3A_12 = vector.load %arg1[%get3A_9, %get3A_10, %get3A_11] : memref<4x400x64xf32, #tpu.memory_space<vmem>>, vector<1x400x64xf32>
    %get3A_13 = vector.shape_cast %get3A_12 : vector<1x400x64xf32> to vector<400x64xf32>
    %mul3A = vector.broadcast %rsqrt3A : vector<400x1xf32> to vector<400x64xf32>
    %mul3A_14 = arith.mulf %get3A_13, %mul3A : vector<400x64xf32>
    %get3A_15 = arith.constant 0 : index
    %get3A_16 = arith.constant 0 : index
    %get3A_17 = vector.load %arg4[%get3A_15, %get3A_16] : memref<256x256xf32, #tpu.memory_space<vmem>>, vector<64x256xf32>
    %dot_general3A = arith.constant dense<0.000000e+00> : vector<400x256xf32>
    %dot_general3A_18 = tpu.matmul %mul3A_14, %get3A_17, %dot_general3A {dimension_numbers = #tpu.dot_dimension_numbers<[1], [0], [0], [1], [0, 0, 1, 1], [], []>, transpose_lhs_hint = false} : vector<400x64xf32>, vector<64x256xf32>, vector<400x256xf32> -> vector<400x256xf32>
    %add3A = vector.broadcast %get3A_8 : vector<1x256xf32> to vector<400x256xf32>
    %add3A_19 = arith.addf %add3A, %dot_general3A_18 : vector<400x256xf32>
    %get3A_20 = arith.constant 1 : index
    %get3A_21 = arith.constant 0 : index
    %get3A_22 = arith.constant 0 : index
    %get3A_23 = vector.load %arg1[%get3A_20, %get3A_21, %get3A_22] : memref<4x400x64xf32, #tpu.memory_space<vmem>>, vector<1x400x64xf32>
    %get3A_24 = vector.shape_cast %get3A_23 : vector<1x400x64xf32> to vector<400x64xf32>
    %mul3A_25 = vector.broadcast %rsqrt3A : vector<400x1xf32> to vector<400x64xf32>
    %mul3A_26 = arith.mulf %get3A_24, %mul3A_25 : vector<400x64xf32>
    %get3A_27 = arith.constant 64 : index
    %get3A_28 = arith.constant 0 : index
    %get3A_29 = vector.load %arg4[%get3A_27, %get3A_28] : memref<256x256xf32, #tpu.memory_space<vmem>>, vector<64x256xf32>
    %dot_general3A_30 = arith.constant dense<0.000000e+00> : vector<400x256xf32>
    %dot_general3A_31 = tpu.matmul %mul3A_26, %get3A_29, %dot_general3A_30 {dimension_numbers = #tpu.dot_dimension_numbers<[1], [0], [0], [1], [0, 0, 1, 1], [], []>, transpose_lhs_hint = false} : vector<400x64xf32>, vector<64x256xf32>, vector<400x256xf32> -> vector<400x256xf32>
    %add3A_32 = arith.addf %add3A_19, %dot_general3A_31 : vector<400x256xf32>
    %get3A_33 = arith.constant 2 : index
    %get3A_34 = arith.constant 0 : index
    %get3A_35 = arith.constant 0 : index
    %get3A_36 = vector.load %arg1[%get3A_33, %get3A_34, %get3A_35] : memref<4x400x64xf32, #tpu.memory_space<vmem>>, vector<1x400x64xf32>
    %get3A_37 = vector.shape_cast %get3A_36 : vector<1x400x64xf32> to vector<400x64xf32>
    %mul3A_38 = vector.broadcast %rsqrt3A : vector<400x1xf32> to vector<400x64xf32>
    %mul3A_39 = arith.mulf %get3A_37, %mul3A_38 : vector<400x64xf32>
    %get3A_40 = arith.constant 128 : index
    %get3A_41 = arith.constant 0 : index
    %get3A_42 = vector.load %arg4[%get3A_40, %get3A_41] : memref<256x256xf32, #tpu.memory_space<vmem>>, vector<64x256xf32>
    %dot_general3A_43 = arith.constant dense<0.000000e+00> : vector<400x256xf32>
    %dot_general3A_44 = tpu.matmul %mul3A_39, %get3A_42, %dot_general3A_43 {dimension_numbers = #tpu.dot_dimension_numbers<[1], [0], [0], [1], [0, 0, 1, 1], [], []>, transpose_lhs_hint = false} : vector<400x64xf32>, vector<64x256xf32>, vector<400x256xf32> -> vector<400x256xf32>
    %add3A_45 = arith.addf %add3A_32, %dot_general3A_44 : vector<400x256xf32>
    %get3A_46 = arith.constant 3 : index
    %get3A_47 = arith.constant 0 : index
    %get3A_48 = arith.constant 0 : index
    %get3A_49 = vector.load %arg1[%get3A_46, %get3A_47, %get3A_48] : memref<4x400x64xf32, #tpu.memory_space<vmem>>, vector<1x400x64xf32>
    %get3A_50 = vector.shape_cast %get3A_49 : vector<1x400x64xf32> to vector<400x64xf32>
    %mul3A_51 = vector.broadcast %rsqrt3A : vector<400x1xf32> to vector<400x64xf32>
    %mul3A_52 = arith.mulf %get3A_50, %mul3A_51 : vector<400x64xf32>
    %get3A_53 = arith.constant 192 : index
    %get3A_54 = arith.constant 0 : index
    %get3A_55 = vector.load %arg4[%get3A_53, %get3A_54] : memref<256x256xf32, #tpu.memory_space<vmem>>, vector<64x256xf32>
    %dot_general3A_56 = arith.constant dense<0.000000e+00> : vector<400x256xf32>
    %dot_general3A_57 = tpu.matmul %mul3A_52, %get3A_55, %dot_general3A_56 {dimension_numbers = #tpu.dot_dimension_numbers<[1], [0], [0], [1], [0, 0, 1, 1], [], []>, transpose_lhs_hint = false} : vector<400x64xf32>, vector<64x256xf32>, vector<400x256xf32> -> vector<400x256xf32>
    %add3A_58 = arith.addf %add3A_45, %dot_general3A_57 : vector<400x256xf32>
    %max3A_59 = arith.constant 0.000000e+00 : f32
    %max3A_60 = vector.broadcast %max3A_59 : f32 to vector<400x256xf32>
    %max3A_61 = arith.maximumf %add3A_58, %max3A_60 : vector<400x256xf32>
    %get3A_62 = arith.constant 0 : index
    %get3A_63 = arith.constant 0 : index
    %get3A_64 = arith.constant 0 : index
    %get3A_65 = vector.load %arg3[%get3A_62, %get3A_63, %get3A_64] : memref<1x400x16xf32, #tpu.memory_space<vmem>>, vector<1x400x1xf32>
    %get3A_66 = vector.shape_cast %get3A_65 : vector<1x400x1xf32> to vector<400x1xf32>
    %max3A_67 = arith.constant 1.000000e+00 : f32
    %max3A_68 = vector.broadcast %max3A_67 : f32 to vector<400x1xf32>
    %max3A_69 = arith.maximumf %get3A_66, %max3A_68 : vector<400x1xf32>
    %rsqrt3A_70 = math.rsqrt %max3A_69 : vector<400x1xf32>
    %mul3A_71 = vector.broadcast %rsqrt3A_70 : vector<400x1xf32> to vector<400x256xf32>
    %mul3A_72 = arith.mulf %max3A_61, %mul3A_71 : vector<400x256xf32>
    %get3A_73 = arith.constant 0 : index
    %get3A_74 = arith.constant 0 : index
    %get3A_75 = vector.load %arg6[%get3A_73, %get3A_74] : memref<256x128xf32, #tpu.memory_space<vmem>>, vector<256x128xf32>
    %dot_general3A_76 = arith.constant dense<0.000000e+00> : vector<400x128xf32>
    %dot_general3A_77 = tpu.matmul %mul3A_72, %get3A_75, %dot_general3A_76 {dimension_numbers = #tpu.dot_dimension_numbers<[1], [0], [0], [1], [0, 0, 1, 1], [], []>, transpose_lhs_hint = false} : vector<400x256xf32>, vector<256x128xf32>, vector<400x128xf32> -> vector<400x128xf32>
    %slice3A = vector.extract_strided_slice %dot_general3A_77 {offsets = [0, 0], sizes = [400, 64], strides = [1, 1]} : vector<400x128xf32> to vector<400x64xf32>
    %slice3A_78 = vector.extract_strided_slice %dot_general3A_77 {offsets = [0, 64], sizes = [400, 64], strides = [1, 1]} : vector<400x128xf32> to vector<400x64xf32>
    %stack3A = vector.shape_cast %slice3A : vector<400x64xf32> to vector<1x400x64xf32>
    %stack3A_79 = vector.shape_cast %slice3A_78 : vector<400x64xf32> to vector<1x400x64xf32>
    %stack3A_80 = tpu.concatenate %stack3A, %stack3A_79 in 0 : vector<1x400x64xf32>, vector<1x400x64xf32> -> vector<2x400x64xf32>
    %swap3A = arith.constant 0 : index
    %swap3A_81 = arith.constant 0 : index
    %swap3A_82 = arith.constant 0 : index
    %swap3A_83 = vector.load %arg7[%swap3A, %swap3A_81, %swap3A_82] : memref<2x400x64xf32, #tpu.memory_space<vmem>>, vector<2x400x64xf32>
    tpu.vector_store %arg7[%swap3A, %swap3A_81, %swap3A_82], %stack3A_80 {strides = array<i32>} : memref<2x400x64xf32, #tpu.memory_space<vmem>>, vector<2x400x64xf32>,
    return
  }
  func.func @transform_0(%arg0: i32) -> (i32, i32, i32) {
    %c0_i32 = arith.constant 0 : i32
    %c0_i32_0 = arith.constant 0 : i32
    %c0_i32_1 = arith.constant 0 : i32
    return %c0_i32, %arg0, %c0_i32_0 : i32, i32, i32
  }
  func.func @transform_1(%arg0: i32) -> (i32, i32, i32) {
    %c3_i32 = arith.constant 3 : i32
    %c0_i32 = arith.constant 0 : i32
    %c0_i32_0 = arith.constant 0 : i32
    return %c3_i32, %arg0, %c0_i32 : i32, i32, i32
  }
  func.func @transform_2(%arg0: i32) -> (i32, i32, i32) {
    %c0_i32 = arith.constant 0 : i32
    %c0_i32_0 = arith.constant 0 : i32
    %c0_i32_1 = arith.constant 0 : i32
    return %c0_i32, %arg0, %c0_i32_0 : i32, i32, i32
  }
  func.func @transform_3(%arg0: i32) -> (i32, i32) {
    %c0_i32 = arith.constant 0 : i32
    %c0_i32_0 = arith.constant 0 : i32
    %c0_i32_1 = arith.constant 0 : i32
    return %c0_i32, %c0_i32_0 : i32, i32
  }
  func.func @transform_4(%arg0: i32) -> (i32, i32) {
    %c0_i32 = arith.constant 0 : i32
    %c0_i32_0 = arith.constant 0 : i32
    %c0_i32_1 = arith.constant 0 : i32
    return %c0_i32, %c0_i32_0 : i32, i32
  }
  func.func @transform_5(%arg0: i32) -> (i32, i32) {
    %c0_i32 = arith.constant 0 : i32
    %c0_i32_0 = arith.constant 0 : i32
    %c0_i32_1 = arith.constant 0 : i32
    return %c0_i32, %c0_i32_0 : i32, i32
  }
  func.func @transform_6(%arg0: i32) -> (i32, i32, i32) {
    %c0_i32 = arith.constant 0 : i32
    %c0_i32_0 = arith.constant 0 : i32
    %c0_i32_1 = arith.constant 0 : i32
    return %c0_i32, %arg0, %c0_i32_0 : i32, i32, i32
  }
}

module attributes {stable_mosaic.version = 14 : i64} {
  func.func @_tc4_body(%arg0: i32, %arg1: memref<2x400x64xf32, #tpu.memory_space<vmem>>, %arg2: memref<1x400x16xf32, #tpu.memory_space<vmem>>, %arg3: memref<1x128xf32, #tpu.memory_space<vmem>>, %arg4: memref<400x128xf32, #tpu.memory_space<vmem>>) attributes {dimension_semantics = [#tpu.dimension_semantics<arbitrary>], iteration_bounds = array<i64: 25>, scalar_prefetch = 0 : i64, scratch_operands = 0 : i64, tpu.core_type = #tpu.core_type<tc>, window_params = [{transform_indices = @transform_0, window_bounds = array<i64: 2, 400, 64>}, {transform_indices = @transform_1, window_bounds = array<i64: 1, 400, 16>}, {pipeline_mode = #tpu.pipeline_mode<synchronous>, transform_indices = @transform_2, window_bounds = array<i64: 1, 128>}, {transform_indices = @transform_3, window_bounds = array<i64: 400, 128>}]} {
    %get3A = arith.constant 0 : index
    %get3A_0 = arith.constant 0 : index
    %get3A_1 = arith.constant 0 : index
    %get3A_2 = vector.load %arg2[%get3A, %get3A_0, %get3A_1] : memref<1x400x16xf32, #tpu.memory_space<vmem>>, vector<1x400x1xf32>
    %get3A_3 = vector.shape_cast %get3A_2 : vector<1x400x1xf32> to vector<400x1xf32>
    %max3A = arith.constant 1.000000e+00 : f32
    %max3A_4 = vector.broadcast %max3A : f32 to vector<400x1xf32>
    %max3A_5 = arith.maximumf %get3A_3, %max3A_4 : vector<400x1xf32>
    %rsqrt3A = math.rsqrt %max3A_5 : vector<400x1xf32>
    %get3A_6 = arith.constant 0 : index
    %get3A_7 = arith.constant 0 : index
    %get3A_8 = arith.constant 0 : index
    %get3A_9 = vector.load %arg1[%get3A_6, %get3A_7, %get3A_8] : memref<2x400x64xf32, #tpu.memory_space<vmem>>, vector<1x400x64xf32>
    %get3A_10 = vector.shape_cast %get3A_9 : vector<1x400x64xf32> to vector<400x64xf32>
    %get3A_11 = arith.constant 1 : index
    %get3A_12 = arith.constant 0 : index
    %get3A_13 = arith.constant 0 : index
    %get3A_14 = vector.load %arg1[%get3A_11, %get3A_12, %get3A_13] : memref<2x400x64xf32, #tpu.memory_space<vmem>>, vector<1x400x64xf32>
    %get3A_15 = vector.shape_cast %get3A_14 : vector<1x400x64xf32> to vector<400x64xf32>
    %concatenate3A = tpu.concatenate %get3A_10, %get3A_15 in 1 : vector<400x64xf32>, vector<400x64xf32> -> vector<400x128xf32>
    %mul3A = vector.broadcast %rsqrt3A : vector<400x1xf32> to vector<400x128xf32>
    %mul3A_16 = arith.mulf %concatenate3A, %mul3A : vector<400x128xf32>
    %get3A_17 = arith.constant 0 : index
    %get3A_18 = arith.constant 0 : index
    %get3A_19 = vector.load %arg3[%get3A_17, %get3A_18] : memref<1x128xf32, #tpu.memory_space<vmem>>, vector<1x128xf32>
    %add3A = vector.broadcast %get3A_19 : vector<1x128xf32> to vector<400x128xf32>
    %add3A_20 = arith.addf %mul3A_16, %add3A : vector<400x128xf32>
    %swap3A = arith.constant 0 : index
    %swap3A_21 = arith.constant 0 : index
    %swap3A_22 = vector.load %arg4[%swap3A, %swap3A_21] : memref<400x128xf32, #tpu.memory_space<vmem>>, vector<400x128xf32>
    tpu.vector_store %arg4[%swap3A, %swap3A_21], %add3A_20 {strides = array<i32>} : memref<400x128xf32, #tpu.memory_space<vmem>>, vector<400x128xf32>,
    return
  }
  func.func @transform_0(%arg0: i32) -> (i32, i32, i32) {
    %c0_i32 = arith.constant 0 : i32
    %c0_i32_0 = arith.constant 0 : i32
    %c0_i32_1 = arith.constant 0 : i32
    return %c0_i32, %arg0, %c0_i32_0 : i32, i32, i32
  }
  func.func @transform_1(%arg0: i32) -> (i32, i32, i32) {
    %c1_i32 = arith.constant 1 : i32
    %c0_i32 = arith.constant 0 : i32
    %c0_i32_0 = arith.constant 0 : i32
    return %c1_i32, %arg0, %c0_i32 : i32, i32, i32
  }
  func.func @transform_2(%arg0: i32) -> (i32, i32) {
    %c0_i32 = arith.constant 0 : i32
    %c0_i32_0 = arith.constant 0 : i32
    %c0_i32_1 = arith.constant 0 : i32
    return %c0_i32, %c0_i32_0 : i32, i32
  }
  func.func @transform_3(%arg0: i32) -> (i32, i32) {
    %c0_i32 = arith.constant 0 : i32
    %c0_i32_0 = arith.constant 0 : i32
    return %arg0, %c0_i32 : i32, i32
  }
}

</mosaic_0001>

<sc_bundles>
// kernel: kernel.10.cloned.1.call-start
scs
__scs_entry_jumppad:
0x0: {  	(pc) =	sbr.rel $0x88, $3  }
0x1: {  	(tag) =	ssettag $0x0;
	lr =	simm.s32 $0x1  }
0x2: {  	[smem:$0x3F98] =	sst lr;
	_ =	strace $0xD0000000  }
0x3: {  	_ = 	snop  }
0x4: {  	_ = 	snop  }
0x5: {  	_ = 	snop  }
0x6: {  	_ = 	snop  }
0x7: {  	_ = 	snop  }
__scs_overlays_trampoline_lowered:
0x8: {  	[smem:$0x3FA7] =	sst s0  }
0x9: {  	[smem:$0x3FA8] =	sst s1  }
0xa: {  	[smem:$0x3FA9] =	sst s2  }
0xb: {  	[smem:$0x3FAA] =	sst s3  }
0xc: {  	[smem:$0x3FAB] =	sst s4  }
0xd: {  	[smem:$0x3FAC] =	sst s5  }
0xe: {  	[smem:$0x3FAD] =	sst s6  }
0xf: {  	[smem:$0x3FAE] =	sst s7  }
0x10: {  	[smem:$0x3FAF] =	sst s8  }
0x11: {  	[smem:$0x3FB0] =	sst s9;
	s0 =	simm.s32 @!p0 $0x0  }
0x12: {  	s1 =	sld [smem:$0x3F96];
	s0 =	simm.s32 @p0 $0x1  }
0x13: {  	[smem:$0x3FB1] =	sst s0;
	s0 =	simm.s32 @!p1 $0x0  }
0x14: {  	s2 =	sld [smem:$0x3F95];
	s0 =	simm.s32 @p1 $0x1  }
0x15: {  	[smem:$0x3FB2] =	sst s0;
	s0 =	simm.s32 @!p2 $0x0  }
0x16: {  	s3 =	sld [smem:$0x3FDB];
	s0 =	simm.s32 @p2 $0x1  }
0x17: {  	s4 =	simm.s32 $0x1BF5;
	[smem:$0x3FB4] =	sst s0  }
0x18: {  	s0 =	sld [smem:$0x3F97];
	_ =	swait.ge [sflag:s4], $0x0  }
0x19: {  	s7 =	sld [smem:$0x3F98]  }
0x1a: {  	s8 =	sadd.s32 $0xFFFFE003, lr  }
0x1b: {  	s9 =	sadd.s32 $0xFFFFFEF7, lr;
	s5 =	simm.s32 $0xFFFFFFFF;
	p2 =	slt.u32 s8, $0xFFFFF086  }
0x1c: {  	p1 =	slt.u32 s9, $0xF7A;
	s5 =	simm.s32 @!p2 $0x0  }
0x1d: {  	s5 =	simm.s32 @p1 $0x1;
	p0 =	seq.s32 s7, s2  }
0x1e: {  	s7 =	smul.u32 @!p0 $0xF7A, s2;
	p2 =	seq.s32 @!p0 s5, $0x0  }
0x1f: {  	s9 =	smul.u32 $0xF7A, s1;
	s8 =	simm.s32 @!p0 $0x1BF5;
	p2 =	por !p2, p0  }
0x20: {  	[sflag:s8] =	ssyncset.s32 @!p0 $0xFFFFF086;
	s6 =	sadd.s32 @!p0 s3, s7;
	s7 =	simm.s32 @!p0 $0x108  }
0x21: {  	s3 =	sadd.s32 s3, s9;
	s6 =	sadd.s32 @!p0 $0x88, s6;
	s7 =	simm.s32 @p2 $0x1082  }
0x22: {  	[simem:s7], [sflag:s8] =	dma.local @!p0 [hbm:s6], $0xF7A  }
0x23: {  	s9 =	sor.u32 $0xD0000000, s2;
	s6 =	simm.s32 $0x108;
	_ =	swait.ge @!p0 [sflag:s8], $0x0  }
0x24: {  	s3 =	sadd.s32 $0x88, s3;
	s6 =	simm.s32 @!p1 $0x1082;
	[sflag:s4] =	ssyncset.s32 $0xFFFFF086  }
0x25: {  	[simem:s6], [sflag:s4] =	dma.local [hbm:s3], $0xF7A  }
0x26: {  	[smem:$0x3F98] =	sst s1;
	(tag) =	ssettag s2;
	_ =	strace s9  }
0x27: {  	s1 =	sld [smem:$0x3FA8]  }
0x28: {  	s2 =	sld [smem:$0x3FA9]  }
0x29: {  	s4 =	sld [smem:$0x3FAB]  }
0x2a: {  	p0 =	seq.s32 s5, $0x0;
	s5 =	sld [smem:$0x3FAC]  }
0x2b: {  	s6 =	sld [smem:$0x3FAD]  }
0x2c: {  	s7 =	sld [smem:$0x3FAE]  }
0x2d: {  	s3 =	simm.s32 $0x108;
	s8 =	sld [smem:$0x3FAF]  }
0x2e: {  	s3 =	simm.s32 @!p0 $0x1082;
	s9 =	sld [smem:$0x3FB0]  }
0x2f: {  	lr =	sadd.s32 s0, s3;
	s0 =	sld [smem:$0x3FA7]  }
0x30: {  	s3 =	sld [smem:$0x3FAA]  }
0x31: {  	[smem:$0x3FB3] =	sst s10  }
0x32: {  	s10 =	sld [smem:$0x3FB1];
	_ =	sdelay $0x3  }
0x33: {  	p0 =	seq.s32 s10, $0x1;
	s10 =	sld [smem:$0x3FB3];
	_ =	sdelay $0x3  }
0x34: {  	[smem:$0x3FB3] =	sst s10  }
0x35: {  	s10 =	sld [smem:$0x3FB2];
	_ =	sdelay $0x3  }
0x36: {  	p1 =	seq.s32 s10, $0x1;
	s10 =	sld [smem:$0x3FB3];
	_ =	sdelay $0x3  }
0x37: {  	[smem:$0x3FB3] =	sst s10  }
0x38: {  	s10 =	sld [smem:$0x3FB4]  }
0x39: {  	_ = 	snop;
	(pc) =	sbr.ind lr, $3  }
0x3a: {  	_ = 	snop  }
0x3b: {  	_ = 	snop  }
0x3c: {  	p2 =	seq.s32 s10, $0x1;
	s10 =	sld [smem:$0x3FB3]  }
0x3d: {  	_ =	shalt  }
0x3e: {  	_ =	shalt  }
0x3f: {  	_ =	shalt  }
0x40: {  	_ =	shalt  }
0x41: {  	_ =	shalt  }
0x42: {  	_ =	shalt  }
0x43: {  	_ =	shalt  }
0x44: {  	_ =	shalt  }
0x45: {  	_ =	shalt  }
0x46: {  	_ =	shalt  }
0x47: {  	_ =	shalt  }
0x48: {  	_ =	shalt  }
0x49: {  	_ =	shalt  }
0x4a: {  	_ =	shalt  }
0x4b: {  	_ =	shalt  }
0x4c: {  	_ =	shalt  }
0x4d: {  	_ =	shalt  }
0x4e: {  	_ =	shalt  }
0x4f: {  	_ =	shalt  }
0x50: {  	_ =	shalt  }
0x51: {  	_ =	shalt  }
0x52: {  	_ =	shalt  }
0x53: {  	_ =	shalt  }
0x54: {  	_ =	shalt  }
0x55: {  	_ =	shalt  }
0x56: {  	_ =	shalt  }
0x57: {  	_ =	shalt  }
0x58: {  	_ =	shalt  }
0x59: {  	_ =	shalt  }
0x5a: {  	_ =	shalt  }
0x5b: {  	_ =	shalt  }
0x5c: {  	_ =	shalt  }
0x5d: {  	_ =	shalt  }
0x5e: {  	_ =	shalt  }
0x5f: {  	_ =	shalt  }
0x60: {  	_ =	shalt  }
0x61: {  	_ =	shalt  }
0x62: {  	_ =	shalt  }
0x63: {  	_ =	shalt  }
0x64: {  	_ =	shalt  }
0x65: {  	_ =	shalt  }
0x66: {  	_ =	shalt  }
0x67: {  	_ =	shalt  }
0x68: {  	_ =	shalt  }
0x69: {  	_ =	shalt  }
0x6a: {  	_ =	shalt  }
0x6b: {  	_ =	shalt  }
0x6c: {  	_ =	shalt  }
0x6d: {  	_ =	shalt  }
0x6e: {  	_ =	shalt  }
0x6f: {  	_ =	shalt  }
0x70: {  	_ =	shalt  }
0x71: {  	_ =	shalt  }
0x72: {  	_ =	shalt  }
0x73: {  	_ =	shalt  }
0x74: {  	_ =	shalt  }
0x75: {  	_ =	shalt  }
0x76: {  	_ =	shalt  }
0x77: {  	_ =	shalt  }
0x78: {  	_ =	shalt  }
0x79: {  	_ =	shalt  }
0x7a: {  	_ =	shalt  }
0x7b: {  	_ =	shalt  }
0x7c: {  	_ =	shalt  }
0x7d: {  	_ =	shalt  }
0x7e: {  	_ =	shalt  }
0x7f: {  	_ =	shalt  }
0x80: {  	_ =	shalt  }
0x81: {  	_ =	shalt  }
0x82: {  	_ =	shalt  }
0x83: {  	_ =	shalt  }
0x84: {  	_ =	shalt  }
0x85: {  	_ =	shalt  }
0x86: {  	_ =	shalt  }
0x87: {  	_ =	shalt  }
.Lfunc_end0:
.L_simem_size_0:
called_computation_lowered:
.L_overlay_start_0:
0x88: {  	s2 =	sld [smem:$0x3FD9]  }
0x89: {  	s3 =	sld [smem:$0x3FFE];
	_ =	sdelay $0x1  }
0x8a: {  	s1 =	srdreg.scid  }
0x8b: {  	s0 =	sand.u32 $0x1, s1  }
0x8c: {  	s17 =	sshll.u32 s0, $0xA;
	s2 =	sadd.s32 s3, s2  }
0x8d: {  	s2 =	sadd.s32 s2, s17  }
0x8e: {  	[smem:$0x3FBF] =	sst s2  }
0x8f: {  	_ = 	snop  }
0x90: {  	s2 =	sld [smem:$0x3FD0];
	(tm) =	ssettm $0x1  }
0x91: {  	s18 =	sld [smem:$0x3FFB];
	_ =	sdelay $0x3  }
0x92: {  	_ =	strace s18  }
0x93: {  	s3 =	sld [smem:$0x3FFC];
	_ =	sdelay $0x3  }
0x94: {  	_ =	strace s3  }
0x95: {  	s3 =	sld [smem:$0x3FFD];
	_ =	sdelay $0x3  }
0x96: {  	_ =	strace s3  }
0x97: {  	_ =	strace $0x8FFFFFFF  }
0x98: {  	s19 =	sld [smem:$0x3FDB];
	_ =	sdelay $0x1  }
0x99: {  	s4 =	simm.s32 $_scs_section_size  }
0x9a: {  	s5 =	simm.s32 $_size__tile_overlayer_lowered;
	s6 =	simm.s32 $_tile_overlayer_lowered  }
0x9b: {  	s22 =	simm.s32 $0x1BFF;
	s21 =	sshll.u32 s6, $0x1;
	s3 =	sadd.s32 s4, s19  }
0x9c: {  	s7 =	simm.s32 $0x0;
	s20 =	sshll.u32 s5, $0x1;
	s5 =	sadd.s32 s21, s3  }
0x9d: {  	[timem:s7], [sflag:s22] =	dma.local [hbm:s5], s20  }
0x9e: {  	_ =	swait.ge [sflag:s22], s20  }
0x9f: {  	s4 =	ssub.s32 $0x0, s20;
	[sflag:s22] =	ssyncset.done $0x0  }
0xa0: {  	[sflag:s22] =	ssyncadd.s32 s4;
	_ =	sdelay $0x1  }
0xa1: {  	s23 =	simm.s32 $0x1B8B  }
0xa2: {  	_ =	swait.ge [sflag:s23], $0x1  }
0xa3: {  	[sflag:s23] =	ssyncset.done $0x0  }
0xa4: {  	s25 =	simm.s32 $0x1B8E;
	s24 =	sld [smem:$0x3FFE];
	[sflag:s23] =	ssyncadd.s32 $0xFFFFFFFF  }
0xa5: {  	s26 =	simm.s32 $execute0_lowered;
	[smem:$0x3FD2] =	sst s25  }
0xa6: {  	s5 =	sshll.u32 s26, $0x1;
	_ =	strace $0x80000046;
	[dreg:$0x1] =	wrdreg $0xFFFFFFFF  }
0xa7: {  	s28 =	simm.s32 $_size_execute0_lowered;
	s3 =	sadd.s32 s3, s5;
	[dreg:$0x0] =	wrdreg $0x0  }
0xa8: {  	s5 =	sshll.u32 s28, $0x1;
	[dreg:$0x2] =	wrdreg s3  }
0xa9: {  	[dreg:$0x3] =	wrdreg s5  }
0xaa: {  	[dreg:$0x4] =	wrdreg $0xC0  }
0xab: {  	_ =	task [dreg:s7], $0x5FFFF  }
0xac: {  	[dreg:$0x1] =	wrdreg $0xFFFFFFFF  }
0xad: {  	[dreg:$0x0] =	wrdreg $0x60  }
0xae: {  	[dreg:$0x2] =	wrdreg s2  }
0xaf: {  	[dreg:$0x3] =	wrdreg s24  }
0xb0: {  	[dreg:$0x4] =	wrdreg $0x78000  }
0xb1: {  	[dreg:$0x5] =	wrdreg $0xA0000  }
0xb2: {  	[dreg:$0x6] =	wrdreg $0x9  }
0xb3: {  	_ =	task.clear_ibuf [dreg:s7], $0x7FFFF;
	_ =	strace $0x90000046  }
0xb4: {  	s29 =	simm.s32 $0x9;
	_ =	strace $0x80000048  }
0xb5: {  	_ =	swait.ge [sflag:s29], $0x1  }
0xb6: {  	[sflag:s29] =	ssyncadd.s32 $0xFFFFFFFF  }
0xb7: {  	_ =	strace $0x90000048  }
0xb8: {  	_ =	sfence  }
0xb9: {  	s30 =	sld [smem:$0x0];
	_ =	sdelay $0x2  }
0xba: {  	s31 =	sshll.u32 s1, $0xD;
	s1 =	sshrl.u32 s1, $0x2  }
0xbb: {  	s3 =	sand.u32 $0x4000, s31;
	s1 =	sadd.s32 s1, s30  }
0xbc: {  	s0 =	sor.u32 s3, s0;
	s1 =	sshll.u32 s1, $0x11  }
0xbd: {  	s0 =	sor.u32 s1, s0  }
0xbe: {  	s0 =	sadd.s32 $0x8F2B, s0  }
0xbf: {  	[sflag:s0] =	ssyncadd.remote.s32 $0x1  }
0xc0: {  	_ =	sfence.sel $0xFFFF  }
0xc1: {  	[dreg:$0x0] =	wrdreg $0xFFFFFFFF;
	(pc) =	sbr.abs _section_cstart, $3  }
0xc2: {  	[dreg:$0x1] =	wrdreg $0xFFFFFFFF  }
0xc3: {  	_ =	task.clear_ibuf [dreg:s7], $0x2FFFF;
	_ =	strace $0x9FFFFFFF  }
0xc4: {  	(tm) =	ssettm $0x7FFFFFFF  }
0xc5: {  	_ =	shalt  }
tec
execute0_lowered:
.L_overlay_start_1:
0x0: {  	(tag) =	ssettag $0x1  }
0x1: {  	s5 =	rddreg [dreg:$0x0]  }
0x2: {  	s6 =	rddreg [dreg:$0x1]  }
0x3: {  	s1 =	rddreg [dreg:$0x2]  }
0x4: {  	s2 =	rddreg [dreg:$0x3];
	s4 =	simm.s32 $0x0  }
0x5: {  	s3 =	srdreg.scid;
	[smem:$0x7FF] =	sst s4  }
0x6: {  	s28 =	sand.u32 $0x1, s3;
	s7 =	sadd.s32 $0xC600, s6;
	s3 =	stileid.u32  }
0x7: {  	s9 =	sadd.s32 $0xC000, s6;
	s30 =	sadd.s32 $0xCC00, s6;
	_ =	strace $0x80000047  }
0x8: {  	s8 =	sshll.u32 s28, $0x5;
	s29 =	smul.u32 $0x280, s3;
	s25 =	sshllo.u32 s28, $0x1  }
0x9: {  	[dreg:$0x5] =	wrdreg s7;
	s10 =	smul.u32 $0x5000, s28;
	s8 =	sor.u32 s3, s8  }
0xa: {  	[dreg:$0x6] =	wrdreg s9;
	s19 =	sshll.u32 s25, $0x4;
	s18 =	smul.u32 $0x500, s8  }
0xb: {  	s21 =	rddreg [dreg:$0x5];
	s8 =	sor.u32 s3, s19;
	s20 =	sadd.s32 s29, s10  }
0xc: {  	s8 =	smul.u32 $0x500, s8;
	s6 =	sshll.u32 s20, $0x1;
	s7 =	sadd.s32 s5, s18  }
0xd: {  	s22 =	sadd.s32 s30, s6;
	[dreg:$0x7] =	wrdreg s7  }
0xe: {  	s6 =	simm.s32 $0x2800;
	s5 =	sadd.s32 s5, s8;
	[dreg:$0x9] =	wrdreg s22  }
0xf: {  	[tilespmem:s6], [sflag:$0x1] =	stream.linear.gather [hbm4b:s21+s4], $0x2800, $0x38;
	[tilespmem:$0xC800] =	vst v63  }
0x10: {  	[dreg:$0x8] =	wrdreg s5;
	s5 =	simm.s32 $0x1  }
0x11: {  	_ =	swait.ge [sflag:s5], $0x2800  }
0x12: {  	[sflag:s5] =	ssyncset.done $0x0  }
0x13: {  	s7 =	simm.s32 $0x5000;
	s23 =	rddreg [dreg:$0x6];
	[sflag:s5] =	ssyncadd.s32 $0xFFFFD800  }
0x14: {  	[tilespmem:s7], [sflag:$0x1] =	stream.linear.gather [hbm4b:s23+s4], $0x2800, $0x38;
	[tilespmem:$0xC800] =	vst v63  }
0x15: {  	s24 =	smul.u32 $0x2800, s3;
	_ =	swait.ge [sflag:s5], $0x2800  }
0x16: {  	[sflag:s5] =	ssyncset.done $0x0  }
0x17: {  	s8 =	sadd.s32 s24, s1;
	[sflag:s5] =	ssyncadd.s32 $0xFFFFD800  }
0x18: {  	[spmem:s8] =	stream.linear.scatter [tilespmem:s7], [sflag:$0x1], $0x2800, $0x38;
	[tilespmem:$0xC800] =	vst v63  }
0x19: {  	_ =	swait.ge [sflag:s5], $0x2800  }
0x1a: {  	[sflag:s5] =	ssyncset.done $0x0  }
0x1b: {  	s9 =	sadd.s32 s24, s2;
	[sflag:s5] =	ssyncadd.s32 $0xFFFFD800  }
0x1c: {  	[spmem:s9] =	stream.linear.scatter [tilespmem:s7], [sflag:$0x1], $0x2800, $0x38;
	[tilespmem:$0xC800] =	vst v63  }
0x1d: {  	_ =	swait.ge [sflag:s5], $0x2800  }
0x1e: {  	[sflag:s5] =	ssyncset.done $0x0  }
0x1f: {  	[sflag:s5] =	ssyncadd.s32 $0xFFFFD800  }
0x20: {  	[bflag:$0x0] =	sbarrier.arrive $0xFFFF  }
0x21: {  	s26 =	rddreg [dreg:$0x7]  }
0x22: {  	[tilespmem:s4], [sflag:$0x1] =	stream.linear.gather [hbm4b:s26+s4], $0x2800, $0x38;
	[tilespmem:$0xC800] =	vst v63  }
0x23: {  	_ =	swait.ge [sflag:s5], $0x2800  }
0x24: {  	[sflag:s5] =	ssyncset.done $0x0  }
0x25: {  	s10 =	simm.s32 $0x280;
	[sflag:s5] =	ssyncadd.s32 $0xFFFFD800  }
0x26: {  	[spmem:s1] =	stream.indirect.scatter.add.f32 [tilespmem:s6], [sflag:$0x1], $0x10, s4, s10, $0xb8;
	[tilespmem:$0xC800] =	vst v63  }
0x27: {  	_ =	swait.ge [sflag:s5], $0x2800  }
0x28: {  	[sflag:s5] =	ssyncset.done $0x0  }
0x29: {  	[sflag:s5] =	ssyncadd.s32 $0xFFFFD800  }
0x2a: {  	[spmem:s1] =	stream.indirect.scatter.add.f32 [tilespmem:s6], [sflag:$0x1], $0x10, s10, s10, $0xb8;
	[tilespmem:$0xC800] =	vst v63  }
0x2b: {  	_ =	swait.ge [sflag:s5], $0x2800  }
0x2c: {  	[sflag:s5] =	ssyncset.done $0x0  }
0x2d: {  	s11 =	simm.s32 $0x500;
	[sflag:s5] =	ssyncadd.s32 $0xFFFFD800  }
0x2e: {  	[spmem:s1] =	stream.indirect.scatter.add.f32 [tilespmem:s6], [sflag:$0x1], $0x10, s11, s10, $0xb8;
	[tilespmem:$0xC800] =	vst v63  }
0x2f: {  	_ =	swait.ge [sflag:s5], $0x2800  }
0x30: {  	[sflag:s5] =	ssyncset.done $0x0  }
0x31: {  	s12 =	simm.s32 $0x780;
	[sflag:s5] =	ssyncadd.s32 $0xFFFFD800  }
0x32: {  	[spmem:s1] =	stream.indirect.scatter.add.f32 [tilespmem:s6], [sflag:$0x1], $0x10, s12, s10, $0xb8;
	[tilespmem:$0xC800] =	vst v63  }
0x33: {  	_ =	swait.ge [sflag:s5], $0x2800  }
0x34: {  	[sflag:s5] =	ssyncset.done $0x0  }
0x35: {  	s13 =	simm.s32 $0xA00;
	[sflag:s5] =	ssyncadd.s32 $0xFFFFD800  }
0x36: {  	[spmem:s1] =	stream.indirect.scatter.add.f32 [tilespmem:s6], [sflag:$0x1], $0x10, s13, s10, $0xb8;
	[tilespmem:$0xC800] =	vst v63  }
0x37: {  	_ =	swait.ge [sflag:s5], $0x2800  }
0x38: {  	[sflag:s5] =	ssyncset.done $0x0  }
0x39: {  	s14 =	simm.s32 $0xC80;
	[sflag:s5] =	ssyncadd.s32 $0xFFFFD800  }
0x3a: {  	[spmem:s1] =	stream.indirect.scatter.add.f32 [tilespmem:s6], [sflag:$0x1], $0x10, s14, s10, $0xb8;
	[tilespmem:$0xC800] =	vst v63  }
0x3b: {  	_ =	swait.ge [sflag:s5], $0x2800  }
0x3c: {  	[sflag:s5] =	ssyncset.done $0x0  }
0x3d: {  	s15 =	simm.s32 $0xF00;
	[sflag:s5] =	ssyncadd.s32 $0xFFFFD800  }
0x3e: {  	[spmem:s1] =	stream.indirect.scatter.add.f32 [tilespmem:s6], [sflag:$0x1], $0x10, s15, s10, $0xb8;
	[tilespmem:$0xC800] =	vst v63  }
0x3f: {  	_ =	swait.ge [sflag:s5], $0x2800  }
0x40: {  	[sflag:s5] =	ssyncset.done $0x0  }
0x41: {  	s16 =	simm.s32 $0x1180;
	[sflag:s5] =	ssyncadd.s32 $0xFFFFD800  }
0x42: {  	[spmem:s1] =	stream.indirect.scatter.add.f32 [tilespmem:s6], [sflag:$0x1], $0x10, s16, s10, $0xb8;
	[tilespmem:$0xC800] =	vst v63  }
0x43: {  	_ =	swait.ge [sflag:s5], $0x2800  }
0x44: {  	[sflag:s5] =	ssyncset.done $0x0  }
0x45: {  	s17 =	simm.s32 $0x1400;
	[sflag:s5] =	ssyncadd.s32 $0xFFFFD800  }
0x46: {  	[spmem:s1] =	stream.indirect.scatter.add.f32 [tilespmem:s6], [sflag:$0x1], $0x10, s17, s10, $0xb8;
	[tilespmem:$0xC800] =	vst v63  }
0x47: {  	_ =	swait.ge [sflag:s5], $0x2800  }
0x48: {  	[sflag:s5] =	ssyncset.done $0x0  }
0x49: {  	s18 =	simm.s32 $0x1680;
	[sflag:s5] =	ssyncadd.s32 $0xFFFFD800  }
0x4a: {  	[spmem:s1] =	stream.indirect.scatter.add.f32 [tilespmem:s6], [sflag:$0x1], $0x10, s18, s10, $0xb8;
	[tilespmem:$0xC800] =	vst v63  }
0x4b: {  	_ =	swait.ge [sflag:s5], $0x2800  }
0x4c: {  	[sflag:s5] =	ssyncset.done $0x0  }
0x4d: {  	s19 =	simm.s32 $0x1900;
	[sflag:s5] =	ssyncadd.s32 $0xFFFFD800  }
0x4e: {  	[spmem:s1] =	stream.indirect.scatter.add.f32 [tilespmem:s6], [sflag:$0x1], $0x10, s19, s10, $0xb8;
	[tilespmem:$0xC800] =	vst v63  }
0x4f: {  	_ =	swait.ge [sflag:s5], $0x2800  }
0x50: {  	[sflag:s5] =	ssyncset.done $0x0  }
0x51: {  	s20 =	simm.s32 $0x1B80;
	[sflag:s5] =	ssyncadd.s32 $0xFFFFD800  }
0x52: {  	[spmem:s1] =	stream.indirect.scatter.add.f32 [tilespmem:s6], [sflag:$0x1], $0x10, s20, s10, $0xb8;
	[tilespmem:$0xC800] =	vst v63  }
0x53: {  	_ =	swait.ge [sflag:s5], $0x2800  }
0x54: {  	[sflag:s5] =	ssyncset.done $0x0  }
0x55: {  	s21 =	simm.s32 $0x1E00;
	[sflag:s5] =	ssyncadd.s32 $0xFFFFD800  }
0x56: {  	[spmem:s1] =	stream.indirect.scatter.add.f32 [tilespmem:s6], [sflag:$0x1], $0x10, s21, s10, $0xb8;
	[tilespmem:$0xC800] =	vst v63  }
0x57: {  	_ =	swait.ge [sflag:s5], $0x2800  }
0x58: {  	[sflag:s5] =	ssyncset.done $0x0  }
0x59: {  	s22 =	simm.s32 $0x2080;
	[sflag:s5] =	ssyncadd.s32 $0xFFFFD800  }
0x5a: {  	[spmem:s1] =	stream.indirect.scatter.add.f32 [tilespmem:s6], [sflag:$0x1], $0x10, s22, s10, $0xb8;
	[tilespmem:$0xC800] =	vst v63  }
0x5b: {  	_ =	swait.ge [sflag:s5], $0x2800  }
0x5c: {  	[sflag:s5] =	ssyncset.done $0x0  }
0x5d: {  	s23 =	simm.s32 $0x2300;
	[sflag:s5] =	ssyncadd.s32 $0xFFFFD800  }
0x5e: {  	[spmem:s1] =	stream.indirect.scatter.add.f32 [tilespmem:s6], [sflag:$0x1], $0x10, s23, s10, $0xb8;
	[tilespmem:$0xC800] =	vst v63  }
0x5f: {  	_ =	swait.ge [sflag:s5], $0x2800  }
0x60: {  	[sflag:s5] =	ssyncset.done $0x0  }
0x61: {  	s24 =	simm.s32 $0x2580;
	[sflag:s5] =	ssyncadd.s32 $0xFFFFD800  }
0x62: {  	[spmem:s1] =	stream.indirect.scatter.add.f32 [tilespmem:s6], [sflag:$0x1], $0x10, s24, s10, $0xb8;
	[tilespmem:$0xC800] =	vst v63  }
0x63: {  	_ =	swait.ge [sflag:s5], $0x2800  }
0x64: {  	[sflag:s5] =	ssyncset.done $0x0  }
0x65: {  	s26 =	rddreg [dreg:$0x8];
	[sflag:s5] =	ssyncadd.s32 $0xFFFFD800  }
0x66: {  	[tilespmem:s4], [sflag:$0x1] =	stream.linear.gather [hbm4b:s26+s4], $0x2800, $0x38;
	[tilespmem:$0xC800] =	vst v63  }
0x67: {  	_ =	swait.ge [sflag:s5], $0x2800  }
0x68: {  	[sflag:s5] =	ssyncset.done $0x0  }
0x69: {  	[sflag:s5] =	ssyncadd.s32 $0xFFFFD800  }
0x6a: {  	[spmem:s2] =	stream.indirect.scatter.add.f32 [tilespmem:s6], [sflag:$0x1], $0x10, s4, s10, $0xb8;
	[tilespmem:$0xC800] =	vst v63  }
0x6b: {  	_ =	swait.ge [sflag:s5], $0x2800  }
0x6c: {  	[sflag:s5] =	ssyncset.done $0x0  }
0x6d: {  	[sflag:s5] =	ssyncadd.s32 $0xFFFFD800  }
0x6e: {  	[spmem:s2] =	stream.indirect.scatter.add.f32 [tilespmem:s6], [sflag:$0x1], $0x10, s10, s10, $0xb8;
	[tilespmem:$0xC800] =	vst v63  }
0x6f: {  	_ =	swait.ge [sflag:s5], $0x2800  }
0x70: {  	[sflag:s5] =	ssyncset.done $0x0  }
0x71: {  	[sflag:s5] =	ssyncadd.s32 $0xFFFFD800  }
0x72: {  	[spmem:s2] =	stream.indirect.scatter.add.f32 [tilespmem:s6], [sflag:$0x1], $0x10, s11, s10, $0xb8;
	[tilespmem:$0xC800] =	vst v63  }
0x73: {  	_ =	swait.ge [sflag:s5], $0x2800  }
0x74: {  	[sflag:s5] =	ssyncset.done $0x0  }
0x75: {  	[sflag:s5] =	ssyncadd.s32 $0xFFFFD800  }
0x76: {  	[spmem:s2] =	stream.indirect.scatter.add.f32 [tilespmem:s6], [sflag:$0x1], $0x10, s12, s10, $0xb8;
	[tilespmem:$0xC800] =	vst v63  }
0x77: {  	_ =	swait.ge [sflag:s5], $0x2800  }
0x78: {  	[sflag:s5] =	ssyncset.done $0x0  }
0x79: {  	[sflag:s5] =	ssyncadd.s32 $0xFFFFD800  }
0x7a: {  	[spmem:s2] =	stream.indirect.scatter.add.f32 [tilespmem:s6], [sflag:$0x1], $0x10, s13, s10, $0xb8;
	[tilespmem:$0xC800] =	vst v63  }
0x7b: {  	_ =	swait.ge [sflag:s5], $0x2800  }
0x7c: {  	[sflag:s5] =	ssyncset.done $0x0  }
0x7d: {  	[sflag:s5] =	ssyncadd.s32 $0xFFFFD800  }
0x7e: {  	[spmem:s2] =	stream.indirect.scatter.add.f32 [tilespmem:s6], [sflag:$0x1], $0x10, s14, s10, $0xb8;
	[tilespmem:$0xC800] =	vst v63  }
0x7f: {  	_ =	swait.ge [sflag:s5], $0x2800  }
0x80: {  	[sflag:s5] =	ssyncset.done $0x0  }
0x81: {  	[sflag:s5] =	ssyncadd.s32 $0xFFFFD800  }
0x82: {  	[spmem:s2] =	stream.indirect.scatter.add.f32 [tilespmem:s6], [sflag:$0x1], $0x10, s15, s10, $0xb8;
	[tilespmem:$0xC800] =	vst v63  }
0x83: {  	_ =	swait.ge [sflag:s5], $0x2800  }
0x84: {  	[sflag:s5] =	ssyncset.done $0x0  }
0x85: {  	[sflag:s5] =	ssyncadd.s32 $0xFFFFD800  }
0x86: {  	[spmem:s2] =	stream.indirect.scatter.add.f32 [tilespmem:s6], [sflag:$0x1], $0x10, s16, s10, $0xb8;
	[tilespmem:$0xC800] =	vst v63  }
0x87: {  	_ =	swait.ge [sflag:s5], $0x2800  }
0x88: {  	[sflag:s5] =	ssyncset.done $0x0  }
0x89: {  	[sflag:s5] =	ssyncadd.s32 $0xFFFFD800  }
0x8a: {  	[spmem:s2] =	stream.indirect.scatter.add.f32 [tilespmem:s6], [sflag:$0x1], $0x10, s17, s10, $0xb8;
	[tilespmem:$0xC800] =	vst v63  }
0x8b: {  	_ =	swait.ge [sflag:s5], $0x2800  }
0x8c: {  	[sflag:s5] =	ssyncset.done $0x0  }
0x8d: {  	[sflag:s5] =	ssyncadd.s32 $0xFFFFD800  }
0x8e: {  	[spmem:s2] =	stream.indirect.scatter.add.f32 [tilespmem:s6], [sflag:$0x1], $0x10, s18, s10, $0xb8;
	[tilespmem:$0xC800] =	vst v63  }
0x8f: {  	_ =	swait.ge [sflag:s5], $0x2800  }
0x90: {  	[sflag:s5] =	ssyncset.done $0x0  }
0x91: {  	[sflag:s5] =	ssyncadd.s32 $0xFFFFD800  }
0x92: {  	[spmem:s2] =	stream.indirect.scatter.add.f32 [tilespmem:s6], [sflag:$0x1], $0x10, s19, s10, $0xb8;
	[tilespmem:$0xC800] =	vst v63  }
0x93: {  	_ =	swait.ge [sflag:s5], $0x2800  }
0x94: {  	[sflag:s5] =	ssyncset.done $0x0  }
0x95: {  	[sflag:s5] =	ssyncadd.s32 $0xFFFFD800  }
0x96: {  	[spmem:s2] =	stream.indirect.scatter.add.f32 [tilespmem:s6], [sflag:$0x1], $0x10, s20, s10, $0xb8;
	[tilespmem:$0xC800] =	vst v63  }
0x97: {  	_ =	swait.ge [sflag:s5], $0x2800  }
0x98: {  	[sflag:s5] =	ssyncset.done $0x0  }
0x99: {  	[sflag:s5] =	ssyncadd.s32 $0xFFFFD800  }
0x9a: {  	[spmem:s2] =	stream.indirect.scatter.add.f32 [tilespmem:s6], [sflag:$0x1], $0x10, s21, s10, $0xb8;
	[tilespmem:$0xC800] =	vst v63  }
0x9b: {  	_ =	swait.ge [sflag:s5], $0x2800  }
0x9c: {  	[sflag:s5] =	ssyncset.done $0x0  }
0x9d: {  	[sflag:s5] =	ssyncadd.s32 $0xFFFFD800  }
0x9e: {  	[spmem:s2] =	stream.indirect.scatter.add.f32 [tilespmem:s6], [sflag:$0x1], $0x10, s22, s10, $0xb8;
	[tilespmem:$0xC800] =	vst v63  }
0x9f: {  	_ =	swait.ge [sflag:s5], $0x2800  }
0xa0: {  	[sflag:s5] =	ssyncset.done $0x0  }
0xa1: {  	[sflag:s5] =	ssyncadd.s32 $0xFFFFD800  }
0xa2: {  	[spmem:s2] =	stream.indirect.scatter.add.f32 [tilespmem:s6], [sflag:$0x1], $0x10, s23, s10, $0xb8;
	[tilespmem:$0xC800] =	vst v63  }
0xa3: {  	_ =	swait.ge [sflag:s5], $0x2800  }
0xa4: {  	[sflag:s5] =	ssyncset.done $0x0  }
0xa5: {  	[sflag:s5] =	ssyncadd.s32 $0xFFFFD800  }
0xa6: {  	[spmem:s2] =	stream.indirect.scatter.add.f32 [tilespmem:s6], [sflag:$0x1], $0x10, s24, s10, $0xb8;
	[tilespmem:$0xC800] =	vst v63  }
0xa7: {  	s0 =	smul.u32 $0x2800, s25;
	_ =	swait.ge [sflag:s5], $0x2800  }
0xa8: {  	s28 =	ssub.s32 $0x2, s28;
	[sflag:s5] =	ssyncset.done $0x0  }
0xa9: {  	s0 =	sadd.s32 s29, s0;
	s29 =	sshrl.u32 s28, $0x1;
	[sflag:s5] =	ssyncadd.s32 $0xFFFFD800  }
0xaa: {  	s29 =	ssub.s32 s28, s29;
	s26 =	sshll.u32 s3, $0x6;
	[bflag:$0x0] =	sbarrier.arrive $0xFFFF  }
0xab: {  	s25 =	sor.u32 $0x1C01, s26;
	s26 =	sshrl.u32 s8, $0x3;
	s31 =	rddreg [dreg:$0x9]  }
0xac: {  	[hbm:s31], [sflag:s25] =	dma.local [spmem:s26], $0x500  }
0xad: {  	s31 =	smax.u32 s29, $0x1  }
0xae: {  	p0 =	sne.s32 s31, $0x1  }
.Ltmp0:
0xaf: {  	_ =	swait.ge [sflag:s5], $0x500;
	(pc) =	sbr.rel @!p0 .LBB2_2-.Ltmp0, $4  }
0xb0: {  	s0 =	sshll.u32 s0, $0x1;
	[sflag:s5] =	ssyncset.done $0x0  }
0xb1: {  	s28 =	sadd.s32 s30, s0;
	s29 =	sshrl.u32 s9, $0x3;
	[sflag:s5] =	ssyncadd.s32 $0xFFFFFB00  }
0xb2: {  	[hbm:s28], [sflag:s25] =	dma.local [spmem:s29], $0x500  }
0xb3: {  	s30 =	sadd.s32 $0xFFFFFFFF, s31;
	_ =	swait.ge [sflag:s5], $0x500  }
.LBB2_1:
0xb4: {  	[sflag:s5] =	ssyncset.done $0x0  }
0xb5: {  	s0 =	rddreg [dreg:$0x5];
	[sflag:s5] =	ssyncadd.s32 $0xFFFFFB00  }
0xb6: {  	[tilespmem:s6], [sflag:$0x1] =	stream.linear.gather [hbm4b:s0+s4], $0x2800, $0x38;
	[tilespmem:$0xC800] =	vst v63  }
0xb7: {  	_ =	swait.ge [sflag:s5], $0x2800  }
0xb8: {  	[sflag:s5] =	ssyncset.done $0x0  }
0xb9: {  	s31 =	rddreg [dreg:$0x6];
	[sflag:s5] =	ssyncadd.s32 $0xFFFFD800  }
0xba: {  	[tilespmem:s7], [sflag:$0x1] =	stream.linear.gather [hbm4b:s31+s4], $0x2800, $0x38;
	[tilespmem:$0xC800] =	vst v63  }
0xbb: {  	_ =	swait.ge [sflag:s5], $0x2800  }
0xbc: {  	[sflag:s5] =	ssyncset.done $0x0  }
0xbd: {  	[sflag:s5] =	ssyncadd.s32 $0xFFFFD800  }
0xbe: {  	[spmem:s8] =	stream.linear.scatter [tilespmem:s7], [sflag:$0x1], $0x2800, $0x38;
	[tilespmem:$0xC800] =	vst v63  }
0xbf: {  	_ =	swait.ge [sflag:s5], $0x2800  }
0xc0: {  	[sflag:s5] =	ssyncset.done $0x0  }
0xc1: {  	[sflag:s5] =	ssyncadd.s32 $0xFFFFD800  }
0xc2: {  	[spmem:s9] =	stream.linear.scatter [tilespmem:s7], [sflag:$0x1], $0x2800, $0x38;
	[tilespmem:$0xC800] =	vst v63  }
0xc3: {  	_ =	swait.ge [sflag:s5], $0x2800  }
0xc4: {  	[sflag:s5] =	ssyncset.done $0x0  }
0xc5: {  	[sflag:s5] =	ssyncadd.s32 $0xFFFFD800  }
0xc6: {  	[bflag:$0x0] =	sbarrier.arrive $0xFFFF  }
0xc7: {  	s31 =	rddreg [dreg:$0x7]  }
0xc8: {  	[tilespmem:s4], [sflag:$0x1] =	stream.linear.gather [hbm4b:s31+s4], $0x2800, $0x38;
	[tilespmem:$0xC800] =	vst v63  }
0xc9: {  	_ =	swait.ge [sflag:s5], $0x2800  }
0xca: {  	[sflag:s5] =	ssyncset.done $0x0  }
0xcb: {  	[sflag:s5] =	ssyncadd.s32 $0xFFFFD800  }
0xcc: {  	[spmem:s1] =	stream.indirect.scatter.add.f32 [tilespmem:s6], [sflag:$0x1], $0x10, s4, s10, $0xb8;
	[tilespmem:$0xC800] =	vst v63  }
0xcd: {  	_ =	swait.ge [sflag:s5], $0x2800  }
0xce: {  	[sflag:s5] =	ssyncset.done $0x0  }
0xcf: {  	[sflag:s5] =	ssyncadd.s32 $0xFFFFD800  }
0xd0: {  	[spmem:s1] =	stream.indirect.scatter.add.f32 [tilespmem:s6], [sflag:$0x1], $0x10, s10, s10, $0xb8;
	[tilespmem:$0xC800] =	vst v63  }
0xd1: {  	_ =	swait.ge [sflag:s5], $0x2800  }
0xd2: {  	[sflag:s5] =	ssyncset.done $0x0  }
0xd3: {  	[sflag:s5] =	ssyncadd.s32 $0xFFFFD800  }
0xd4: {  	[spmem:s1] =	stream.indirect.scatter.add.f32 [tilespmem:s6], [sflag:$0x1], $0x10, s11, s10, $0xb8;
	[tilespmem:$0xC800] =	vst v63  }
0xd5: {  	_ =	swait.ge [sflag:s5], $0x2800  }
0xd6: {  	[sflag:s5] =	ssyncset.done $0x0  }
0xd7: {  	[sflag:s5] =	ssyncadd.s32 $0xFFFFD800  }
0xd8: {  	[spmem:s1] =	stream.indirect.scatter.add.f32 [tilespmem:s6], [sflag:$0x1], $0x10, s12, s10, $0xb8;
	[tilespmem:$0xC800] =	vst v63  }
0xd9: {  	_ =	swait.ge [sflag:s5], $0x2800  }
0xda: {  	[sflag:s5] =	ssyncset.done $0x0  }
0xdb: {  	[sflag:s5] =	ssyncadd.s32 $0xFFFFD800  }
0xdc: {  	[spmem:s1] =	stream.indirect.scatter.add.f32 [tilespmem:s6], [sflag:$0x1], $0x10, s13, s10, $0xb8;
	[tilespmem:$0xC800] =	vst v63  }
0xdd: {  	_ =	swait.ge [sflag:s5], $0x2800  }
0xde: {  	[sflag:s5] =	ssyncset.done $0x0  }
0xdf: {  	[sflag:s5] =	ssyncadd.s32 $0xFFFFD800  }
0xe0: {  	[spmem:s1] =	stream.indirect.scatter.add.f32 [tilespmem:s6], [sflag:$0x1], $0x10, s14, s10, $0xb8;
	[tilespmem:$0xC800] =	vst v63  }
0xe1: {  	_ =	swait.ge [sflag:s5], $0x2800  }
0xe2: {  	[sflag:s5] =	ssyncset.done $0x0  }
0xe3: {  	[sflag:s5] =	ssyncadd.s32 $0xFFFFD800  }
0xe4: {  	[spmem:s1] =	stream.indirect.scatter.add.f32 [tilespmem:s6], [sflag:$0x1], $0x10, s15, s10, $0xb8;
	[tilespmem:$0xC800] =	vst v63  }
0xe5: {  	_ =	swait.ge [sflag:s5], $0x2800  }
0xe6: {  	[sflag:s5] =	ssyncset.done $0x0  }
0xe7: {  	[sflag:s5] =	ssyncadd.s32 $0xFFFFD800  }
0xe8: {  	[spmem:s1] =	stream.indirect.scatter.add.f32 [tilespmem:s6], [sflag:$0x1], $0x10, s16, s10, $0xb8;
	[tilespmem:$0xC800] =	vst v63  }
0xe9: {  	_ =	swait.ge [sflag:s5], $0x2800  }
0xea: {  	[sflag:s5] =	ssyncset.done $0x0  }
0xeb: {  	[sflag:s5] =	ssyncadd.s32 $0xFFFFD800  }
0xec: {  	[spmem:s1] =	stream.indirect.scatter.add.f32 [tilespmem:s6], [sflag:$0x1], $0x10, s17, s10, $0xb8;
	[tilespmem:$0xC800] =	vst v63  }
0xed: {  	_ =	swait.ge [sflag:s5], $0x2800  }
0xee: {  	[sflag:s5] =	ssyncset.done $0x0  }
0xef: {  	[sflag:s5] =	ssyncadd.s32 $0xFFFFD800  }
0xf0: {  	[spmem:s1] =	stream.indirect.scatter.add.f32 [tilespmem:s6], [sflag:$0x1], $0x10, s18, s10, $0xb8;
	[tilespmem:$0xC800] =	vst v63  }
0xf1: {  	_ =	swait.ge [sflag:s5], $0x2800  }
0xf2: {  	[sflag:s5] =	ssyncset.done $0x0  }
0xf3: {  	[sflag:s5] =	ssyncadd.s32 $0xFFFFD800  }
0xf4: {  	[spmem:s1] =	stream.indirect.scatter.add.f32 [tilespmem:s6], [sflag:$0x1], $0x10, s19, s10, $0xb8;
	[tilespmem:$0xC800] =	vst v63  }
0xf5: {  	_ =	swait.ge [sflag:s5], $0x2800  }
0xf6: {  	[sflag:s5] =	ssyncset.done $0x0  }
0xf7: {  	[sflag:s5] =	ssyncadd.s32 $0xFFFFD800  }
0xf8: {  	[spmem:s1] =	stream.indirect.scatter.add.f32 [tilespmem:s6], [sflag:$0x1], $0x10, s20, s10, $0xb8;
	[tilespmem:$0xC800] =	vst v63  }
0xf9: {  	_ =	swait.ge [sflag:s5], $0x2800  }
0xfa: {  	[sflag:s5] =	ssyncset.done $0x0  }
0xfb: {  	[sflag:s5] =	ssyncadd.s32 $0xFFFFD800  }
0xfc: {  	[spmem:s1] =	stream.indirect.scatter.add.f32 [tilespmem:s6], [sflag:$0x1], $0x10, s21, s10, $0xb8;
	[tilespmem:$0xC800] =	vst v63  }
0xfd: {  	_ =	swait.ge [sflag:s5], $0x2800  }
0xfe: {  	[sflag:s5] =	ssyncset.done $0x0  }
0xff: {  	[sflag:s5] =	ssyncadd.s32 $0xFFFFD800  }
0x100: {  	[spmem:s1] =	stream.indirect.scatter.add.f32 [tilespmem:s6], [sflag:$0x1], $0x10, s22, s10, $0xb8;
	[tilespmem:$0xC800] =	vst v63  }
0x101: {  	_ =	swait.ge [sflag:s5], $0x2800  }
0x102: {  	[sflag:s5] =	ssyncset.done $0x0  }
0x103: {  	[sflag:s5] =	ssyncadd.s32 $0xFFFFD800  }
0x104: {  	[spmem:s1] =	stream.indirect.scatter.add.f32 [tilespmem:s6], [sflag:$0x1], $0x10, s23, s10, $0xb8;
	[tilespmem:$0xC800] =	vst v63  }
0x105: {  	_ =	swait.ge [sflag:s5], $0x2800  }
0x106: {  	[sflag:s5] =	ssyncset.done $0x0  }
0x107: {  	[sflag:s5] =	ssyncadd.s32 $0xFFFFD800  }
0x108: {  	[spmem:s1] =	stream.indirect.scatter.add.f32 [tilespmem:s6], [sflag:$0x1], $0x10, s24, s10, $0xb8;
	[tilespmem:$0xC800] =	vst v63  }
0x109: {  	_ =	swait.ge [sflag:s5], $0x2800  }
0x10a: {  	[sflag:s5] =	ssyncset.done $0x0  }
0x10b: {  	s31 =	rddreg [dreg:$0x8];
	[sflag:s5] =	ssyncadd.s32 $0xFFFFD800  }
0x10c: {  	[tilespmem:s4], [sflag:$0x1] =	stream.linear.gather [hbm4b:s31+s4], $0x2800, $0x38;
	[tilespmem:$0xC800] =	vst v63  }
0x10d: {  	_ =	swait.ge [sflag:s5], $0x2800  }
0x10e: {  	[sflag:s5] =	ssyncset.done $0x0  }
0x10f: {  	[sflag:s5] =	ssyncadd.s32 $0xFFFFD800  }
0x110: {  	[spmem:s2] =	stream.indirect.scatter.add.f32 [tilespmem:s6], [sflag:$0x1], $0x10, s4, s10, $0xb8;
	[tilespmem:$0xC800] =	vst v63  }
0x111: {  	_ =	swait.ge [sflag:s5], $0x2800  }
0x112: {  	[sflag:s5] =	ssyncset.done $0x0  }
0x113: {  	[sflag:s5] =	ssyncadd.s32 $0xFFFFD800  }
0x114: {  	[spmem:s2] =	stream.indirect.scatter.add.f32 [tilespmem:s6], [sflag:$0x1], $0x10, s10, s10, $0xb8;
	[tilespmem:$0xC800] =	vst v63  }
0x115: {  	_ =	swait.ge [sflag:s5], $0x2800  }
0x116: {  	[sflag:s5] =	ssyncset.done $0x0  }
0x117: {  	[sflag:s5] =	ssyncadd.s32 $0xFFFFD800  }
0x118: {  	[spmem:s2] =	stream.indirect.scatter.add.f32 [tilespmem:s6], [sflag:$0x1], $0x10, s11, s10, $0xb8;
	[tilespmem:$0xC800] =	vst v63  }
0x119: {  	_ =	swait.ge [sflag:s5], $0x2800  }
0x11a: {  	[sflag:s5] =	ssyncset.done $0x0  }
0x11b: {  	[sflag:s5] =	ssyncadd.s32 $0xFFFFD800  }
0x11c: {  	[spmem:s2] =	stream.indirect.scatter.add.f32 [tilespmem:s6], [sflag:$0x1], $0x10, s12, s10, $0xb8;
	[tilespmem:$0xC800] =	vst v63  }
0x11d: {  	_ =	swait.ge [sflag:s5], $0x2800  }
0x11e: {  	[sflag:s5] =	ssyncset.done $0x0  }
0x11f: {  	[sflag:s5] =	ssyncadd.s32 $0xFFFFD800  }
0x120: {  	[spmem:s2] =	stream.indirect.scatter.add.f32 [tilespmem:s6], [sflag:$0x1], $0x10, s13, s10, $0xb8;
	[tilespmem:$0xC800] =	vst v63  }
0x121: {  	_ =	swait.ge [sflag:s5], $0x2800  }
0x122: {  	[sflag:s5] =	ssyncset.done $0x0  }
0x123: {  	[sflag:s5] =	ssyncadd.s32 $0xFFFFD800  }
0x124: {  	[spmem:s2] =	stream.indirect.scatter.add.f32 [tilespmem:s6], [sflag:$0x1], $0x10, s14, s10, $0xb8;
	[tilespmem:$0xC800] =	vst v63  }
0x125: {  	_ =	swait.ge [sflag:s5], $0x2800  }
0x126: {  	[sflag:s5] =	ssyncset.done $0x0  }
0x127: {  	[sflag:s5] =	ssyncadd.s32 $0xFFFFD800  }
0x128: {  	[spmem:s2] =	stream.indirect.scatter.add.f32 [tilespmem:s6], [sflag:$0x1], $0x10, s15, s10, $0xb8;
	[tilespmem:$0xC800] =	vst v63  }
0x129: {  	_ =	swait.ge [sflag:s5], $0x2800  }
0x12a: {  	[sflag:s5] =	ssyncset.done $0x0  }
0x12b: {  	[sflag:s5] =	ssyncadd.s32 $0xFFFFD800  }
0x12c: {  	[spmem:s2] =	stream.indirect.scatter.add.f32 [tilespmem:s6], [sflag:$0x1], $0x10, s16, s10, $0xb8;
	[tilespmem:$0xC800] =	vst v63  }
0x12d: {  	_ =	swait.ge [sflag:s5], $0x2800  }
0x12e: {  	[sflag:s5] =	ssyncset.done $0x0  }
0x12f: {  	[sflag:s5] =	ssyncadd.s32 $0xFFFFD800  }
0x130: {  	[spmem:s2] =	stream.indirect.scatter.add.f32 [tilespmem:s6], [sflag:$0x1], $0x10, s17, s10, $0xb8;
	[tilespmem:$0xC800] =	vst v63  }
0x131: {  	_ =	swait.ge [sflag:s5], $0x2800  }
0x132: {  	[sflag:s5] =	ssyncset.done $0x0  }
0x133: {  	[sflag:s5] =	ssyncadd.s32 $0xFFFFD800  }
0x134: {  	[spmem:s2] =	stream.indirect.scatter.add.f32 [tilespmem:s6], [sflag:$0x1], $0x10, s18, s10, $0xb8;
	[tilespmem:$0xC800] =	vst v63  }
0x135: {  	_ =	swait.ge [sflag:s5], $0x2800  }
0x136: {  	[sflag:s5] =	ssyncset.done $0x0  }
0x137: {  	[sflag:s5] =	ssyncadd.s32 $0xFFFFD800  }
0x138: {  	[spmem:s2] =	stream.indirect.scatter.add.f32 [tilespmem:s6], [sflag:$0x1], $0x10, s19, s10, $0xb8;
	[tilespmem:$0xC800] =	vst v63  }
0x139: {  	_ =	swait.ge [sflag:s5], $0x2800  }
0x13a: {  	[sflag:s5] =	ssyncset.done $0x0  }
0x13b: {  	[sflag:s5] =	ssyncadd.s32 $0xFFFFD800  }
0x13c: {  	[spmem:s2] =	stream.indirect.scatter.add.f32 [tilespmem:s6], [sflag:$0x1], $0x10, s20, s10, $0xb8;
	[tilespmem:$0xC800] =	vst v63  }
0x13d: {  	_ =	swait.ge [sflag:s5], $0x2800  }
0x13e: {  	[sflag:s5] =	ssyncset.done $0x0  }
0x13f: {  	[sflag:s5] =	ssyncadd.s32 $0xFFFFD800  }
0x140: {  	[spmem:s2] =	stream.indirect.scatter.add.f32 [tilespmem:s6], [sflag:$0x1], $0x10, s21, s10, $0xb8;
	[tilespmem:$0xC800] =	vst v63  }
0x141: {  	_ =	swait.ge [sflag:s5], $0x2800  }
0x142: {  	[sflag:s5] =	ssyncset.done $0x0  }
0x143: {  	[sflag:s5] =	ssyncadd.s32 $0xFFFFD800  }
0x144: {  	[spmem:s2] =	stream.indirect.scatter.add.f32 [tilespmem:s6], [sflag:$0x1], $0x10, s22, s10, $0xb8;
	[tilespmem:$0xC800] =	vst v63  }
0x145: {  	_ =	swait.ge [sflag:s5], $0x2800  }
0x146: {  	[sflag:s5] =	ssyncset.done $0x0  }
0x147: {  	[sflag:s5] =	ssyncadd.s32 $0xFFFFD800  }
0x148: {  	[spmem:s2] =	stream.indirect.scatter.add.f32 [tilespmem:s6], [sflag:$0x1], $0x10, s23, s10, $0xb8;
	[tilespmem:$0xC800] =	vst v63  }
0x149: {  	_ =	swait.ge [sflag:s5], $0x2800  }
0x14a: {  	[sflag:s5] =	ssyncset.done $0x0  }
0x14b: {  	[sflag:s5] =	ssyncadd.s32 $0xFFFFD800  }
0x14c: {  	[spmem:s2] =	stream.indirect.scatter.add.f32 [tilespmem:s6], [sflag:$0x1], $0x10, s24, s10, $0xb8;
	[tilespmem:$0xC800] =	vst v63  }
0x14d: {  	_ =	swait.ge [sflag:s5], $0x2800  }
0x14e: {  	[sflag:s5] =	ssyncset.done $0x0  }
0x14f: {  	[sflag:s5] =	ssyncadd.s32 $0xFFFFD800  }
0x150: {  	[bflag:$0x0] =	sbarrier.arrive $0xFFFF  }
0x151: {  	p0 =	sne.s32 s30, $0x1;
	s31 =	rddreg [dreg:$0x9]  }
0x152: {  	[hbm:s31], [sflag:s25] =	dma.local [spmem:s26], $0x500  }
.Ltmp1:
0x153: {  	_ =	swait.ge [sflag:s5], $0x500;
	(pc) =	sbr.rel @p0 .LBB2_1-.Ltmp1, $4  }
0x154: {  	[sflag:s5] =	ssyncset.done $0x0  }
0x155: {  	[sflag:s5] =	ssyncadd.s32 $0xFFFFFB00  }
0x156: {  	[hbm:s28], [sflag:s25] =	dma.local [spmem:s29], $0x500  }
0x157: {  	s30 =	sadd.s32 $0xFFFFFFFF, s30;
	_ =	swait.ge [sflag:s5], $0x500  }
.LBB2_2:
0x158: {  	[sflag:s5] =	ssyncset.done $0x0  }
0x159: {  	[sflag:s5] =	ssyncadd.s32 $0xFFFFFB00  }
0x15a: {  	_ =	sfence.sel $0x180000  }
0x15b: {  	[bflag:$0x0] =	sbarrier.arrive $0xFFFF  }
0x15c: {  	_ =	strace $0x90000047  }
0x15d: {  	[bflag:$0x2] =	sbarrier.arrive $0xFFFF  }
0x15e: {  	p0 =	sne.s32 s3, $0x0;
	s0 =	rddreg [dreg:$0x4]  }
0x15f: {  	s0 =	sadd.s32 @!p0 $0x100000, s0  }
0x160: {  	[sflag:s0] =	ssyncadd.tile.s32 @!p0 $0x1;
	_ =	shalt  }
.Lfunc_end2:
_tile_overlayer_lowered:
.L_overlay_start_2:
0x161: {  	(tag) =	ssettag $0x2  }
0x162: {  	s0 =	rddreg [dreg:$0x0];
	s2 =	stileid.u32  }
0x163: {  	s1 =	rddreg [dreg:$0x1];
	p0 =	sne.s32 s2, $0x0  }
0x164: {  	s3 =	rddreg [dreg:$0x2];
	[bflag:$0x3] =	sbarrier.arrive $0xFFFF;
	s2 =	simm.s32 @!p0 $0x1C01  }
0x165: {  	[timem:s3], [sflag:s2] =	dma.local @!p0 [hbm:s0], s1  }
0x166: {  	s0 =	simm.s32 @!p0 $0x1  }
0x167: {  	_ =	swait.ge @!p0 [sflag:s0], s1  }
0x168: {  	s1 =	ssub.s32 @!p0 $0x0, s1;
	[sflag:s0] =	ssyncset.done @!p0 $0x0  }
0x169: {  	[sflag:s0] =	ssyncadd.s32 @!p0 s1  }
0x16a: {  	[bflag:$0x3] =	sbarrier.arrive $0xFFFF  }
0x16b: {  	_ =	shalt  }

// kernel: kernel.13.cloned.1.call-start
scs
__scs_entry_jumppad:
0x0: {  	(pc) =	sbr.rel $0x88, $3  }
0x1: {  	(tag) =	ssettag $0x0;
	lr =	simm.s32 $0x1  }
0x2: {  	[smem:$0x3F98] =	sst lr;
	_ =	strace $0xD0000000  }
0x3: {  	_ = 	snop  }
0x4: {  	_ = 	snop  }
0x5: {  	_ = 	snop  }
0x6: {  	_ = 	snop  }
0x7: {  	_ = 	snop  }
__scs_overlays_trampoline_lowered:
0x8: {  	[smem:$0x3FA7] =	sst s0  }
0x9: {  	[smem:$0x3FA8] =	sst s1  }
0xa: {  	[smem:$0x3FA9] =	sst s2  }
0xb: {  	[smem:$0x3FAA] =	sst s3  }
0xc: {  	[smem:$0x3FAB] =	sst s4  }
0xd: {  	[smem:$0x3FAC] =	sst s5  }
0xe: {  	[smem:$0x3FAD] =	sst s6  }
0xf: {  	[smem:$0x3FAE] =	sst s7  }
0x10: {  	[smem:$0x3FAF] =	sst s8  }
0x11: {  	[smem:$0x3FB0] =	sst s9;
	s0 =	simm.s32 @!p0 $0x0  }
0x12: {  	s1 =	sld [smem:$0x3F96];
	s0 =	simm.s32 @p0 $0x1  }
0x13: {  	[smem:$0x3FB1] =	sst s0;
	s0 =	simm.s32 @!p1 $0x0  }
0x14: {  	s2 =	sld [smem:$0x3F95];
	s0 =	simm.s32 @p1 $0x1  }
0x15: {  	[smem:$0x3FB2] =	sst s0;
	s0 =	simm.s32 @!p2 $0x0  }
0x16: {  	s3 =	sld [smem:$0x3FDB];
	s0 =	simm.s32 @p2 $0x1  }
0x17: {  	s4 =	simm.s32 $0x1BF5;
	[smem:$0x3FB4] =	sst s0  }
0x18: {  	s0 =	sld [smem:$0x3F97];
	_ =	swait.ge [sflag:s4], $0x0  }
0x19: {  	s7 =	sld [smem:$0x3F98]  }
0x1a: {  	s8 =	sadd.s32 $0xFFFFE003, lr  }
0x1b: {  	s9 =	sadd.s32 $0xFFFFFEF7, lr;
	s5 =	simm.s32 $0xFFFFFFFF;
	p2 =	slt.u32 s8, $0xFFFFF086  }
0x1c: {  	p1 =	slt.u32 s9, $0xF7A;
	s5 =	simm.s32 @!p2 $0x0  }
0x1d: {  	s5 =	simm.s32 @p1 $0x1;
	p0 =	seq.s32 s7, s2  }
0x1e: {  	s7 =	smul.u32 @!p0 $0xF7A, s2;
	p2 =	seq.s32 @!p0 s5, $0x0  }
0x1f: {  	s9 =	smul.u32 $0xF7A, s1;
	s8 =	simm.s32 @!p0 $0x1BF5;
	p2 =	por !p2, p0  }
0x20: {  	[sflag:s8] =	ssyncset.s32 @!p0 $0xFFFFF086;
	s6 =	sadd.s32 @!p0 s3, s7;
	s7 =	simm.s32 @!p0 $0x108  }
0x21: {  	s3 =	sadd.s32 s3, s9;
	s6 =	sadd.s32 @!p0 $0x88, s6;
	s7 =	simm.s32 @p2 $0x1082  }
0x22: {  	[simem:s7], [sflag:s8] =	dma.local @!p0 [hbm:s6], $0xF7A  }
0x23: {  	s9 =	sor.u32 $0xD0000000, s2;
	s6 =	simm.s32 $0x108;
	_ =	swait.ge @!p0 [sflag:s8], $0x0  }
0x24: {  	s3 =	sadd.s32 $0x88, s3;
	s6 =	simm.s32 @!p1 $0x1082;
	[sflag:s4] =	ssyncset.s32 $0xFFFFF086  }
0x25: {  	[simem:s6], [sflag:s4] =	dma.local [hbm:s3], $0xF7A  }
0x26: {  	[smem:$0x3F98] =	sst s1;
	(tag) =	ssettag s2;
	_ =	strace s9  }
0x27: {  	s1 =	sld [smem:$0x3FA8]  }
0x28: {  	s2 =	sld [smem:$0x3FA9]  }
0x29: {  	s4 =	sld [smem:$0x3FAB]  }
0x2a: {  	p0 =	seq.s32 s5, $0x0;
	s5 =	sld [smem:$0x3FAC]  }
0x2b: {  	s6 =	sld [smem:$0x3FAD]  }
0x2c: {  	s7 =	sld [smem:$0x3FAE]  }
0x2d: {  	s3 =	simm.s32 $0x108;
	s8 =	sld [smem:$0x3FAF]  }
0x2e: {  	s3 =	simm.s32 @!p0 $0x1082;
	s9 =	sld [smem:$0x3FB0]  }
0x2f: {  	lr =	sadd.s32 s0, s3;
	s0 =	sld [smem:$0x3FA7]  }
0x30: {  	s3 =	sld [smem:$0x3FAA]  }
0x31: {  	[smem:$0x3FB3] =	sst s10  }
0x32: {  	s10 =	sld [smem:$0x3FB1];
	_ =	sdelay $0x3  }
0x33: {  	p0 =	seq.s32 s10, $0x1;
	s10 =	sld [smem:$0x3FB3];
	_ =	sdelay $0x3  }
0x34: {  	[smem:$0x3FB3] =	sst s10  }
0x35: {  	s10 =	sld [smem:$0x3FB2];
	_ =	sdelay $0x3  }
0x36: {  	p1 =	seq.s32 s10, $0x1;
	s10 =	sld [smem:$0x3FB3];
	_ =	sdelay $0x3  }
0x37: {  	[smem:$0x3FB3] =	sst s10  }
0x38: {  	s10 =	sld [smem:$0x3FB4]  }
0x39: {  	_ = 	snop;
	(pc) =	sbr.ind lr, $3  }
0x3a: {  	_ = 	snop  }
0x3b: {  	_ = 	snop  }
0x3c: {  	p2 =	seq.s32 s10, $0x1;
	s10 =	sld [smem:$0x3FB3]  }
0x3d: {  	_ =	shalt  }
0x3e: {  	_ =	shalt  }
0x3f: {  	_ =	shalt  }
0x40: {  	_ =	shalt  }
0x41: {  	_ =	shalt  }
0x42: {  	_ =	shalt  }
0x43: {  	_ =	shalt  }
0x44: {  	_ =	shalt  }
0x45: {  	_ =	shalt  }
0x46: {  	_ =	shalt  }
0x47: {  	_ =	shalt  }
0x48: {  	_ =	shalt  }
0x49: {  	_ =	shalt  }
0x4a: {  	_ =	shalt  }
0x4b: {  	_ =	shalt  }
0x4c: {  	_ =	shalt  }
0x4d: {  	_ =	shalt  }
0x4e: {  	_ =	shalt  }
0x4f: {  	_ =	shalt  }
0x50: {  	_ =	shalt  }
0x51: {  	_ =	shalt  }
0x52: {  	_ =	shalt  }
0x53: {  	_ =	shalt  }
0x54: {  	_ =	shalt  }
0x55: {  	_ =	shalt  }
0x56: {  	_ =	shalt  }
0x57: {  	_ =	shalt  }
0x58: {  	_ =	shalt  }
0x59: {  	_ =	shalt  }
0x5a: {  	_ =	shalt  }
0x5b: {  	_ =	shalt  }
0x5c: {  	_ =	shalt  }
0x5d: {  	_ =	shalt  }
0x5e: {  	_ =	shalt  }
0x5f: {  	_ =	shalt  }
0x60: {  	_ =	shalt  }
0x61: {  	_ =	shalt  }
0x62: {  	_ =	shalt  }
0x63: {  	_ =	shalt  }
0x64: {  	_ =	shalt  }
0x65: {  	_ =	shalt  }
0x66: {  	_ =	shalt  }
0x67: {  	_ =	shalt  }
0x68: {  	_ =	shalt  }
0x69: {  	_ =	shalt  }
0x6a: {  	_ =	shalt  }
0x6b: {  	_ =	shalt  }
0x6c: {  	_ =	shalt  }
0x6d: {  	_ =	shalt  }
0x6e: {  	_ =	shalt  }
0x6f: {  	_ =	shalt  }
0x70: {  	_ =	shalt  }
0x71: {  	_ =	shalt  }
0x72: {  	_ =	shalt  }
0x73: {  	_ =	shalt  }
0x74: {  	_ =	shalt  }
0x75: {  	_ =	shalt  }
0x76: {  	_ =	shalt  }
0x77: {  	_ =	shalt  }
0x78: {  	_ =	shalt  }
0x79: {  	_ =	shalt  }
0x7a: {  	_ =	shalt  }
0x7b: {  	_ =	shalt  }
0x7c: {  	_ =	shalt  }
0x7d: {  	_ =	shalt  }
0x7e: {  	_ =	shalt  }
0x7f: {  	_ =	shalt  }
0x80: {  	_ =	shalt  }
0x81: {  	_ =	shalt  }
0x82: {  	_ =	shalt  }
0x83: {  	_ =	shalt  }
0x84: {  	_ =	shalt  }
0x85: {  	_ =	shalt  }
0x86: {  	_ =	shalt  }
0x87: {  	_ =	shalt  }
.Lfunc_end0:
.L_simem_size_0:
called_computation.1_lowered:
.L_overlay_start_0:
0x88: {  	s2 =	sld [smem:$0x3FD9]  }
0x89: {  	s3 =	sld [smem:$0x3FFE];
	_ =	sdelay $0x1  }
0x8a: {  	s1 =	srdreg.scid  }
0x8b: {  	s0 =	sand.u32 $0x1, s1  }
0x8c: {  	s16 =	sshll.u32 s0, $0xA;
	s2 =	sadd.s32 s3, s2  }
0x8d: {  	s2 =	sadd.s32 s2, s16  }
0x8e: {  	[smem:$0x3FBF] =	sst s2  }
0x8f: {  	_ = 	snop  }
0x90: {  	(tm) =	ssettm $0x1  }
0x91: {  	s17 =	sld [smem:$0x3FFB];
	_ =	sdelay $0x3  }
0x92: {  	_ =	strace s17  }
0x93: {  	s2 =	sld [smem:$0x3FFC];
	_ =	sdelay $0x3  }
0x94: {  	_ =	strace s2  }
0x95: {  	s2 =	sld [smem:$0x3FFD];
	_ =	sdelay $0x3  }
0x96: {  	_ =	strace s2  }
0x97: {  	_ =	strace $0x8FFFFFFF  }
0x98: {  	s18 =	sld [smem:$0x3FDB];
	_ =	sdelay $0x1  }
0x99: {  	s19 =	simm.s32 $_scs_section_size  }
0x9a: {  	s4 =	simm.s32 $_size__tile_overlayer_lowered;
	s5 =	simm.s32 $_tile_overlayer_lowered  }
0x9b: {  	s22 =	simm.s32 $0x1BFF;
	s21 =	sshll.u32 s5, $0x1;
	s2 =	sadd.s32 s19, s18  }
0x9c: {  	s6 =	simm.s32 $0x0;
	s20 =	sshll.u32 s4, $0x1;
	s4 =	sadd.s32 s21, s2  }
0x9d: {  	[timem:s6], [sflag:s22] =	dma.local [hbm:s4], s20  }
0x9e: {  	_ =	swait.ge [sflag:s22], s20  }
0x9f: {  	s3 =	ssub.s32 $0x0, s20;
	[sflag:s22] =	ssyncset.done $0x0  }
0xa0: {  	[sflag:s22] =	ssyncadd.s32 s3;
	_ =	sdelay $0x1  }
0xa1: {  	s23 =	simm.s32 $0x1B8B  }
0xa2: {  	_ =	swait.ge [sflag:s23], $0x1  }
0xa3: {  	[sflag:s23] =	ssyncset.done $0x0  }
0xa4: {  	s25 =	simm.s32 $0x1B8E;
	s24 =	sld [smem:$0x3FFE];
	[sflag:s23] =	ssyncadd.s32 $0xFFFFFFFF  }
0xa5: {  	s26 =	simm.s32 $execute0_lowered;
	[smem:$0x3FD2] =	sst s25  }
0xa6: {  	s4 =	sshll.u32 s26, $0x1;
	_ =	strace $0x80000049;
	[dreg:$0x1] =	wrdreg $0xFFFFFFFF  }
0xa7: {  	s28 =	simm.s32 $_size_execute0_lowered;
	s2 =	sadd.s32 s2, s4;
	[dreg:$0x0] =	wrdreg $0x0  }
0xa8: {  	s4 =	sshll.u32 s28, $0x1;
	[dreg:$0x2] =	wrdreg s2  }
0xa9: {  	[dreg:$0x3] =	wrdreg s4  }
0xaa: {  	[dreg:$0x4] =	wrdreg $0xC0  }
0xab: {  	_ =	task [dreg:s6], $0x5FFFF  }
0xac: {  	[dreg:$0x1] =	wrdreg $0xFFFFFFFF  }
0xad: {  	[dreg:$0x0] =	wrdreg $0x60  }
0xae: {  	[dreg:$0x2] =	wrdreg s24  }
0xaf: {  	[dreg:$0x3] =	wrdreg $0x110000  }
0xb0: {  	[dreg:$0x4] =	wrdreg $0x9  }
0xb1: {  	_ =	task.clear_ibuf [dreg:s6], $0x5FFFF;
	_ =	strace $0x90000049  }
0xb2: {  	s29 =	simm.s32 $0x9;
	_ =	strace $0x8000004B  }
0xb3: {  	_ =	swait.ge [sflag:s29], $0x1  }
0xb4: {  	[sflag:s29] =	ssyncadd.s32 $0xFFFFFFFF  }
0xb5: {  	_ =	strace $0x9000004B  }
0xb6: {  	_ =	sfence  }
0xb7: {  	s30 =	sld [smem:$0x0];
	_ =	sdelay $0x2  }
0xb8: {  	s31 =	sshll.u32 s1, $0xD;
	s1 =	sshrl.u32 s1, $0x2  }
0xb9: {  	s3 =	sand.u32 $0x4000, s31;
	s1 =	sadd.s32 s1, s30  }
0xba: {  	s0 =	sor.u32 s3, s0;
	s1 =	sshll.u32 s1, $0x11  }
0xbb: {  	s0 =	sor.u32 s1, s0  }
0xbc: {  	s0 =	sadd.s32 $0x8F2B, s0  }
0xbd: {  	[sflag:s0] =	ssyncadd.remote.s32 $0x1  }
0xbe: {  	_ =	sfence.sel $0xFFFF  }
0xbf: {  	[dreg:$0x0] =	wrdreg $0xFFFFFFFF;
	(pc) =	sbr.abs _section_cstart, $3  }
0xc0: {  	[dreg:$0x1] =	wrdreg $0xFFFFFFFF  }
0xc1: {  	_ =	task.clear_ibuf [dreg:s6], $0x2FFFF;
	_ =	strace $0x9FFFFFFF  }
0xc2: {  	(tm) =	ssettm $0x7FFFFFFF  }
0xc3: {  	_ =	shalt  }
tec
execute0_lowered:
.L_overlay_start_1:
0x0: {  	(tag) =	ssettag $0x1  }
0x1: {  	s6 =	rddreg [dreg:$0x0]  }
0x2: {  	s1 =	rddreg [dreg:$0x1]  }
0x3: {  	s0 =	rddreg [dreg:$0x2];
	s3 =	simm.s32 $0x0;
	s4 =	srdreg.scid  }
0x4: {  	s2 =	stileid.u32;
	s20 =	simm.s32 $0x280;
	s21 =	simm.s32 $0x5000  }
0x5: {  	s23 =	simm.s32 $0x0;
	[smem:$0x7FF] =	sst s3;
	s5 =	smul.u32 $0x500, s2  }
0x6: {  	s9 =	sand.u32 $0x1, s4;
	s4 =	sadd.s32 $0x171000, s6;
	s12 =	smul.u32 $0x28000, s2  }
0x7: {  	s14 =	sadd.s32 $0x20C00, s6;
	s15 =	sadd.s32 $0xD4C00, s6;
	s13 =	smul.u32 $0x280, s2  }
0x8: {  	s22 =	sshll.u32 s2, $0x6;
	_ =	strace $0x8000004A;
	s7 =	sshll.u32 s9, $0x4  }
0x9: {  	s10 =	ssub.s32 $0x2, s9;
	s28 =	smul.u32 $0x2800, s9;
	s29 =	sor.u32 $0x2, s9  }
0xa: {  	s22 =	sor.u32 $0x1C01, s22;
	s7 =	sor.u32 s2, s7;
	s8 =	sadd.s32 s5, s6  }
0xb: {  	s5 =	sadd.s32 $0xC000, s6;
	s11 =	sshrl.u32 s10, $0x1;
	s18 =	smul.u32 $0x2800, s29  }
0xc: {  	s26 =	sshrl.u32 s12, $0x2;
	s17 =	sshll.u32 s29, $0x4;
	s7 =	smul.u32 $0x500, s7  }
0xd: {  	s16 =	ssub.s32 s10, s11;
	s6 =	sadd.s32 $0x2000, s8;
	s8 =	sadd.s32 s26, s1  }
0xe: {  	s17 =	sor.u32 s2, s17;
	s19 =	sadd.s32 s13, s28;
	s9 =	sadd.s32 $0x2000, s8  }
0xf: {  	s10 =	sadd.s32 $0x4000, s8;
	s11 =	sadd.s32 $0x6000, s8;
	s17 =	smul.u32 $0x500, s17  }
0x10: {  	s13 =	sadd.s32 s13, s18;
	s12 =	sadd.s32 $0x8000, s8;
	s30 =	sshll.u32 s19, $0x3  }
0x11: {  	s16 =	smax.u32 s16, $0x1;
	s18 =	simm.s32 $0x1;
	s19 =	simm.s32 $0xF000  }
0x12: {  	s7 =	sadd.s32 s14, s7;
	s31 =	sshll.u32 s13, $0x3;
	s13 =	sadd.s32 s15, s30  }
0x13: {  	s14 =	sadd.s32 s14, s17;
	s15 =	sadd.s32 s15, s31;
	s17 =	simm.s32 $0x2800  }
.LBB2_1:
0x14: {  	[tilespmem:s17], [sflag:$0x1] =	stream.linear.gather [hbm4b:s6+s3], $0x2800, $0x38;
	[tilespmem:$0x1B000] =	vst v63  }
0x15: {  	_ =	swait.ge [sflag:s18], $0x2800  }
0x16: {  	[sflag:s18] =	ssyncset.done $0x0  }
0x17: {  	[sflag:s18] =	ssyncadd.s32 $0xFFFFD800  }
0x18: {  	[tilespmem:s19], [sflag:$0x1] =	stream.linear.gather [hbm4b:s5+s3], $0x2000, $0x38;
	[tilespmem:$0x1B000] =	vst v63  }
0x19: {  	_ =	swait.ge [sflag:s18], $0x2000  }
0x1a: {  	[sflag:s18] =	ssyncset.done $0x0  }
0x1b: {  	[sflag:s18] =	ssyncadd.s32 $0xFFFFE000  }
0x1c: {  	[tilespmem:s3], [sflag:$0x1] =	stream.linear.gather [hbm4b:s7+s3], $0x2800, $0x38;
	[tilespmem:$0x1B000] =	vst v63  }
0x1d: {  	_ =	swait.ge [sflag:s18], $0x2800  }
0x1e: {  	[sflag:s18] =	ssyncset.done $0x0  }
0x1f: {  	[sflag:s18] =	ssyncadd.s32 $0xFFFFD800  }
0x20: {  	[spmem:s8] =	stream.linear.scatter [tilespmem:s19], [sflag:$0x1], $0x2000, $0x38;
	[tilespmem:$0x1B000] =	vst v63  }
0x21: {  	_ =	swait.ge [sflag:s18], $0x2000  }
0x22: {  	[sflag:s18] =	ssyncset.done $0x0  }
0x23: {  	[sflag:s18] =	ssyncadd.s32 $0xFFFFE000  }
0x24: {  	[spmem:s9] =	stream.linear.scatter [tilespmem:s19], [sflag:$0x1], $0x2000, $0x38;
	[tilespmem:$0x1B000] =	vst v63  }
0x25: {  	_ =	swait.ge [sflag:s18], $0x2000  }
0x26: {  	[sflag:s18] =	ssyncset.done $0x0  }
0x27: {  	[sflag:s18] =	ssyncadd.s32 $0xFFFFE000  }
0x28: {  	[spmem:s10] =	stream.linear.scatter [tilespmem:s19], [sflag:$0x1], $0x2000, $0x38;
	[tilespmem:$0x1B000] =	vst v63  }
0x29: {  	_ =	swait.ge [sflag:s18], $0x2000  }
0x2a: {  	[sflag:s18] =	ssyncset.done $0x0  }
0x2b: {  	[sflag:s18] =	ssyncadd.s32 $0xFFFFE000  }
0x2c: {  	[spmem:s11] =	stream.linear.scatter [tilespmem:s19], [sflag:$0x1], $0x2000, $0x38;
	[tilespmem:$0x1B000] =	vst v63  }
0x2d: {  	_ =	swait.ge [sflag:s18], $0x2000  }
0x2e: {  	[sflag:s18] =	ssyncset.done $0x0  }
0x2f: {  	[sflag:s18] =	ssyncadd.s32 $0xFFFFE000  }
0x30: {  	[spmem:s12] =	stream.linear.scatter [tilespmem:s19], [sflag:$0x1], $0x2000, $0x38;
	[tilespmem:$0x1B000] =	vst v63  }
0x31: {  	_ =	swait.ge [sflag:s18], $0x2000  }
0x32: {  	[sflag:s18] =	ssyncset.done $0x0  }
0x33: {  	[sflag:s18] =	ssyncadd.s32 $0xFFFFE000  }
0x34: {  	s24 =	simm.s32 $0x0;
	[bflag:$0x0] =	sbarrier.arrive $0xFFFF  }
0x35: {  	[tilespmem:s21], [sflag:$0x1] =	stream.indirect.gather [hbm4b:s4+s20], $0x40, s24, s20, $0xb8;
	[tilespmem:$0x1B000] =	vst v63  }
0x36: {  	_ =	swait.ge [sflag:s18], $0xA000  }
0x37: {  	[sflag:s18] =	ssyncset.done $0x0  }
0x38: {  	s31 =	simm.s32 $0x2800;
	[sflag:s18] =	ssyncadd.s32 $0xFFFF6000  }
0x39: {  	[spmem:s1] =	stream.indirect.scatter.add.f32 [tilespmem:s21], [sflag:$0x1], $0x40, s31, s20, $0xb8;
	[tilespmem:$0x1B000] =	vst v63  }
0x3a: {  	_ =	swait.ge [sflag:s18], $0xA000  }
0x3b: {  	s25 =	simm.s32 $0x1400;
	s24 =	simm.s32 $0xA00;
	[sflag:s18] =	ssyncset.done $0x0  }
.LBB2_2:
0x3c: {  	s26 =	sshra.s32 s24, $0x2  }
0x3d: {  	[sflag:s18] =	ssyncadd.s32 $0xFFFF6000;
	s24 =	smov.u32 s25;
	s28 =	sadd.s32 $0xA00, s25  }
0x3e: {  	[tilespmem:s21], [sflag:$0x1] =	stream.indirect.gather [hbm4b:s4+s20], $0x40, s26, s20, $0xb8;
	[tilespmem:$0x1B000] =	vst v63  }
0x3f: {  	p0 =	sne.s32 s25, $0x9600;
	_ =	swait.ge [sflag:s18], $0xA000  }
.Ltmp0:
0x40: {  	[sflag:s18] =	ssyncset.done $0x0;
	(pc) =	sbr.rel @p0 .LBB2_2-.Ltmp0, $4  }
0x41: {  	s25 =	sadd.s32 $0x2800, s26;
	[sflag:s18] =	ssyncadd.s32 $0xFFFF6000  }
0x42: {  	[spmem:s1] =	stream.indirect.scatter.add.f32 [tilespmem:s21], [sflag:$0x1], $0x40, s25, s20, $0xb8;
	[tilespmem:$0x1B000] =	vst v63  }
0x43: {  	_ =	swait.ge [sflag:s18], $0xA000  }
0x44: {  	s25 =	smov.u32 s28;
	[sflag:s18] =	ssyncset.done $0x0  }
0x45: {  	s24 =	sshra.s32 s24, $0x2;
	[sflag:s18] =	ssyncadd.s32 $0xFFFF6000  }
0x46: {  	[tilespmem:s21], [sflag:$0x1] =	stream.indirect.gather [hbm4b:s4+s20], $0x40, s24, s20, $0xb8;
	[tilespmem:$0x1B000] =	vst v63  }
0x47: {  	_ =	swait.ge [sflag:s18], $0xA000  }
0x48: {  	[sflag:s18] =	ssyncset.done $0x0  }
0x49: {  	s24 =	sadd.s32 $0x2800, s24;
	[sflag:s18] =	ssyncadd.s32 $0xFFFF6000  }
0x4a: {  	[spmem:s1] =	stream.indirect.scatter.add.f32 [tilespmem:s21], [sflag:$0x1], $0x40, s24, s20, $0xb8;
	[tilespmem:$0x1B000] =	vst v63  }
0x4b: {  	_ =	swait.ge [sflag:s18], $0xA000  }
0x4c: {  	[sflag:s18] =	ssyncset.done $0x0  }
0x4d: {  	[sflag:s18] =	ssyncadd.s32 $0xFFFF6000  }
0x4e: {  	s24 =	sshrl.u32 s8, $0x3;
	[bflag:$0x0] =	sbarrier.arrive $0xFFFF  }
0x4f: {  	[hbm:s13], [sflag:s22] =	dma.local [spmem:s24], $0x1400  }
0x50: {  	_ =	swait.ge [sflag:s18], $0x1400  }
0x51: {  	[sflag:s18] =	ssyncset.done $0x0  }
0x52: {  	[sflag:s18] =	ssyncadd.s32 $0xFFFFEC00  }
0x53: {  	s25 =	simm.s32 $0x0;
	[bflag:$0x0] =	sbarrier.arrive $0xFFFF  }
0x54: {  	[tilespmem:s25], [sflag:$0x1] =	stream.linear.gather [hbm4b:s14+s25], $0x2800, $0x38;
	[tilespmem:$0x1B000] =	vst v63  }
0x55: {  	_ =	swait.ge [sflag:s18], $0x2800  }
0x56: {  	[sflag:s18] =	ssyncset.done $0x0  }
0x57: {  	[sflag:s18] =	ssyncadd.s32 $0xFFFFD800  }
0x58: {  	[spmem:s8] =	stream.linear.scatter [tilespmem:s19], [sflag:$0x1], $0x2000, $0x38;
	[tilespmem:$0x1B000] =	vst v63  }
0x59: {  	_ =	swait.ge [sflag:s18], $0x2000  }
0x5a: {  	[sflag:s18] =	ssyncset.done $0x0  }
0x5b: {  	[sflag:s18] =	ssyncadd.s32 $0xFFFFE000  }
0x5c: {  	[spmem:s9] =	stream.linear.scatter [tilespmem:s19], [sflag:$0x1], $0x2000, $0x38;
	[tilespmem:$0x1B000] =	vst v63  }
0x5d: {  	_ =	swait.ge [sflag:s18], $0x2000  }
0x5e: {  	[sflag:s18] =	ssyncset.done $0x0  }
0x5f: {  	[sflag:s18] =	ssyncadd.s32 $0xFFFFE000  }
0x60: {  	[spmem:s10] =	stream.linear.scatter [tilespmem:s19], [sflag:$0x1], $0x2000, $0x38;
	[tilespmem:$0x1B000] =	vst v63  }
0x61: {  	_ =	swait.ge [sflag:s18], $0x2000  }
0x62: {  	[sflag:s18] =	ssyncset.done $0x0  }
0x63: {  	[sflag:s18] =	ssyncadd.s32 $0xFFFFE000  }
0x64: {  	[spmem:s11] =	stream.linear.scatter [tilespmem:s19], [sflag:$0x1], $0x2000, $0x38;
	[tilespmem:$0x1B000] =	vst v63  }
0x65: {  	_ =	swait.ge [sflag:s18], $0x2000  }
0x66: {  	[sflag:s18] =	ssyncset.done $0x0  }
0x67: {  	[sflag:s18] =	ssyncadd.s32 $0xFFFFE000  }
0x68: {  	[spmem:s12] =	stream.linear.scatter [tilespmem:s19], [sflag:$0x1], $0x2000, $0x38;
	[tilespmem:$0x1B000] =	vst v63  }
0x69: {  	_ =	swait.ge [sflag:s18], $0x2000  }
0x6a: {  	[sflag:s18] =	ssyncset.done $0x0  }
0x6b: {  	[sflag:s18] =	ssyncadd.s32 $0xFFFFE000  }
0x6c: {  	s30 =	simm.s32 $0x0;
	[bflag:$0x0] =	sbarrier.arrive $0xFFFF  }
0x6d: {  	[tilespmem:s21], [sflag:$0x1] =	stream.indirect.gather [hbm4b:s4+s20], $0x40, s30, s20, $0xb8;
	[tilespmem:$0x1B000] =	vst v63  }
0x6e: {  	_ =	swait.ge [sflag:s18], $0xA000  }
0x6f: {  	[sflag:s18] =	ssyncset.done $0x0  }
0x70: {  	s31 =	simm.s32 $0x2800;
	[sflag:s18] =	ssyncadd.s32 $0xFFFF6000  }
0x71: {  	[spmem:s1] =	stream.indirect.scatter.add.f32 [tilespmem:s21], [sflag:$0x1], $0x40, s31, s20, $0xb8;
	[tilespmem:$0x1B000] =	vst v63  }
0x72: {  	_ =	swait.ge [sflag:s18], $0xA000  }
0x73: {  	s26 =	simm.s32 $0x1400;
	s25 =	simm.s32 $0xA00;
	[sflag:s18] =	ssyncset.done $0x0  }
.LBB2_4:
0x74: {  	s28 =	sshra.s32 s25, $0x2  }
0x75: {  	[sflag:s18] =	ssyncadd.s32 $0xFFFF6000;
	s25 =	smov.u32 s26;
	s29 =	sadd.s32 $0xA00, s26  }
0x76: {  	[tilespmem:s21], [sflag:$0x1] =	stream.indirect.gather [hbm4b:s4+s20], $0x40, s28, s20, $0xb8;
	[tilespmem:$0x1B000] =	vst v63  }
0x77: {  	p0 =	sne.s32 s26, $0x9600;
	_ =	swait.ge [sflag:s18], $0xA000  }
.Ltmp1:
0x78: {  	[sflag:s18] =	ssyncset.done $0x0;
	(pc) =	sbr.rel @p0 .LBB2_4-.Ltmp1, $4  }
0x79: {  	s26 =	sadd.s32 $0x2800, s28;
	[sflag:s18] =	ssyncadd.s32 $0xFFFF6000  }
0x7a: {  	[spmem:s1] =	stream.indirect.scatter.add.f32 [tilespmem:s21], [sflag:$0x1], $0x40, s26, s20, $0xb8;
	[tilespmem:$0x1B000] =	vst v63  }
0x7b: {  	_ =	swait.ge [sflag:s18], $0xA000  }
0x7c: {  	s26 =	smov.u32 s29;
	[sflag:s18] =	ssyncset.done $0x0  }
0x7d: {  	s25 =	sshra.s32 s25, $0x2;
	[sflag:s18] =	ssyncadd.s32 $0xFFFF6000  }
0x7e: {  	[tilespmem:s21], [sflag:$0x1] =	stream.indirect.gather [hbm4b:s4+s20], $0x40, s25, s20, $0xb8;
	[tilespmem:$0x1B000] =	vst v63  }
0x7f: {  	_ =	swait.ge [sflag:s18], $0xA000  }
0x80: {  	[sflag:s18] =	ssyncset.done $0x0  }
0x81: {  	s25 =	sadd.s32 $0x2800, s25;
	[sflag:s18] =	ssyncadd.s32 $0xFFFF6000  }
0x82: {  	[spmem:s1] =	stream.indirect.scatter.add.f32 [tilespmem:s21], [sflag:$0x1], $0x40, s25, s20, $0xb8;
	[tilespmem:$0x1B000] =	vst v63  }
0x83: {  	_ =	swait.ge [sflag:s18], $0xA000  }
0x84: {  	s23 =	sadd.s32 $0x1, s23;
	[sflag:s18] =	ssyncset.done $0x0  }
0x85: {  	p0 =	sne.s32 s23, s16;
	[sflag:s18] =	ssyncadd.s32 $0xFFFF6000  }
.Ltmp2:
0x86: {  	[bflag:$0x0] =	sbarrier.arrive $0xFFFF;
	(pc) =	sbr.rel @p0 .LBB2_1-.Ltmp2, $4  }
0x87: {  	[hbm:s15], [sflag:s22] =	dma.local [spmem:s24], $0x1400  }
0x88: {  	_ =	swait.ge [sflag:s18], $0x1400  }
0x89: {  	[sflag:s18] =	ssyncset.done $0x0  }
0x8a: {  	[sflag:s18] =	ssyncadd.s32 $0xFFFFEC00  }
0x8b: {  	_ =	sfence.sel $0x180000  }
0x8c: {  	[bflag:$0x0] =	sbarrier.arrive $0xFFFF  }
0x8d: {  	p0 =	sne.s32 s2, $0x0;
	_ =	strace $0x9000004A  }
0x8e: {  	s0 =	sadd.s32 @!p0 $0x100000, s0;
	[bflag:$0x2] =	sbarrier.arrive $0xFFFF  }
0x8f: {  	[sflag:s0] =	ssyncadd.tile.s32 @!p0 $0x1;
	_ =	shalt  }
.Lfunc_end2:
_tile_overlayer_lowered:
.L_overlay_start_2:
0x90: {  	(tag) =	ssettag $0x2  }
0x91: {  	s0 =	rddreg [dreg:$0x0];
	s2 =	stileid.u32  }
0x92: {  	s1 =	rddreg [dreg:$0x1];
	p0 =	sne.s32 s2, $0x0  }
0x93: {  	s3 =	rddreg [dreg:$0x2];
	[bflag:$0x3] =	sbarrier.arrive $0xFFFF;
	s2 =	simm.s32 @!p0 $0x1C01  }
0x94: {  	[timem:s3], [sflag:s2] =	dma.local @!p0 [hbm:s0], s1  }
0x95: {  	s0 =	simm.s32 @!p0 $0x1  }
0x96: {  	_ =	swait.ge @!p0 [sflag:s0], s1  }
0x97: {  	s1 =	ssub.s32 @!p0 $0x0, s1;
	[sflag:s0] =	ssyncset.done @!p0 $0x0  }
0x98: {  	[sflag:s0] =	ssyncadd.s32 @!p0 s1  }
0x99: {  	[bflag:$0x3] =	sbarrier.arrive $0xFFFF  }
0x9a: {  	_ =	shalt  }

// kernel: kernel.16.cloned.1.call-start
scs
__scs_entry_jumppad:
0x0: {  	(pc) =	sbr.rel $0x88, $3  }
0x1: {  	(tag) =	ssettag $0x0;
	lr =	simm.s32 $0x1  }
0x2: {  	[smem:$0x3F98] =	sst lr;
	_ =	strace $0xD0000000  }
0x3: {  	_ = 	snop  }
0x4: {  	_ = 	snop  }
0x5: {  	_ = 	snop  }
0x6: {  	_ = 	snop  }
0x7: {  	_ = 	snop  }
__scs_overlays_trampoline_lowered:
0x8: {  	[smem:$0x3FA7] =	sst s0  }
0x9: {  	[smem:$0x3FA8] =	sst s1  }
0xa: {  	[smem:$0x3FA9] =	sst s2  }
0xb: {  	[smem:$0x3FAA] =	sst s3  }
0xc: {  	[smem:$0x3FAB] =	sst s4  }
0xd: {  	[smem:$0x3FAC] =	sst s5  }
0xe: {  	[smem:$0x3FAD] =	sst s6  }
0xf: {  	[smem:$0x3FAE] =	sst s7  }
0x10: {  	[smem:$0x3FAF] =	sst s8  }
0x11: {  	[smem:$0x3FB0] =	sst s9;
	s0 =	simm.s32 @!p0 $0x0  }
0x12: {  	s1 =	sld [smem:$0x3F96];
	s0 =	simm.s32 @p0 $0x1  }
0x13: {  	[smem:$0x3FB1] =	sst s0;
	s0 =	simm.s32 @!p1 $0x0  }
0x14: {  	s2 =	sld [smem:$0x3F95];
	s0 =	simm.s32 @p1 $0x1  }
0x15: {  	[smem:$0x3FB2] =	sst s0;
	s0 =	simm.s32 @!p2 $0x0  }
0x16: {  	s3 =	sld [smem:$0x3FDB];
	s0 =	simm.s32 @p2 $0x1  }
0x17: {  	s4 =	simm.s32 $0x1BF5;
	[smem:$0x3FB4] =	sst s0  }
0x18: {  	s0 =	sld [smem:$0x3F97];
	_ =	swait.ge [sflag:s4], $0x0  }
0x19: {  	s7 =	sld [smem:$0x3F98]  }
0x1a: {  	s8 =	sadd.s32 $0xFFFFE003, lr  }
0x1b: {  	s9 =	sadd.s32 $0xFFFFFEF7, lr;
	s5 =	simm.s32 $0xFFFFFFFF;
	p2 =	slt.u32 s8, $0xFFFFF086  }
0x1c: {  	p1 =	slt.u32 s9, $0xF7A;
	s5 =	simm.s32 @!p2 $0x0  }
0x1d: {  	s5 =	simm.s32 @p1 $0x1;
	p0 =	seq.s32 s7, s2  }
0x1e: {  	s7 =	smul.u32 @!p0 $0xF7A, s2;
	p2 =	seq.s32 @!p0 s5, $0x0  }
0x1f: {  	s9 =	smul.u32 $0xF7A, s1;
	s8 =	simm.s32 @!p0 $0x1BF5;
	p2 =	por !p2, p0  }
0x20: {  	[sflag:s8] =	ssyncset.s32 @!p0 $0xFFFFF086;
	s6 =	sadd.s32 @!p0 s3, s7;
	s7 =	simm.s32 @!p0 $0x108  }
0x21: {  	s3 =	sadd.s32 s3, s9;
	s6 =	sadd.s32 @!p0 $0x88, s6;
	s7 =	simm.s32 @p2 $0x1082  }
0x22: {  	[simem:s7], [sflag:s8] =	dma.local @!p0 [hbm:s6], $0xF7A  }
0x23: {  	s9 =	sor.u32 $0xD0000000, s2;
	s6 =	simm.s32 $0x108;
	_ =	swait.ge @!p0 [sflag:s8], $0x0  }
0x24: {  	s3 =	sadd.s32 $0x88, s3;
	s6 =	simm.s32 @!p1 $0x1082;
	[sflag:s4] =	ssyncset.s32 $0xFFFFF086  }
0x25: {  	[simem:s6], [sflag:s4] =	dma.local [hbm:s3], $0xF7A  }
0x26: {  	[smem:$0x3F98] =	sst s1;
	(tag) =	ssettag s2;
	_ =	strace s9  }
0x27: {  	s1 =	sld [smem:$0x3FA8]  }
0x28: {  	s2 =	sld [smem:$0x3FA9]  }
0x29: {  	s4 =	sld [smem:$0x3FAB]  }
0x2a: {  	p0 =	seq.s32 s5, $0x0;
	s5 =	sld [smem:$0x3FAC]  }
0x2b: {  	s6 =	sld [smem:$0x3FAD]  }
0x2c: {  	s7 =	sld [smem:$0x3FAE]  }
0x2d: {  	s3 =	simm.s32 $0x108;
	s8 =	sld [smem:$0x3FAF]  }
0x2e: {  	s3 =	simm.s32 @!p0 $0x1082;
	s9 =	sld [smem:$0x3FB0]  }
0x2f: {  	lr =	sadd.s32 s0, s3;
	s0 =	sld [smem:$0x3FA7]  }
0x30: {  	s3 =	sld [smem:$0x3FAA]  }
0x31: {  	[smem:$0x3FB3] =	sst s10  }
0x32: {  	s10 =	sld [smem:$0x3FB1];
	_ =	sdelay $0x3  }
0x33: {  	p0 =	seq.s32 s10, $0x1;
	s10 =	sld [smem:$0x3FB3];
	_ =	sdelay $0x3  }
0x34: {  	[smem:$0x3FB3] =	sst s10  }
0x35: {  	s10 =	sld [smem:$0x3FB2];
	_ =	sdelay $0x3  }
0x36: {  	p1 =	seq.s32 s10, $0x1;
	s10 =	sld [smem:$0x3FB3];
	_ =	sdelay $0x3  }
0x37: {  	[smem:$0x3FB3] =	sst s10  }
0x38: {  	s10 =	sld [smem:$0x3FB4]  }
0x39: {  	_ = 	snop;
	(pc) =	sbr.ind lr, $3  }
0x3a: {  	_ = 	snop  }
0x3b: {  	_ = 	snop  }
0x3c: {  	p2 =	seq.s32 s10, $0x1;
	s10 =	sld [smem:$0x3FB3]  }
0x3d: {  	_ =	shalt  }
0x3e: {  	_ =	shalt  }
0x3f: {  	_ =	shalt  }
0x40: {  	_ =	shalt  }
0x41: {  	_ =	shalt  }
0x42: {  	_ =	shalt  }
0x43: {  	_ =	shalt  }
0x44: {  	_ =	shalt  }
0x45: {  	_ =	shalt  }
0x46: {  	_ =	shalt  }
0x47: {  	_ =	shalt  }
0x48: {  	_ =	shalt  }
0x49: {  	_ =	shalt  }
0x4a: {  	_ =	shalt  }
0x4b: {  	_ =	shalt  }
0x4c: {  	_ =	shalt  }
0x4d: {  	_ =	shalt  }
0x4e: {  	_ =	shalt  }
0x4f: {  	_ =	shalt  }
0x50: {  	_ =	shalt  }
0x51: {  	_ =	shalt  }
0x52: {  	_ =	shalt  }
0x53: {  	_ =	shalt  }
0x54: {  	_ =	shalt  }
0x55: {  	_ =	shalt  }
0x56: {  	_ =	shalt  }
0x57: {  	_ =	shalt  }
0x58: {  	_ =	shalt  }
0x59: {  	_ =	shalt  }
0x5a: {  	_ =	shalt  }
0x5b: {  	_ =	shalt  }
0x5c: {  	_ =	shalt  }
0x5d: {  	_ =	shalt  }
0x5e: {  	_ =	shalt  }
0x5f: {  	_ =	shalt  }
0x60: {  	_ =	shalt  }
0x61: {  	_ =	shalt  }
0x62: {  	_ =	shalt  }
0x63: {  	_ =	shalt  }
0x64: {  	_ =	shalt  }
0x65: {  	_ =	shalt  }
0x66: {  	_ =	shalt  }
0x67: {  	_ =	shalt  }
0x68: {  	_ =	shalt  }
0x69: {  	_ =	shalt  }
0x6a: {  	_ =	shalt  }
0x6b: {  	_ =	shalt  }
0x6c: {  	_ =	shalt  }
0x6d: {  	_ =	shalt  }
0x6e: {  	_ =	shalt  }
0x6f: {  	_ =	shalt  }
0x70: {  	_ =	shalt  }
0x71: {  	_ =	shalt  }
0x72: {  	_ =	shalt  }
0x73: {  	_ =	shalt  }
0x74: {  	_ =	shalt  }
0x75: {  	_ =	shalt  }
0x76: {  	_ =	shalt  }
0x77: {  	_ =	shalt  }
0x78: {  	_ =	shalt  }
0x79: {  	_ =	shalt  }
0x7a: {  	_ =	shalt  }
0x7b: {  	_ =	shalt  }
0x7c: {  	_ =	shalt  }
0x7d: {  	_ =	shalt  }
0x7e: {  	_ =	shalt  }
0x7f: {  	_ =	shalt  }
0x80: {  	_ =	shalt  }
0x81: {  	_ =	shalt  }
0x82: {  	_ =	shalt  }
0x83: {  	_ =	shalt  }
0x84: {  	_ =	shalt  }
0x85: {  	_ =	shalt  }
0x86: {  	_ =	shalt  }
0x87: {  	_ =	shalt  }
.Lfunc_end0:
.L_simem_size_0:
called_computation.2_lowered:
.L_overlay_start_0:
0x88: {  	s2 =	sld [smem:$0x3FD9]  }
0x89: {  	s3 =	sld [smem:$0x3FFE];
	_ =	sdelay $0x1  }
0x8a: {  	s1 =	srdreg.scid  }
0x8b: {  	s0 =	sand.u32 $0x1, s1  }
0x8c: {  	s17 =	sshll.u32 s0, $0xA;
	s2 =	sadd.s32 s3, s2  }
0x8d: {  	s2 =	sadd.s32 s2, s17  }
0x8e: {  	[smem:$0x3FBF] =	sst s2  }
0x8f: {  	_ = 	snop  }
0x90: {  	s2 =	sld [smem:$0x3FD0];
	(tm) =	ssettm $0x1  }
0x91: {  	s18 =	sld [smem:$0x3FFB];
	_ =	sdelay $0x3  }
0x92: {  	_ =	strace s18  }
0x93: {  	s3 =	sld [smem:$0x3FFC];
	_ =	sdelay $0x3  }
0x94: {  	_ =	strace s3  }
0x95: {  	s3 =	sld [smem:$0x3FFD];
	_ =	sdelay $0x3  }
0x96: {  	_ =	strace s3  }
0x97: {  	_ =	strace $0x8FFFFFFF  }
0x98: {  	s19 =	sld [smem:$0x3FDB];
	_ =	sdelay $0x1  }
0x99: {  	s4 =	simm.s32 $_scs_section_size  }
0x9a: {  	s5 =	simm.s32 $_size__tile_overlayer_lowered;
	s6 =	simm.s32 $_tile_overlayer_lowered  }
0x9b: {  	s22 =	simm.s32 $0x1BFF;
	s21 =	sshll.u32 s6, $0x1;
	s3 =	sadd.s32 s4, s19  }
0x9c: {  	s7 =	simm.s32 $0x0;
	s20 =	sshll.u32 s5, $0x1;
	s5 =	sadd.s32 s21, s3  }
0x9d: {  	[timem:s7], [sflag:s22] =	dma.local [hbm:s5], s20  }
0x9e: {  	_ =	swait.ge [sflag:s22], s20  }
0x9f: {  	s4 =	ssub.s32 $0x0, s20;
	[sflag:s22] =	ssyncset.done $0x0  }
0xa0: {  	[sflag:s22] =	ssyncadd.s32 s4;
	_ =	sdelay $0x1  }
0xa1: {  	s23 =	simm.s32 $0x1B8B  }
0xa2: {  	_ =	swait.ge [sflag:s23], $0x1  }
0xa3: {  	[sflag:s23] =	ssyncset.done $0x0  }
0xa4: {  	s25 =	simm.s32 $0x1B8E;
	s24 =	sld [smem:$0x3FFE];
	[sflag:s23] =	ssyncadd.s32 $0xFFFFFFFF  }
0xa5: {  	s26 =	simm.s32 $execute0_lowered;
	[smem:$0x3FD2] =	sst s25  }
0xa6: {  	s5 =	sshll.u32 s26, $0x1;
	_ =	strace $0x8000004C;
	[dreg:$0x1] =	wrdreg $0xFFFFFFFF  }
0xa7: {  	s28 =	simm.s32 $_size_execute0_lowered;
	s3 =	sadd.s32 s3, s5;
	[dreg:$0x0] =	wrdreg $0x0  }
0xa8: {  	s5 =	sshll.u32 s28, $0x1;
	[dreg:$0x2] =	wrdreg s3  }
0xa9: {  	[dreg:$0x3] =	wrdreg s5  }
0xaa: {  	[dreg:$0x4] =	wrdreg $0xC0  }
0xab: {  	_ =	task [dreg:s7], $0x5FFFF  }
0xac: {  	[dreg:$0x1] =	wrdreg $0xFFFFFFFF  }
0xad: {  	[dreg:$0x0] =	wrdreg $0x60  }
0xae: {  	[dreg:$0x2] =	wrdreg s24  }
0xaf: {  	[dreg:$0x3] =	wrdreg s2  }
0xb0: {  	[dreg:$0x4] =	wrdreg $0x110000  }
0xb1: {  	[dreg:$0x5] =	wrdreg $0x9  }
0xb2: {  	_ =	task.clear_ibuf [dreg:s7], $0x6FFFF;
	_ =	strace $0x9000004C  }
0xb3: {  	s29 =	simm.s32 $0x9;
	_ =	strace $0x8000004E  }
0xb4: {  	_ =	swait.ge [sflag:s29], $0x1  }
0xb5: {  	[sflag:s29] =	ssyncadd.s32 $0xFFFFFFFF  }
0xb6: {  	_ =	strace $0x9000004E  }
0xb7: {  	_ =	sfence  }
0xb8: {  	s30 =	sld [smem:$0x0];
	_ =	sdelay $0x2  }
0xb9: {  	s31 =	sshll.u32 s1, $0xD;
	s1 =	sshrl.u32 s1, $0x2  }
0xba: {  	s3 =	sand.u32 $0x4000, s31;
	s1 =	sadd.s32 s1, s30  }
0xbb: {  	s0 =	sor.u32 s3, s0;
	s1 =	sshll.u32 s1, $0x11  }
0xbc: {  	s0 =	sor.u32 s1, s0  }
0xbd: {  	s0 =	sadd.s32 $0x8F2B, s0  }
0xbe: {  	[sflag:s0] =	ssyncadd.remote.s32 $0x1  }
0xbf: {  	_ =	sfence.sel $0xFFFF  }
0xc0: {  	[dreg:$0x0] =	wrdreg $0xFFFFFFFF;
	(pc) =	sbr.abs _section_cstart, $3  }
0xc1: {  	[dreg:$0x1] =	wrdreg $0xFFFFFFFF  }
0xc2: {  	_ =	task.clear_ibuf [dreg:s7], $0x2FFFF;
	_ =	strace $0x9FFFFFFF  }
0xc3: {  	(tm) =	ssettm $0x7FFFFFFF  }
tec
execute0_lowered:
.L_overlay_start_1:
0x0: {  	(tag) =	ssettag $0x1  }
0x1: {  	s6 =	rddreg [dreg:$0x0]  }
0x2: {  	s14 =	rddreg [dreg:$0x1]  }
0x3: {  	s2 =	rddreg [dreg:$0x2]  }
0x4: {  	s0 =	rddreg [dreg:$0x3];
	s4 =	srdreg.scid  }
0x5: {  	s3 =	simm.s32 $0x0;
	s1 =	stileid.u32;
	s20 =	simm.s32 $0x280  }
0x6: {  	s21 =	simm.s32 $0x5000;
	s23 =	simm.s32 $0x0;
	s5 =	smul.u32 $0x500, s1  }
0x7: {  	s9 =	sand.u32 $0x1, s4;
	[smem:$0x7FF] =	sst s3;
	s12 =	smul.u32 $0x28000, s1  }
0x8: {  	s4 =	sadd.s32 $0xD4C00, s6;
	s15 =	sadd.s32 $0x122E00, s6;
	s13 =	smul.u32 $0x280, s1  }
0x9: {  	s22 =	sshll.u32 s1, $0x6;
	s7 =	sshll.u32 s9, $0x4;
	_ =	strace $0x8000004D  }
0xa: {  	s10 =	ssub.s32 $0x2, s9;
	s28 =	smul.u32 $0x2800, s9;
	s29 =	sor.u32 $0x2, s9  }
0xb: {  	s22 =	sor.u32 $0x1C01, s22;
	s7 =	sor.u32 s1, s7;
	s8 =	sadd.s32 s5, s6  }
0xc: {  	s5 =	sadd.s32 $0xC000, s6;
	s11 =	sshrl.u32 s10, $0x1;
	s18 =	smul.u32 $0x2800, s29  }
0xd: {  	s26 =	sshrl.u32 s12, $0x2;
	s17 =	sshll.u32 s29, $0x4;
	s7 =	smul.u32 $0x500, s7  }
0xe: {  	s16 =	ssub.s32 s10, s11;
	s6 =	sadd.s32 $0x7000, s8;
	s8 =	sadd.s32 s26, s2  }
0xf: {  	s17 =	sor.u32 s1, s17;
	s19 =	sadd.s32 s13, s28;
	s9 =	sadd.s32 $0x2000, s8  }
0x10: {  	s10 =	sadd.s32 $0x4000, s8;
	s11 =	sadd.s32 $0x6000, s8;
	s17 =	smul.u32 $0x500, s17  }
0x11: {  	s13 =	sadd.s32 s13, s18;
	s12 =	sadd.s32 $0x8000, s8;
	s30 =	sshll.u32 s19, $0x3  }
0x12: {  	s16 =	smax.u32 s16, $0x1;
	s18 =	simm.s32 $0x1;
	s19 =	simm.s32 $0xF000  }
0x13: {  	s7 =	sadd.s32 s14, s7;
	s31 =	sshll.u32 s13, $0x3;
	s13 =	sadd.s32 s15, s30  }
0x14: {  	s14 =	sadd.s32 s14, s17;
	s15 =	sadd.s32 s15, s31;
	s17 =	simm.s32 $0x2800  }
.LBB2_1:
0x15: {  	[tilespmem:s17], [sflag:$0x1] =	stream.linear.gather [hbm4b:s6+s3], $0x2800, $0x38;
	[tilespmem:$0x1B000] =	vst v63  }
0x16: {  	_ =	swait.ge [sflag:s18], $0x2800  }
0x17: {  	[sflag:s18] =	ssyncset.done $0x0  }
0x18: {  	[sflag:s18] =	ssyncadd.s32 $0xFFFFD800  }
0x19: {  	[tilespmem:s19], [sflag:$0x1] =	stream.linear.gather [hbm4b:s5+s3], $0x2000, $0x38;
	[tilespmem:$0x1B000] =	vst v63  }
0x1a: {  	_ =	swait.ge [sflag:s18], $0x2000  }
0x1b: {  	[sflag:s18] =	ssyncset.done $0x0  }
0x1c: {  	[sflag:s18] =	ssyncadd.s32 $0xFFFFE000  }
0x1d: {  	[tilespmem:s3], [sflag:$0x1] =	stream.linear.gather [hbm4b:s7+s3], $0x2800, $0x38;
	[tilespmem:$0x1B000] =	vst v63  }
0x1e: {  	_ =	swait.ge [sflag:s18], $0x2800  }
0x1f: {  	[sflag:s18] =	ssyncset.done $0x0  }
0x20: {  	[sflag:s18] =	ssyncadd.s32 $0xFFFFD800  }
0x21: {  	[spmem:s8] =	stream.linear.scatter [tilespmem:s19], [sflag:$0x1], $0x2000, $0x38;
	[tilespmem:$0x1B000] =	vst v63  }
0x22: {  	_ =	swait.ge [sflag:s18], $0x2000  }
0x23: {  	[sflag:s18] =	ssyncset.done $0x0  }
0x24: {  	[sflag:s18] =	ssyncadd.s32 $0xFFFFE000  }
0x25: {  	[spmem:s9] =	stream.linear.scatter [tilespmem:s19], [sflag:$0x1], $0x2000, $0x38;
	[tilespmem:$0x1B000] =	vst v63  }
0x26: {  	_ =	swait.ge [sflag:s18], $0x2000  }
0x27: {  	[sflag:s18] =	ssyncset.done $0x0  }
0x28: {  	[sflag:s18] =	ssyncadd.s32 $0xFFFFE000  }
0x29: {  	[spmem:s10] =	stream.linear.scatter [tilespmem:s19], [sflag:$0x1], $0x2000, $0x38;
	[tilespmem:$0x1B000] =	vst v63  }
0x2a: {  	_ =	swait.ge [sflag:s18], $0x2000  }
0x2b: {  	[sflag:s18] =	ssyncset.done $0x0  }
0x2c: {  	[sflag:s18] =	ssyncadd.s32 $0xFFFFE000  }
0x2d: {  	[spmem:s11] =	stream.linear.scatter [tilespmem:s19], [sflag:$0x1], $0x2000, $0x38;
	[tilespmem:$0x1B000] =	vst v63  }
0x2e: {  	_ =	swait.ge [sflag:s18], $0x2000  }
0x2f: {  	[sflag:s18] =	ssyncset.done $0x0  }
0x30: {  	[sflag:s18] =	ssyncadd.s32 $0xFFFFE000  }
0x31: {  	[spmem:s12] =	stream.linear.scatter [tilespmem:s19], [sflag:$0x1], $0x2000, $0x38;
	[tilespmem:$0x1B000] =	vst v63  }
0x32: {  	_ =	swait.ge [sflag:s18], $0x2000  }
0x33: {  	[sflag:s18] =	ssyncset.done $0x0  }
0x34: {  	[sflag:s18] =	ssyncadd.s32 $0xFFFFE000  }
0x35: {  	s24 =	simm.s32 $0x0;
	[bflag:$0x0] =	sbarrier.arrive $0xFFFF  }
0x36: {  	[tilespmem:s21], [sflag:$0x1] =	stream.indirect.gather [hbm4b:s4+s20], $0x40, s24, s20, $0xb8;
	[tilespmem:$0x1B000] =	vst v63  }
0x37: {  	_ =	swait.ge [sflag:s18], $0xA000  }
0x38: {  	[sflag:s18] =	ssyncset.done $0x0  }
0x39: {  	s31 =	simm.s32 $0x2800;
	[sflag:s18] =	ssyncadd.s32 $0xFFFF6000  }
0x3a: {  	[spmem:s2] =	stream.indirect.scatter.add.f32 [tilespmem:s21], [sflag:$0x1], $0x40, s31, s20, $0xb8;
	[tilespmem:$0x1B000] =	vst v63  }
0x3b: {  	_ =	swait.ge [sflag:s18], $0xA000  }
0x3c: {  	s25 =	simm.s32 $0x1400;
	s24 =	simm.s32 $0xA00;
	[sflag:s18] =	ssyncset.done $0x0  }
.LBB2_2:
0x3d: {  	s26 =	sshra.s32 s24, $0x2  }
0x3e: {  	[sflag:s18] =	ssyncadd.s32 $0xFFFF6000;
	s24 =	smov.u32 s25;
	s28 =	sadd.s32 $0xA00, s25  }
0x3f: {  	[tilespmem:s21], [sflag:$0x1] =	stream.indirect.gather [hbm4b:s4+s20], $0x40, s26, s20, $0xb8;
	[tilespmem:$0x1B000] =	vst v63  }
0x40: {  	p0 =	sne.s32 s25, $0x9600;
	_ =	swait.ge [sflag:s18], $0xA000  }
.Ltmp0:
0x41: {  	[sflag:s18] =	ssyncset.done $0x0;
	(pc) =	sbr.rel @p0 .LBB2_2-.Ltmp0, $4  }
0x42: {  	s25 =	sadd.s32 $0x2800, s26;
	[sflag:s18] =	ssyncadd.s32 $0xFFFF6000  }
0x43: {  	[spmem:s2] =	stream.indirect.scatter.add.f32 [tilespmem:s21], [sflag:$0x1], $0x40, s25, s20, $0xb8;
	[tilespmem:$0x1B000] =	vst v63  }
0x44: {  	_ =	swait.ge [sflag:s18], $0xA000  }
0x45: {  	s25 =	smov.u32 s28;
	[sflag:s18] =	ssyncset.done $0x0  }
0x46: {  	s24 =	sshra.s32 s24, $0x2;
	[sflag:s18] =	ssyncadd.s32 $0xFFFF6000  }
0x47: {  	[tilespmem:s21], [sflag:$0x1] =	stream.indirect.gather [hbm4b:s4+s20], $0x40, s24, s20, $0xb8;
	[tilespmem:$0x1B000] =	vst v63  }
0x48: {  	_ =	swait.ge [sflag:s18], $0xA000  }
0x49: {  	[sflag:s18] =	ssyncset.done $0x0  }
0x4a: {  	s24 =	sadd.s32 $0x2800, s24;
	[sflag:s18] =	ssyncadd.s32 $0xFFFF6000  }
0x4b: {  	[spmem:s2] =	stream.indirect.scatter.add.f32 [tilespmem:s21], [sflag:$0x1], $0x40, s24, s20, $0xb8;
	[tilespmem:$0x1B000] =	vst v63  }
0x4c: {  	_ =	swait.ge [sflag:s18], $0xA000  }
0x4d: {  	[sflag:s18] =	ssyncset.done $0x0  }
0x4e: {  	[sflag:s18] =	ssyncadd.s32 $0xFFFF6000  }
0x4f: {  	s24 =	sshrl.u32 s8, $0x3;
	[bflag:$0x0] =	sbarrier.arrive $0xFFFF  }
0x50: {  	[hbm:s13], [sflag:s22] =	dma.local [spmem:s24], $0x1400  }
0x51: {  	_ =	swait.ge [sflag:s18], $0x1400  }
0x52: {  	[sflag:s18] =	ssyncset.done $0x0  }
0x53: {  	[sflag:s18] =	ssyncadd.s32 $0xFFFFEC00  }
0x54: {  	s25 =	simm.s32 $0x0;
	[bflag:$0x0] =	sbarrier.arrive $0xFFFF  }
0x55: {  	[tilespmem:s25], [sflag:$0x1] =	stream.linear.gather [hbm4b:s14+s25], $0x2800, $0x38;
	[tilespmem:$0x1B000] =	vst v63  }
0x56: {  	_ =	swait.ge [sflag:s18], $0x2800  }
0x57: {  	[sflag:s18] =	ssyncset.done $0x0  }
0x58: {  	[sflag:s18] =	ssyncadd.s32 $0xFFFFD800  }
0x59: {  	[spmem:s8] =	stream.linear.scatter [tilespmem:s19], [sflag:$0x1], $0x2000, $0x38;
	[tilespmem:$0x1B000] =	vst v63  }
0x5a: {  	_ =	swait.ge [sflag:s18], $0x2000  }
0x5b: {  	[sflag:s18] =	ssyncset.done $0x0  }
0x5c: {  	[sflag:s18] =	ssyncadd.s32 $0xFFFFE000  }
0x5d: {  	[spmem:s9] =	stream.linear.scatter [tilespmem:s19], [sflag:$0x1], $0x2000, $0x38;
	[tilespmem:$0x1B000] =	vst v63  }
0x5e: {  	_ =	swait.ge [sflag:s18], $0x2000  }
0x5f: {  	[sflag:s18] =	ssyncset.done $0x0  }
0x60: {  	[sflag:s18] =	ssyncadd.s32 $0xFFFFE000  }
0x61: {  	[spmem:s10] =	stream.linear.scatter [tilespmem:s19], [sflag:$0x1], $0x2000, $0x38;
	[tilespmem:$0x1B000] =	vst v63  }
0x62: {  	_ =	swait.ge [sflag:s18], $0x2000  }
0x63: {  	[sflag:s18] =	ssyncset.done $0x0  }
0x64: {  	[sflag:s18] =	ssyncadd.s32 $0xFFFFE000  }
0x65: {  	[spmem:s11] =	stream.linear.scatter [tilespmem:s19], [sflag:$0x1], $0x2000, $0x38;
	[tilespmem:$0x1B000] =	vst v63  }
0x66: {  	_ =	swait.ge [sflag:s18], $0x2000  }
0x67: {  	[sflag:s18] =	ssyncset.done $0x0  }
0x68: {  	[sflag:s18] =	ssyncadd.s32 $0xFFFFE000  }
0x69: {  	[spmem:s12] =	stream.linear.scatter [tilespmem:s19], [sflag:$0x1], $0x2000, $0x38;
	[tilespmem:$0x1B000] =	vst v63  }
0x6a: {  	_ =	swait.ge [sflag:s18], $0x2000  }
0x6b: {  	[sflag:s18] =	ssyncset.done $0x0  }
0x6c: {  	[sflag:s18] =	ssyncadd.s32 $0xFFFFE000  }
0x6d: {  	s30 =	simm.s32 $0x0;
	[bflag:$0x0] =	sbarrier.arrive $0xFFFF  }
0x6e: {  	[tilespmem:s21], [sflag:$0x1] =	stream.indirect.gather [hbm4b:s4+s20], $0x40, s30, s20, $0xb8;
	[tilespmem:$0x1B000] =	vst v63  }
0x6f: {  	_ =	swait.ge [sflag:s18], $0xA000  }
0x70: {  	[sflag:s18] =	ssyncset.done $0x0  }
0x71: {  	s31 =	simm.s32 $0x2800;
	[sflag:s18] =	ssyncadd.s32 $0xFFFF6000  }
0x72: {  	[spmem:s2] =	stream.indirect.scatter.add.f32 [tilespmem:s21], [sflag:$0x1], $0x40, s31, s20, $0xb8;
	[tilespmem:$0x1B000] =	vst v63  }
0x73: {  	_ =	swait.ge [sflag:s18], $0xA000  }
0x74: {  	s26 =	simm.s32 $0x1400;
	s25 =	simm.s32 $0xA00;
	[sflag:s18] =	ssyncset.done $0x0  }
.LBB2_4:
0x75: {  	s28 =	sshra.s32 s25, $0x2  }
0x76: {  	[sflag:s18] =	ssyncadd.s32 $0xFFFF6000;
	s25 =	smov.u32 s26;
	s29 =	sadd.s32 $0xA00, s26  }
0x77: {  	[tilespmem:s21], [sflag:$0x1] =	stream.indirect.gather [hbm4b:s4+s20], $0x40, s28, s20, $0xb8;
	[tilespmem:$0x1B000] =	vst v63  }
0x78: {  	p0 =	sne.s32 s26, $0x9600;
	_ =	swait.ge [sflag:s18], $0xA000  }
.Ltmp1:
0x79: {  	[sflag:s18] =	ssyncset.done $0x0;
	(pc) =	sbr.rel @p0 .LBB2_4-.Ltmp1, $4  }
0x7a: {  	s26 =	sadd.s32 $0x2800, s28;
	[sflag:s18] =	ssyncadd.s32 $0xFFFF6000  }
0x7b: {  	[spmem:s2] =	stream.indirect.scatter.add.f32 [tilespmem:s21], [sflag:$0x1], $0x40, s26, s20, $0xb8;
	[tilespmem:$0x1B000] =	vst v63  }
0x7c: {  	_ =	swait.ge [sflag:s18], $0xA000  }
0x7d: {  	s26 =	smov.u32 s29;
	[sflag:s18] =	ssyncset.done $0x0  }
0x7e: {  	s25 =	sshra.s32 s25, $0x2;
	[sflag:s18] =	ssyncadd.s32 $0xFFFF6000  }
0x7f: {  	[tilespmem:s21], [sflag:$0x1] =	stream.indirect.gather [hbm4b:s4+s20], $0x40, s25, s20, $0xb8;
	[tilespmem:$0x1B000] =	vst v63  }
0x80: {  	_ =	swait.ge [sflag:s18], $0xA000  }
0x81: {  	[sflag:s18] =	ssyncset.done $0x0  }
0x82: {  	s25 =	sadd.s32 $0x2800, s25;
	[sflag:s18] =	ssyncadd.s32 $0xFFFF6000  }
0x83: {  	[spmem:s2] =	stream.indirect.scatter.add.f32 [tilespmem:s21], [sflag:$0x1], $0x40, s25, s20, $0xb8;
	[tilespmem:$0x1B000] =	vst v63  }
0x84: {  	_ =	swait.ge [sflag:s18], $0xA000  }
0x85: {  	s23 =	sadd.s32 $0x1, s23;
	[sflag:s18] =	ssyncset.done $0x0  }
0x86: {  	p0 =	sne.s32 s23, s16;
	[sflag:s18] =	ssyncadd.s32 $0xFFFF6000  }
.Ltmp2:
0x87: {  	[bflag:$0x0] =	sbarrier.arrive $0xFFFF;
	(pc) =	sbr.rel @p0 .LBB2_1-.Ltmp2, $4  }
0x88: {  	[hbm:s15], [sflag:s22] =	dma.local [spmem:s24], $0x1400  }
0x89: {  	_ =	swait.ge [sflag:s18], $0x1400  }
0x8a: {  	[sflag:s18] =	ssyncset.done $0x0  }
0x8b: {  	[sflag:s18] =	ssyncadd.s32 $0xFFFFEC00  }
0x8c: {  	_ =	sfence.sel $0x180000  }
0x8d: {  	[bflag:$0x0] =	sbarrier.arrive $0xFFFF  }
0x8e: {  	p0 =	sne.s32 s1, $0x0;
	_ =	strace $0x9000004D  }
0x8f: {  	s0 =	sadd.s32 @!p0 $0x100000, s0;
	[bflag:$0x2] =	sbarrier.arrive $0xFFFF  }
0x90: {  	[sflag:s0] =	ssyncadd.tile.s32 @!p0 $0x1;
	_ =	shalt  }
.Lfunc_end2:
_tile_overlayer_lowered:
.L_overlay_start_2:
0x91: {  	(tag) =	ssettag $0x2  }
0x92: {  	s0 =	rddreg [dreg:$0x0];
	s2 =	stileid.u32  }
0x93: {  	s1 =	rddreg [dreg:$0x1];
	p0 =	sne.s32 s2, $0x0  }
0x94: {  	s3 =	rddreg [dreg:$0x2];
	[bflag:$0x3] =	sbarrier.arrive $0xFFFF;
	s2 =	simm.s32 @!p0 $0x1C01  }
0x95: {  	[timem:s3], [sflag:s2] =	dma.local @!p0 [hbm:s0], s1  }
0x96: {  	s0 =	simm.s32 @!p0 $0x1  }
0x97: {  	_ =	swait.ge @!p0 [sflag:s0], s1  }
0x98: {  	s1 =	ssub.s32 @!p0 $0x0, s1;
	[sflag:s0] =	ssyncset.done @!p0 $0x0  }
0x99: {  	[sflag:s0] =	ssyncadd.s32 @!p0 s1  }
0x9a: {  	[bflag:$0x3] =	sbarrier.arrive $0xFFFF  }
0x9b: {  	_ =	shalt  }

// kernel: kernel.19.cloned.1.call-start
scs
__scs_entry_jumppad:
0x0: {  	(pc) =	sbr.rel $0x88, $3  }
0x1: {  	(tag) =	ssettag $0x0;
	lr =	simm.s32 $0x1  }
0x2: {  	[smem:$0x3F98] =	sst lr;
	_ =	strace $0xD0000000  }
0x3: {  	_ = 	snop  }
0x4: {  	_ = 	snop  }
0x5: {  	_ = 	snop  }
0x6: {  	_ = 	snop  }
0x7: {  	_ = 	snop  }
__scs_overlays_trampoline_lowered:
0x8: {  	[smem:$0x3FA7] =	sst s0  }
0x9: {  	[smem:$0x3FA8] =	sst s1  }
0xa: {  	[smem:$0x3FA9] =	sst s2  }
0xb: {  	[smem:$0x3FAA] =	sst s3  }
0xc: {  	[smem:$0x3FAB] =	sst s4  }
0xd: {  	[smem:$0x3FAC] =	sst s5  }
0xe: {  	[smem:$0x3FAD] =	sst s6  }
0xf: {  	[smem:$0x3FAE] =	sst s7  }
0x10: {  	[smem:$0x3FAF] =	sst s8  }
0x11: {  	[smem:$0x3FB0] =	sst s9;
	s0 =	simm.s32 @!p0 $0x0  }
0x12: {  	s1 =	sld [smem:$0x3F96];
	s0 =	simm.s32 @p0 $0x1  }
0x13: {  	[smem:$0x3FB1] =	sst s0;
	s0 =	simm.s32 @!p1 $0x0  }
0x14: {  	s2 =	sld [smem:$0x3F95];
	s0 =	simm.s32 @p1 $0x1  }
0x15: {  	[smem:$0x3FB2] =	sst s0;
	s0 =	simm.s32 @!p2 $0x0  }
0x16: {  	s3 =	sld [smem:$0x3FDB];
	s0 =	simm.s32 @p2 $0x1  }
0x17: {  	s4 =	simm.s32 $0x1BF5;
	[smem:$0x3FB4] =	sst s0  }
0x18: {  	s0 =	sld [smem:$0x3F97];
	_ =	swait.ge [sflag:s4], $0x0  }
0x19: {  	s7 =	sld [smem:$0x3F98]  }
0x1a: {  	s8 =	sadd.s32 $0xFFFFE003, lr  }
0x1b: {  	s9 =	sadd.s32 $0xFFFFFEF7, lr;
	s5 =	simm.s32 $0xFFFFFFFF;
	p2 =	slt.u32 s8, $0xFFFFF086  }
0x1c: {  	p1 =	slt.u32 s9, $0xF7A;
	s5 =	simm.s32 @!p2 $0x0  }
0x1d: {  	s5 =	simm.s32 @p1 $0x1;
	p0 =	seq.s32 s7, s2  }
0x1e: {  	s7 =	smul.u32 @!p0 $0xF7A, s2;
	p2 =	seq.s32 @!p0 s5, $0x0  }
0x1f: {  	s9 =	smul.u32 $0xF7A, s1;
	s8 =	simm.s32 @!p0 $0x1BF5;
	p2 =	por !p2, p0  }
0x20: {  	[sflag:s8] =	ssyncset.s32 @!p0 $0xFFFFF086;
	s6 =	sadd.s32 @!p0 s3, s7;
	s7 =	simm.s32 @!p0 $0x108  }
0x21: {  	s3 =	sadd.s32 s3, s9;
	s6 =	sadd.s32 @!p0 $0x88, s6;
	s7 =	simm.s32 @p2 $0x1082  }
0x22: {  	[simem:s7], [sflag:s8] =	dma.local @!p0 [hbm:s6], $0xF7A  }
0x23: {  	s9 =	sor.u32 $0xD0000000, s2;
	s6 =	simm.s32 $0x108;
	_ =	swait.ge @!p0 [sflag:s8], $0x0  }
0x24: {  	s3 =	sadd.s32 $0x88, s3;
	s6 =	simm.s32 @!p1 $0x1082;
	[sflag:s4] =	ssyncset.s32 $0xFFFFF086  }
0x25: {  	[simem:s6], [sflag:s4] =	dma.local [hbm:s3], $0xF7A  }
0x26: {  	[smem:$0x3F98] =	sst s1;
	(tag) =	ssettag s2;
	_ =	strace s9  }
0x27: {  	s1 =	sld [smem:$0x3FA8]  }
0x28: {  	s2 =	sld [smem:$0x3FA9]  }
0x29: {  	s4 =	sld [smem:$0x3FAB]  }
0x2a: {  	p0 =	seq.s32 s5, $0x0;
	s5 =	sld [smem:$0x3FAC]  }
0x2b: {  	s6 =	sld [smem:$0x3FAD]  }
0x2c: {  	s7 =	sld [smem:$0x3FAE]  }
0x2d: {  	s3 =	simm.s32 $0x108;
	s8 =	sld [smem:$0x3FAF]  }
0x2e: {  	s3 =	simm.s32 @!p0 $0x1082;
	s9 =	sld [smem:$0x3FB0]  }
0x2f: {  	lr =	sadd.s32 s0, s3;
	s0 =	sld [smem:$0x3FA7]  }
0x30: {  	s3 =	sld [smem:$0x3FAA]  }
0x31: {  	[smem:$0x3FB3] =	sst s10  }
0x32: {  	s10 =	sld [smem:$0x3FB1];
	_ =	sdelay $0x3  }
0x33: {  	p0 =	seq.s32 s10, $0x1;
	s10 =	sld [smem:$0x3FB3];
	_ =	sdelay $0x3  }
0x34: {  	[smem:$0x3FB3] =	sst s10  }
0x35: {  	s10 =	sld [smem:$0x3FB2];
	_ =	sdelay $0x3  }
0x36: {  	p1 =	seq.s32 s10, $0x1;
	s10 =	sld [smem:$0x3FB3];
	_ =	sdelay $0x3  }
0x37: {  	[smem:$0x3FB3] =	sst s10  }
0x38: {  	s10 =	sld [smem:$0x3FB4]  }
0x39: {  	_ = 	snop;
	(pc) =	sbr.ind lr, $3  }
0x3a: {  	_ = 	snop  }
0x3b: {  	_ = 	snop  }
0x3c: {  	p2 =	seq.s32 s10, $0x1;
	s10 =	sld [smem:$0x3FB3]  }
0x3d: {  	_ =	shalt  }
0x3e: {  	_ =	shalt  }
0x3f: {  	_ =	shalt  }
0x40: {  	_ =	shalt  }
0x41: {  	_ =	shalt  }
0x42: {  	_ =	shalt  }
0x43: {  	_ =	shalt  }
0x44: {  	_ =	shalt  }
0x45: {  	_ =	shalt  }
0x46: {  	_ =	shalt  }
0x47: {  	_ =	shalt  }
0x48: {  	_ =	shalt  }
0x49: {  	_ =	shalt  }
0x4a: {  	_ =	shalt  }
0x4b: {  	_ =	shalt  }
0x4c: {  	_ =	shalt  }
0x4d: {  	_ =	shalt  }
0x4e: {  	_ =	shalt  }
0x4f: {  	_ =	shalt  }
0x50: {  	_ =	shalt  }
0x51: {  	_ =	shalt  }
0x52: {  	_ =	shalt  }
0x53: {  	_ =	shalt  }
0x54: {  	_ =	shalt  }
0x55: {  	_ =	shalt  }
0x56: {  	_ =	shalt  }
0x57: {  	_ =	shalt  }
0x58: {  	_ =	shalt  }
0x59: {  	_ =	shalt  }
0x5a: {  	_ =	shalt  }
0x5b: {  	_ =	shalt  }
0x5c: {  	_ =	shalt  }
0x5d: {  	_ =	shalt  }
0x5e: {  	_ =	shalt  }
0x5f: {  	_ =	shalt  }
0x60: {  	_ =	shalt  }
0x61: {  	_ =	shalt  }
0x62: {  	_ =	shalt  }
0x63: {  	_ =	shalt  }
0x64: {  	_ =	shalt  }
0x65: {  	_ =	shalt  }
0x66: {  	_ =	shalt  }
0x67: {  	_ =	shalt  }
0x68: {  	_ =	shalt  }
0x69: {  	_ =	shalt  }
0x6a: {  	_ =	shalt  }
0x6b: {  	_ =	shalt  }
0x6c: {  	_ =	shalt  }
0x6d: {  	_ =	shalt  }
0x6e: {  	_ =	shalt  }
0x6f: {  	_ =	shalt  }
0x70: {  	_ =	shalt  }
0x71: {  	_ =	shalt  }
0x72: {  	_ =	shalt  }
0x73: {  	_ =	shalt  }
0x74: {  	_ =	shalt  }
0x75: {  	_ =	shalt  }
0x76: {  	_ =	shalt  }
0x77: {  	_ =	shalt  }
0x78: {  	_ =	shalt  }
0x79: {  	_ =	shalt  }
0x7a: {  	_ =	shalt  }
0x7b: {  	_ =	shalt  }
0x7c: {  	_ =	shalt  }
0x7d: {  	_ =	shalt  }
0x7e: {  	_ =	shalt  }
0x7f: {  	_ =	shalt  }
0x80: {  	_ =	shalt  }
0x81: {  	_ =	shalt  }
0x82: {  	_ =	shalt  }
0x83: {  	_ =	shalt  }
0x84: {  	_ =	shalt  }
0x85: {  	_ =	shalt  }
0x86: {  	_ =	shalt  }
0x87: {  	_ =	shalt  }
.Lfunc_end0:
.L_simem_size_0:
called_computation.3_lowered:
.L_overlay_start_0:
0x88: {  	s2 =	sld [smem:$0x3FD9]  }
0x89: {  	s3 =	sld [smem:$0x3FFE];
	_ =	sdelay $0x1  }
0x8a: {  	s1 =	srdreg.scid  }
0x8b: {  	s0 =	sand.u32 $0x1, s1  }
0x8c: {  	s17 =	sshll.u32 s0, $0xA;
	s2 =	sadd.s32 s3, s2  }
0x8d: {  	s2 =	sadd.s32 s2, s17  }
0x8e: {  	[smem:$0x3FBF] =	sst s2  }
0x8f: {  	_ = 	snop  }
0x90: {  	s2 =	sld [smem:$0x3FD0];
	(tm) =	ssettm $0x1  }
0x91: {  	s18 =	sld [smem:$0x3FFB];
	_ =	sdelay $0x3  }
0x92: {  	_ =	strace s18  }
0x93: {  	s3 =	sld [smem:$0x3FFC];
	_ =	sdelay $0x3  }
0x94: {  	_ =	strace s3  }
0x95: {  	s3 =	sld [smem:$0x3FFD];
	_ =	sdelay $0x3  }
0x96: {  	_ =	strace s3  }
0x97: {  	_ =	strace $0x8FFFFFFF  }
0x98: {  	s19 =	sld [smem:$0x3FDB];
	_ =	sdelay $0x1  }
0x99: {  	s4 =	simm.s32 $_scs_section_size  }
0x9a: {  	s5 =	simm.s32 $_size__tile_overlayer_lowered;
	s6 =	simm.s32 $_tile_overlayer_lowered  }
0x9b: {  	s22 =	simm.s32 $0x1BFF;
	s21 =	sshll.u32 s6, $0x1;
	s3 =	sadd.s32 s4, s19  }
0x9c: {  	s7 =	simm.s32 $0x0;
	s20 =	sshll.u32 s5, $0x1;
	s5 =	sadd.s32 s21, s3  }
0x9d: {  	[timem:s7], [sflag:s22] =	dma.local [hbm:s5], s20  }
0x9e: {  	_ =	swait.ge [sflag:s22], s20  }
0x9f: {  	s4 =	ssub.s32 $0x0, s20;
	[sflag:s22] =	ssyncset.done $0x0  }
0xa0: {  	[sflag:s22] =	ssyncadd.s32 s4;
	_ =	sdelay $0x1  }
0xa1: {  	s23 =	simm.s32 $0x1B8B  }
0xa2: {  	_ =	swait.ge [sflag:s23], $0x1  }
0xa3: {  	[sflag:s23] =	ssyncset.done $0x0  }
0xa4: {  	s25 =	simm.s32 $0x1B8E;
	s24 =	sld [smem:$0x3FFE];
	[sflag:s23] =	ssyncadd.s32 $0xFFFFFFFF  }
0xa5: {  	s26 =	simm.s32 $execute0_lowered;
	[smem:$0x3FD2] =	sst s25  }
0xa6: {  	s5 =	sshll.u32 s26, $0x1;
	_ =	strace $0x8000004F;
	[dreg:$0x1] =	wrdreg $0xFFFFFFFF  }
0xa7: {  	s28 =	simm.s32 $_size_execute0_lowered;
	s3 =	sadd.s32 s3, s5;
	[dreg:$0x0] =	wrdreg $0x0  }
0xa8: {  	s5 =	sshll.u32 s28, $0x1;
	[dreg:$0x2] =	wrdreg s3  }
0xa9: {  	[dreg:$0x3] =	wrdreg s5  }
0xaa: {  	[dreg:$0x4] =	wrdreg $0xC0  }
0xab: {  	_ =	task [dreg:s7], $0x5FFFF  }
0xac: {  	[dreg:$0x1] =	wrdreg $0xFFFFFFFF  }
0xad: {  	[dreg:$0x0] =	wrdreg $0x60  }
0xae: {  	[dreg:$0x2] =	wrdreg s2  }
0xaf: {  	[dreg:$0x3] =	wrdreg s24  }
0xb0: {  	[dreg:$0x4] =	wrdreg $0x110000  }
0xb1: {  	[dreg:$0x5] =	wrdreg $0x9  }
0xb2: {  	_ =	task.clear_ibuf [dreg:s7], $0x6FFFF;
	_ =	strace $0x9000004F  }
0xb3: {  	s29 =	simm.s32 $0x9;
	_ =	strace $0x80000051  }
0xb4: {  	_ =	swait.ge [sflag:s29], $0x1  }
0xb5: {  	[sflag:s29] =	ssyncadd.s32 $0xFFFFFFFF  }
0xb6: {  	_ =	strace $0x90000051  }
0xb7: {  	_ =	sfence  }
0xb8: {  	s30 =	sld [smem:$0x0];
	_ =	sdelay $0x2  }
0xb9: {  	s31 =	sshll.u32 s1, $0xD;
	s1 =	sshrl.u32 s1, $0x2  }
0xba: {  	s3 =	sand.u32 $0x4000, s31;
	s1 =	sadd.s32 s1, s30  }
0xbb: {  	s0 =	sor.u32 s3, s0;
	s1 =	sshll.u32 s1, $0x11  }
0xbc: {  	s0 =	sor.u32 s1, s0  }
0xbd: {  	s0 =	sadd.s32 $0x8F2B, s0  }
0xbe: {  	[sflag:s0] =	ssyncadd.remote.s32 $0x1  }
0xbf: {  	_ =	sfence.sel $0xFFFF  }
0xc0: {  	[dreg:$0x0] =	wrdreg $0xFFFFFFFF;
	(pc) =	sbr.abs _section_cstart, $3  }
0xc1: {  	[dreg:$0x1] =	wrdreg $0xFFFFFFFF  }
0xc2: {  	_ =	task.clear_ibuf [dreg:s7], $0x2FFFF;
	_ =	strace $0x9FFFFFFF  }
0xc3: {  	(tm) =	ssettm $0x7FFFFFFF  }
tec
execute0_lowered:
.L_overlay_start_1:
0x0: {  	(tag) =	ssettag $0x1  }
0x1: {  	s1 =	rddreg [dreg:$0x0]  }
0x2: {  	s6 =	rddreg [dreg:$0x1]  }
0x3: {  	s0 =	srdreg.scid;
	s3 =	rddreg [dreg:$0x2];
	s4 =	simm.s32 $0x0  }
0x4: {  	s15 =	simm.s32 $0x2800;
	s5 =	sand.u32 $0x1, s0;
	s0 =	stileid.u32  }
0x5: {  	s16 =	simm.s32 $0x1;
	s17 =	simm.s32 $0xF000;
	s8 =	smul.u32 $0x500, s0  }
0x6: {  	s18 =	simm.s32 $0x280;
	s19 =	simm.s32 $0x5000;
	s9 =	smul.u32 $0x1400, s0  }
0x7: {  	s22 =	simm.s32 $0x0;
	[smem:$0x7FF] =	sst s4;
	s10 =	smul.u32 $0x14000, s5  }
0x8: {  	s2 =	sshll.u32 s5, $0x4;
	s11 =	ssub.s32 $0x2, s5;
	s12 =	smul.u32 $0x28000, s0  }
0x9: {  	s5 =	sadd.s32 $0xC000, s6;
	s20 =	sshll.u32 s0, $0x6;
	s2 =	sor.u32 s0, s2  }
0xa: {  	s30 =	sshrl.u32 s11, $0x1;
	s20 =	sor.u32 $0x1C01, s20;
	s7 =	smul.u32 $0x500, s2  }
0xb: {  	s2 =	rddreg [dreg:$0x3];
	_ =	strace $0x80000050;
	s8 =	sadd.s32 s8, s6  }
0xc: {  	s9 =	sadd.s32 s9, s10;
	s14 =	ssub.s32 s11, s30;
	s31 =	sshrl.u32 s12, $0x2  }
0xd: {  	s13 =	sadd.s32 s9, s6;
	s14 =	smax.u32 s14, $0x1;
	s7 =	sadd.s32 s7, s6  }
0xe: {  	s6 =	sadd.s32 $0x2000, s8;
	s8 =	sadd.s32 s31, s3;
	s13 =	sadd.s32 $0xD4C00, s13  }
0xf: {  	s7 =	sadd.s32 $0xC400, s7;
	s9 =	sadd.s32 $0x2000, s8;
	s10 =	sadd.s32 $0x4000, s8  }
0x10: {  	s11 =	sadd.s32 $0x6000, s8;
	s12 =	sadd.s32 $0x8000, s8;
	s21 =	sshrl.u32 s8, $0x3  }
.LBB2_1:
0x11: {  	[tilespmem:s15], [sflag:$0x1] =	stream.linear.gather [hbm4b:s6+s4], $0x2800, $0x38;
	[tilespmem:$0x1B000] =	vst v63  }
0x12: {  	_ =	swait.ge [sflag:s16], $0x2800  }
0x13: {  	[sflag:s16] =	ssyncset.done $0x0  }
0x14: {  	[sflag:s16] =	ssyncadd.s32 $0xFFFFD800  }
0x15: {  	[tilespmem:s17], [sflag:$0x1] =	stream.linear.gather [hbm4b:s5+s4], $0x2000, $0x38;
	[tilespmem:$0x1B000] =	vst v63  }
0x16: {  	_ =	swait.ge [sflag:s16], $0x2000  }
0x17: {  	[sflag:s16] =	ssyncset.done $0x0  }
0x18: {  	[sflag:s16] =	ssyncadd.s32 $0xFFFFE000  }
0x19: {  	[tilespmem:s4], [sflag:$0x1] =	stream.linear.gather [hbm4b:s7+s4], $0x2800, $0x38;
	[tilespmem:$0x1B000] =	vst v63  }
0x1a: {  	_ =	swait.ge [sflag:s16], $0x2800  }
0x1b: {  	[sflag:s16] =	ssyncset.done $0x0  }
0x1c: {  	[sflag:s16] =	ssyncadd.s32 $0xFFFFD800  }
0x1d: {  	[spmem:s8] =	stream.linear.scatter [tilespmem:s17], [sflag:$0x1], $0x2000, $0x38;
	[tilespmem:$0x1B000] =	vst v63  }
0x1e: {  	_ =	swait.ge [sflag:s16], $0x2000  }
0x1f: {  	[sflag:s16] =	ssyncset.done $0x0  }
0x20: {  	[sflag:s16] =	ssyncadd.s32 $0xFFFFE000  }
0x21: {  	[spmem:s9] =	stream.linear.scatter [tilespmem:s17], [sflag:$0x1], $0x2000, $0x38;
	[tilespmem:$0x1B000] =	vst v63  }
0x22: {  	_ =	swait.ge [sflag:s16], $0x2000  }
0x23: {  	[sflag:s16] =	ssyncset.done $0x0  }
0x24: {  	[sflag:s16] =	ssyncadd.s32 $0xFFFFE000  }
0x25: {  	[spmem:s10] =	stream.linear.scatter [tilespmem:s17], [sflag:$0x1], $0x2000, $0x38;
	[tilespmem:$0x1B000] =	vst v63  }
0x26: {  	_ =	swait.ge [sflag:s16], $0x2000  }
0x27: {  	[sflag:s16] =	ssyncset.done $0x0  }
0x28: {  	[sflag:s16] =	ssyncadd.s32 $0xFFFFE000  }
0x29: {  	[spmem:s11] =	stream.linear.scatter [tilespmem:s17], [sflag:$0x1], $0x2000, $0x38;
	[tilespmem:$0x1B000] =	vst v63  }
0x2a: {  	_ =	swait.ge [sflag:s16], $0x2000  }
0x2b: {  	[sflag:s16] =	ssyncset.done $0x0  }
0x2c: {  	[sflag:s16] =	ssyncadd.s32 $0xFFFFE000  }
0x2d: {  	[spmem:s12] =	stream.linear.scatter [tilespmem:s17], [sflag:$0x1], $0x2000, $0x38;
	[tilespmem:$0x1B000] =	vst v63  }
0x2e: {  	_ =	swait.ge [sflag:s16], $0x2000  }
0x2f: {  	[sflag:s16] =	ssyncset.done $0x0  }
0x30: {  	[sflag:s16] =	ssyncadd.s32 $0xFFFFE000  }
0x31: {  	s23 =	simm.s32 $0x0;
	[bflag:$0x0] =	sbarrier.arrive $0xFFFF  }
0x32: {  	[tilespmem:s19], [sflag:$0x1] =	stream.indirect.gather [hbm4b:s1+s18], $0x40, s23, s18, $0xb8;
	[tilespmem:$0x1B000] =	vst v63  }
0x33: {  	_ =	swait.ge [sflag:s16], $0xA000  }
0x34: {  	[sflag:s16] =	ssyncset.done $0x0  }
0x35: {  	s31 =	simm.s32 $0x2800;
	[sflag:s16] =	ssyncadd.s32 $0xFFFF6000  }
0x36: {  	[spmem:s3] =	stream.indirect.scatter.add.f32 [tilespmem:s19], [sflag:$0x1], $0x40, s31, s18, $0xb8;
	[tilespmem:$0x1B000] =	vst v63  }
0x37: {  	_ =	swait.ge [sflag:s16], $0xA000  }
0x38: {  	s24 =	simm.s32 $0x1400;
	s23 =	simm.s32 $0xA00;
	[sflag:s16] =	ssyncset.done $0x0  }
.LBB2_2:
0x39: {  	s25 =	sshra.s32 s23, $0x2  }
0x3a: {  	[sflag:s16] =	ssyncadd.s32 $0xFFFF6000;
	s23 =	smov.u32 s24;
	s26 =	sadd.s32 $0xA00, s24  }
0x3b: {  	[tilespmem:s19], [sflag:$0x1] =	stream.indirect.gather [hbm4b:s1+s18], $0x40, s25, s18, $0xb8;
	[tilespmem:$0x1B000] =	vst v63  }
0x3c: {  	p0 =	sne.s32 s24, $0x9600;
	_ =	swait.ge [sflag:s16], $0xA000  }
.Ltmp0:
0x3d: {  	[sflag:s16] =	ssyncset.done $0x0;
	(pc) =	sbr.rel @p0 .LBB2_2-.Ltmp0, $4  }
0x3e: {  	s24 =	sadd.s32 $0x2800, s25;
	[sflag:s16] =	ssyncadd.s32 $0xFFFF6000  }
0x3f: {  	[spmem:s3] =	stream.indirect.scatter.add.f32 [tilespmem:s19], [sflag:$0x1], $0x40, s24, s18, $0xb8;
	[tilespmem:$0x1B000] =	vst v63  }
0x40: {  	_ =	swait.ge [sflag:s16], $0xA000  }
0x41: {  	s24 =	smov.u32 s26;
	[sflag:s16] =	ssyncset.done $0x0  }
0x42: {  	s23 =	sshra.s32 s23, $0x2;
	[sflag:s16] =	ssyncadd.s32 $0xFFFF6000  }
0x43: {  	[tilespmem:s19], [sflag:$0x1] =	stream.indirect.gather [hbm4b:s1+s18], $0x40, s23, s18, $0xb8;
	[tilespmem:$0x1B000] =	vst v63  }
0x44: {  	_ =	swait.ge [sflag:s16], $0xA000  }
0x45: {  	[sflag:s16] =	ssyncset.done $0x0  }
0x46: {  	s23 =	sadd.s32 $0x2800, s23;
	[sflag:s16] =	ssyncadd.s32 $0xFFFF6000  }
0x47: {  	[spmem:s3] =	stream.indirect.scatter.add.f32 [tilespmem:s19], [sflag:$0x1], $0x40, s23, s18, $0xb8;
	[tilespmem:$0x1B000] =	vst v63  }
0x48: {  	_ =	swait.ge [sflag:s16], $0xA000  }
0x49: {  	s22 =	sadd.s32 $0x1, s22;
	[sflag:s16] =	ssyncset.done $0x0  }
0x4a: {  	p0 =	sne.s32 s22, s14;
	[sflag:s16] =	ssyncadd.s32 $0xFFFF6000  }
.Ltmp1:
0x4b: {  	[bflag:$0x0] =	sbarrier.arrive $0xFFFF;
	(pc) =	sbr.rel @p0 .LBB2_1-.Ltmp1, $4  }
0x4c: {  	[hbm:s13], [sflag:s20] =	dma.local [spmem:s21], $0x1400  }
0x4d: {  	_ =	swait.ge [sflag:s16], $0x1400  }
0x4e: {  	[sflag:s16] =	ssyncset.done $0x0  }
0x4f: {  	[sflag:s16] =	ssyncadd.s32 $0xFFFFEC00  }
0x50: {  	_ =	sfence.sel $0x180000  }
0x51: {  	[bflag:$0x0] =	sbarrier.arrive $0xFFFF  }
0x52: {  	p0 =	sne.s32 s0, $0x0;
	_ =	strace $0x90000050  }
0x53: {  	s0 =	sadd.s32 @!p0 $0x100000, s2;
	[bflag:$0x2] =	sbarrier.arrive $0xFFFF  }
0x54: {  	[sflag:s0] =	ssyncadd.tile.s32 @!p0 $0x1;
	_ =	shalt  }
.Lfunc_end2:
_tile_overlayer_lowered:
.L_overlay_start_2:
0x55: {  	(tag) =	ssettag $0x2  }
0x56: {  	s0 =	rddreg [dreg:$0x0];
	s2 =	stileid.u32  }
0x57: {  	s1 =	rddreg [dreg:$0x1];
	p0 =	sne.s32 s2, $0x0  }
0x58: {  	s3 =	rddreg [dreg:$0x2];
	[bflag:$0x3] =	sbarrier.arrive $0xFFFF;
	s2 =	simm.s32 @!p0 $0x1C01  }
0x59: {  	[timem:s3], [sflag:s2] =	dma.local @!p0 [hbm:s0], s1  }
0x5a: {  	s0 =	simm.s32 @!p0 $0x1  }
0x5b: {  	_ =	swait.ge @!p0 [sflag:s0], s1  }
0x5c: {  	s1 =	ssub.s32 @!p0 $0x0, s1;
	[sflag:s0] =	ssyncset.done @!p0 $0x0  }
0x5d: {  	[sflag:s0] =	ssyncadd.s32 @!p0 s1  }
0x5e: {  	[bflag:$0x3] =	sbarrier.arrive $0xFFFF  }
0x5f: {  	_ =	shalt  }

</sc_bundles>
